<compile_context>
chip_gen: v7x
topology: tpu7x:2x2x1
jax: 0.10.2.dev20260603
libtpu: 0.0.44.dev20260713+nightly
codegen_flags: <defaults>
</compile_context>

<pallas_src>
import functools
import jax
import jax.numpy as jnp
from jax import lax
from jax.experimental import pallas as pl
from jax.experimental.pallas import tpu as pltpu
from jax.experimental.pallas import tpu_sc as plsc

_B, _N, _C, _D = 256, 64, 32, 128
_GT = 8
_B_SC = 128
_TREES_PER_SUBCORE = _B_SC // 32
_L = 16


def _bcast_lane(vec, j):
    dn = lax.GatherDimensionNumbers(offset_dims=(), collapsed_slice_dims=(0,),
                                    start_index_map=(0,))
    idx = jnp.full((_L, 1), j, jnp.int32)
    return lax.gather(vec, idx, dn, slice_sizes=(1,),
                      mode=lax.GatherScatterMode.PROMISE_IN_BOUNDS)


def _sc_body(parent_hbm, idx_hbm, hs_hbm, hw_hbm, tree_v, idx_v, hs_v, hw_v):
    n, c, d, l = _N, _C, _D, _L
    wid = lax.axis_index("s") * 2 + lax.axis_index("c")
    zero = jnp.zeros((l,), jnp.float32)
    lane = lax.iota(jnp.int32, l)
    views = [tree_v.at[pl.ds(k * l, (n - 1) * d + l)] for k in range(d // l)]

    def tree_loop(t, carry):
        b = wid * _TREES_PER_SUBCORE + t
        pltpu.sync_copy(parent_hbm.at[b], tree_v)
        pltpu.sync_copy(idx_hbm.at[b], idx_v)
        for k in range(d // l):
            tree_v[pl.ds(k * l, l)] = zero

        def node_loop(nn, carry2):
            base = nn * c
            halves = []
            for h in range(2):
                iv = idx_v[pl.ds(base + h * l, l)]
                halves.append(iv << 7)
            accs = [jnp.zeros((l,), jnp.float32) for _ in range(d // l)]
            accw = [jnp.zeros((l,), jnp.float32) for _ in range(d // l)]
            for h, siv in reversed(list(enumerate(halves))):
                for j in reversed(range(l)):
                    cpos = h * l + j
                    addr = _bcast_lane(siv, j) + lane
                    for k in range(d // l):
                        g = plsc.load_gather(views[k], [addr])
                        accs[k] = accs[k] + g
                        if cpos != 0:
                            accw[k] = accw[k] + accs[k]
            for k in range(d // l):
                hs_v[pl.ds(nn * d + k * l, l)] = accs[k]
                hw_v[pl.ds(nn * d + k * l, l)] = accw[k]
            return carry2

        lax.fori_loop(0, n, node_loop, 0)
        pltpu.sync_copy(hs_v, hs_hbm.at[b])
        pltpu.sync_copy(hw_v, hw_hbm.at[b])
        return carry

    lax.fori_loop(0, _TREES_PER_SUBCORE, tree_loop, 0)


def _sc_gather(parent2d, idx2d):
    b, nd = parent2d.shape
    mesh = plsc.VectorSubcoreMesh(core_axis_name="c", subcore_axis_name="s")
    f = functools.partial(
        pl.kernel,
        out_type=(
            jax.ShapeDtypeStruct((b, nd), jnp.float32),
            jax.ShapeDtypeStruct((b, nd), jnp.float32),
        ),
        mesh=mesh,
        compiler_params=pltpu.CompilerParams(needs_layout_passes=False),
        scratch_types=[
            pltpu.VMEM((nd,), jnp.float32),
            pltpu.VMEM((_N * _C,), jnp.int32),
            pltpu.VMEM((nd,), jnp.float32),
            pltpu.VMEM((nd,), jnp.float32),
        ],
    )(_sc_body)
    return f(parent2d, idx2d)


def _tc_full_body(parent_ref, idxt_ref, wt_ref, wl_ref, wr_ref,
                  bias_ref, gamma_ref, beta_ref, out_ref):
    gt, n, d, c = _GT, _N, _D, _C
    rows = gt * n

    idxt = idxt_ref[...]
    mask = (idxt != 0).astype(jnp.float32)
    ns = jnp.sum(mask, axis=0, keepdims=True)
    c_iota_i = jax.lax.broadcasted_iota(jnp.int32, (c, rows), 0)
    c_iota = c_iota_i.astype(jnp.float32)
    safe = jnp.where(ns == 1.0, 1.0, ns - 1.0)
    er_gen = c_iota * mask / safe
    er_single = jnp.where(c_iota_i == 0, 0.5, 0.0)
    er = jnp.where(ns == 1.0, er_single, er_gen)
    cl = mask * (1.0 - er)
    cr = mask * er

    m_iota = jax.lax.broadcasted_iota(jnp.int32, (n, rows), 0)
    st_l = jnp.zeros((n, rows), jnp.float32)
    st_r = jnp.zeros((n, rows), jnp.float32)
    for j in range(c):
        eq = (m_iota == idxt[j:j + 1, :]).astype(jnp.float32)
        st_l = st_l + cl[j:j + 1, :] * eq
        st_r = st_r + cr[j:j + 1, :] * eq

    parent = parent_ref[...]
    dn_t = (((0,), (0,)), ((), ()))
    hl_parts = []
    hr_parts = []
    for g in range(gt):
        p_g = parent[g]
        sl_g = st_l[:, g * n:(g + 1) * n]
        sr_g = st_r[:, g * n:(g + 1) * n]
        hl_parts.append(lax.dot_general(sl_g, p_g, dn_t,
                                        preferred_element_type=jnp.float32))
        hr_parts.append(lax.dot_general(sr_g, p_g, dn_t,
                                        preferred_element_type=jnp.float32))
    h_l = jnp.concatenate(hl_parts, axis=0)
    h_r = jnp.concatenate(hr_parts, axis=0)

    p_flat = parent.reshape(rows, d)
    x = (jnp.dot(p_flat, wt_ref[...], preferred_element_type=jnp.float32)
         + jnp.dot(h_l, wl_ref[...], preferred_element_type=jnp.float32)
         + jnp.dot(h_r, wr_ref[...], preferred_element_type=jnp.float32)
         + bias_ref[...] + p_flat)

    mu = jnp.mean(x, axis=1, keepdims=True)
    var = jnp.mean(x * x, axis=1, keepdims=True) - mu * mu
    y = (x - mu) * jax.lax.rsqrt(var + 1e-5) * gamma_ref[...] + beta_ref[...]
    y = jnp.maximum(y, 0.0)
    out_ref[...] = jnp.max(y.reshape(gt, n, d), axis=1)


def _tc_full(parent3d, idx_t, w_t, w_l, w_r, bias2, gamma2, beta2):
    b, n, d, c, gt = parent3d.shape[0], _N, _D, _C, _GT
    grid = (b // gt,)
    return pl.pallas_call(
        _tc_full_body,
        grid=grid,
        in_specs=[
            pl.BlockSpec((gt, n, d), lambda i: (i, 0, 0)),
            pl.BlockSpec((c, gt * n), lambda i: (0, i)),
            pl.BlockSpec((d, d), lambda i: (0, 0)),
            pl.BlockSpec((d, d), lambda i: (0, 0)),
            pl.BlockSpec((d, d), lambda i: (0, 0)),
            pl.BlockSpec((1, d), lambda i: (0, 0)),
            pl.BlockSpec((1, d), lambda i: (0, 0)),
            pl.BlockSpec((1, d), lambda i: (0, 0)),
        ],
        out_specs=pl.BlockSpec((gt, d), lambda i: (i, 0)),
        out_shape=jax.ShapeDtypeStruct((b, d), jnp.float32),
    )(parent3d, idx_t, w_t, w_l, w_r, bias2, gamma2, beta2)


def _dense_body(p_ref, hs_ref, hw_ref, idx_ref, wt_ref, wl_ref, wr_ref,
                bias_ref, gamma_ref, beta_ref, out_ref):
    gt, n, d = _GT, _N, _D
    p = p_ref[...]
    hs = hs_ref[...]
    hw = hw_ref[...]

    idx = idx_ref[...]
    mask = (idx != 0).astype(jnp.float32)
    ns = jnp.sum(mask, axis=1, keepdims=True)
    ns1 = ns == 1.0
    m0 = mask[:, 0:1]
    rinv = 1.0 / jnp.where(ns1, 2.0, ns - 1.0)
    ca = jnp.where(ns1, 0.5 * m0, 0.0)
    cb = jnp.where(ns1, 0.0, rinv)
    h_r = ca * hs + cb * hw

    w_rl = wr_ref[...] - wl_ref[...]
    x = (jnp.dot(p, wt_ref[...], preferred_element_type=jnp.float32)
         + jnp.dot(hs, wl_ref[...], preferred_element_type=jnp.float32)
         + jnp.dot(h_r, w_rl, preferred_element_type=jnp.float32)
         + bias_ref[...] + p)

    mu = jnp.mean(x, axis=1, keepdims=True)
    var = jnp.mean(x * x, axis=1, keepdims=True) - mu * mu
    y = (x - mu) * jax.lax.rsqrt(var + 1e-5) * gamma_ref[...] + beta_ref[...]
    y = jnp.maximum(y, 0.0)
    out_ref[...] = jnp.max(y.reshape(gt, n, d), axis=1)


def _dense(p_flat, hs_flat, hw_flat, idx_flat, w_t, w_l, w_r, bias2, gamma2,
           beta2):
    n, d, c, gt = _N, _D, _C, _GT
    b = p_flat.shape[0] // n
    rows = gt * n
    grid = (b // gt,)
    row_spec = pl.BlockSpec((rows, d), lambda i: (i, 0))
    idx_spec = pl.BlockSpec((rows, c), lambda i: (i, 0))
    w_spec = pl.BlockSpec((d, d), lambda i: (0, 0))
    v_spec = pl.BlockSpec((1, d), lambda i: (0, 0))
    return pl.pallas_call(
        _dense_body,
        grid=grid,
        in_specs=[row_spec, row_spec, row_spec, idx_spec, w_spec, w_spec,
                  w_spec, v_spec, v_spec, v_spec],
        out_specs=pl.BlockSpec((gt, d), lambda i: (i, 0)),
        out_shape=jax.ShapeDtypeStruct((b, d), jnp.float32),
    )(p_flat, hs_flat, hw_flat, idx_flat, w_t, w_l, w_r, bias2, gamma2, beta2)


def kernel(parent_node_embedding, children_index, batch_tree_mask, w_t, w_l,
           w_r, bias, ln_gamma, ln_beta):
    del batch_tree_mask
    b, n, d, c, bsc = _B, _N, _D, _C, _B_SC
    bias2 = bias.reshape(1, d)
    gamma2 = ln_gamma.reshape(1, d)
    beta2 = ln_beta.reshape(1, d)

    p_lo = parent_node_embedding[:bsc]
    i_lo = children_index[:bsc]
    p_hi = parent_node_embedding[bsc:]
    i_hi = children_index[bsc:]

    hs2d, hw2d = _sc_gather(p_lo.reshape(bsc, n * d),
                            i_lo.reshape(bsc, n * c))

    out_hi = _tc_full(p_hi, i_hi.reshape((b - bsc) * n, c).T,
                      w_t, w_l, w_r, bias2, gamma2, beta2)

    out_lo = _dense(p_lo.reshape(bsc * n, d),
                    hs2d.reshape(bsc * n, d),
                    hw2d.reshape(bsc * n, d),
                    i_lo.reshape(bsc * n, c),
                    w_t, w_l, w_r, bias2, gamma2, beta2)

    return jnp.concatenate([out_lo, out_hi], axis=0)

# --- scband reference (transcript-rebuilt; emitter-appended) ---
"""Pipeline reference for scband-tbcnnffdlayer-39367670235354 (READ-ONLY COPY).

The authoritative reference and input builder live on the scoring server;
editing this copy changes nothing except your own understanding.
"""

import jax, jax.numpy as jnp
import numpy as np

B, N, C, D = 256, 64, 32, 128


def _eta_t(children):
    b, n, c = children.shape
    row = jnp.concatenate([jnp.ones((n, 1), jnp.float32), jnp.zeros((n, c), jnp.float32)], axis=1)
    return jnp.tile(row[None], (b, 1, 1))


def _eta_r(children, eta_t):
    b, n, c = children.shape
    num_siblings = jnp.tile(jnp.count_nonzero(children, axis=2)[..., None], (1, 1, c + 1)).astype(jnp.float32)
    mask = jnp.concatenate([jnp.zeros((b, n, 1), jnp.float32), jnp.minimum(children, 1).astype(jnp.float32)], axis=2)
    child_indices = jnp.tile(jnp.arange(-1, c, dtype=jnp.float32)[None, None, :], (b, n, 1)) * mask
    singles = jnp.concatenate([jnp.zeros((b, n, 1), jnp.float32), jnp.full((b, n, 1), 0.5, jnp.float32), jnp.zeros((b, n, c - 1), jnp.float32)], axis=2)
    denom = num_siblings - 1.0
    safe = jnp.where(denom == 0.0, 1.0, denom)
    return jnp.where(num_siblings == 1.0, singles, (1.0 - eta_t) * child_indices / safe)


def _eta_l(children, eta_t, eta_r):
    b, n, c = children.shape
    mask = jnp.concatenate([jnp.zeros((b, n, 1), jnp.float32), jnp.minimum(children, 1).astype(jnp.float32)], axis=2)
    return mask * (1.0 - eta_t) * (1.0 - eta_r)


def _forward(parent, children, w_t, w_l, w_r, bias, ln_gamma, ln_beta):
    b = parent.shape[0]
    d = parent.shape[2]
    # children embedding lookup: index 0 maps to a zero vector
    lookup = jnp.concatenate([jnp.zeros((b, 1, d), parent.dtype), parent[:, 1:]], axis=1)
    children_emb = jax.vmap(lambda t, idx: t[idx])(lookup, children)  # [B,N,C,D]
    tree = jnp.concatenate([parent[:, :, None, :], children_emb], axis=2)  # [B,N,C+1,D]
    et = _eta_t(children)
    er = _eta_r(children, et)
    el = _eta_l(children, et, er)
    eta = jnp.stack([et, el, er], axis=-1)  # [B,N,C+1,3]
    weights = jnp.stack([w_t, w_l, w_r], axis=0)  # [3,D,O]
    res = jnp.matmul(jnp.transpose(tree, (0, 1, 3, 2)), eta)  # [B,N,D,3]
    res = jnp.tensordot(res, weights, axes=([3, 2], [0, 1])) + bias  # [B,N,O]
    x = res + parent  # residual (in_dim == out_dim)
    mu = jnp.mean(x, axis=-1, keepdims=True)
    var = jnp.var(x, axis=-1, keepdims=True)
    x = (x - mu) / jnp.sqrt(var + 1e-5) * ln_gamma + ln_beta
    x = jax.nn.relu(x)
    # dropout rate 0.0 -> identity; aggr = max-pooling
    return jnp.max(x, axis=1)


def setup_inputs(seed: int = 0):
    key = jax.random.key(seed)
    ks = jax.random.split(key, 5)
    scale = float(np.sqrt(2.0 / (D + D)))  # xavier normal
    return {
        "parent_node_embedding": jax.random.normal(ks[0], (B, N, D), jnp.float32),
        "children_index": jax.random.randint(ks[1], (B, N, C), 0, N, dtype=jnp.int32),
        "batch_tree_mask": jnp.zeros((B, N), jnp.float32),
        "w_t": jax.random.normal(ks[2], (D, D), jnp.float32) * scale,
        "w_l": jax.random.normal(ks[3], (D, D), jnp.float32) * scale,
        "w_r": jax.random.normal(ks[4], (D, D), jnp.float32) * scale,
        "bias": jnp.zeros((D,), jnp.float32),
        "ln_gamma": jnp.ones((D,), jnp.float32),
        "ln_beta": jnp.zeros((D,), jnp.float32),
    }


def reference(parent_node_embedding, children_index, batch_tree_mask, w_t, w_l, w_r, bias, ln_gamma, ln_beta):
    # batch_tree_mask unused for max-pooling aggregation
    return _forward(parent_node_embedding, children_index, w_t, w_l, w_r, bias, ln_gamma, ln_beta)

if __name__ == "__main__":
    import jax
    _d = setup_inputs()
    print(jax.jit(kernel)(*tuple(_d.values())))

</pallas_src>

<mosaic_0001>
#map = affine_map<(d0, d1) -> (0, 0)>
module attributes {stable_mosaic.version = 14 : i64} {
  func.func @_sc_body(%arg0: i32, %arg1: i32, %arg2: memref<128x8192xf32, #tpu.memory_space<hbm>>, %arg3: memref<128x2048xi32, #tpu.memory_space<hbm>>, %arg4: memref<128x8192xf32, #tpu.memory_space<hbm>>, %arg5: memref<128x8192xf32, #tpu.memory_space<hbm>>, %arg6: memref<8192xf32, #tpu.memory_space<vmem>>, %arg7: memref<2048xi32, #tpu.memory_space<vmem>>, %arg8: memref<8192xf32, #tpu.memory_space<vmem>>, %arg9: memref<8192xf32, #tpu.memory_space<vmem>>) attributes {dimension_semantics = [#tpu.dimension_semantics<core_parallel>, #tpu.dimension_semantics<subcore_parallel>], iteration_bounds = array<i64: 2, 16>, scalar_prefetch = 0 : i64, scratch_operands = 4 : i64, tpu.core_type = #tpu.core_type<sc_vector_subcore>, window_params = [{transform_indices = #map}, {transform_indices = #map}, {transform_indices = #map}, {transform_indices = #map}]} {
    %mul3A = arith.constant 2 : i32
    %mul3A_0 = arith.muli %arg1, %mul3A : i32
    %add3A = arith.addi %mul3A_0, %arg0 : i32
    %broadcast_in_dim3A = arith.constant 0.000000e+00 : f32
    %broadcast_in_dim3A_1 = vector.broadcast %broadcast_in_dim3A : f32 to vector<16xf32>
    %iota3A = tpu.iota {dimensions = array<i32: 0>} : vector<16xi32>
    %scan3A = arith.constant 0 : i32
    %scan3A_2 = arith.constant 0 : i32
    %scan3A_3 = arith.constant 4 : i32
    %scan3A_4 = arith.addi %scan3A_2, %scan3A_3 : i32
    %scan3A_5 = arith.constant 1 : i32
    scf.for %scan3A_7 = %scan3A_2 to %scan3A_4 step %scan3A_5  : i32 {
      %mul3A_8 = arith.constant 4 : i32
      %mul3A_9 = arith.muli %add3A, %mul3A_8 : i32
      %add3A_10 = arith.addi %mul3A_9, %scan3A_7 : i32
      "tpu.region"() ({
        %run_scoped3A = tpu.sem_alloc : memref<!tpu.dma_semaphore, #tpu.memory_space<semaphore_mem>>
        %dma_start3A = arith.constant 0 : i32
        %dma_start3A_32 = tpu.memref_slice %arg2[%add3A_10, %dma_start3A] : memref<128x8192xf32, #tpu.memory_space<hbm>> -> memref<1x8192xf32, #tpu.memory_space<hbm>>
        %dma_start3A_33 = tpu.memref_squeeze %dma_start3A_32 : memref<1x8192xf32, #tpu.memory_space<hbm>> -> memref<8192xf32, #tpu.memory_space<hbm>>
        %dma_start3A_34 = arith.constant 0 : i32
        %dma_start3A_35 = tpu.memref_slice %arg2[%add3A_10, %dma_start3A_34] : memref<128x8192xf32, #tpu.memory_space<hbm>> -> memref<1x8192xf32, #tpu.memory_space<hbm>>
        %dma_start3A_36 = tpu.memref_squeeze %dma_start3A_35 : memref<1x8192xf32, #tpu.memory_space<hbm>> -> memref<8192xf32, #tpu.memory_space<hbm>>
        tpu.enqueue_dma source(%dma_start3A_36 : memref<8192xf32, #tpu.memory_space<hbm>>) target(%arg6 : memref<8192xf32, #tpu.memory_space<vmem>>) target_semaphore(%run_scoped3A : memref<!tpu.dma_semaphore, #tpu.memory_space<semaphore_mem>>)
        %dma_wait3A = arith.constant 0 : i32
        %dma_wait3A_37 = tpu.memref_slice %arg2[%add3A_10, %dma_wait3A] : memref<128x8192xf32, #tpu.memory_space<hbm>> -> memref<1x8192xf32, #tpu.memory_space<hbm>>
        %dma_wait3A_38 = tpu.memref_squeeze %dma_wait3A_37 : memref<1x8192xf32, #tpu.memory_space<hbm>> -> memref<8192xf32, #tpu.memory_space<hbm>>
        %dma_wait3A_39 = arith.constant 0 : i32
        %dma_wait3A_40 = tpu.memref_slice %arg2[%add3A_10, %dma_wait3A_39] : memref<128x8192xf32, #tpu.memory_space<hbm>> -> memref<1x8192xf32, #tpu.memory_space<hbm>>
        %dma_wait3A_41 = tpu.memref_squeeze %dma_wait3A_40 : memref<1x8192xf32, #tpu.memory_space<hbm>> -> memref<8192xf32, #tpu.memory_space<hbm>>
        tpu.wait_dma2 semaphore(%run_scoped3A : memref<!tpu.dma_semaphore, #tpu.memory_space<semaphore_mem>>) src(%dma_wait3A_41 : memref<8192xf32, #tpu.memory_space<hbm>>) dst(%arg6 : memref<8192xf32, #tpu.memory_space<vmem>>)
        tpu.yield
      }) : () -> ()
      "tpu.region"() ({
        %run_scoped3A = tpu.sem_alloc : memref<!tpu.dma_semaphore, #tpu.memory_space<semaphore_mem>>
        %dma_start3A = arith.constant 0 : i32
        %dma_start3A_32 = tpu.memref_slice %arg3[%add3A_10, %dma_start3A] : memref<128x2048xi32, #tpu.memory_space<hbm>> -> memref<1x2048xi32, #tpu.memory_space<hbm>>
        %dma_start3A_33 = tpu.memref_squeeze %dma_start3A_32 : memref<1x2048xi32, #tpu.memory_space<hbm>> -> memref<2048xi32, #tpu.memory_space<hbm>>
        %dma_start3A_34 = arith.constant 0 : i32
        %dma_start3A_35 = tpu.memref_slice %arg3[%add3A_10, %dma_start3A_34] : memref<128x2048xi32, #tpu.memory_space<hbm>> -> memref<1x2048xi32, #tpu.memory_space<hbm>>
        %dma_start3A_36 = tpu.memref_squeeze %dma_start3A_35 : memref<1x2048xi32, #tpu.memory_space<hbm>> -> memref<2048xi32, #tpu.memory_space<hbm>>
        tpu.enqueue_dma source(%dma_start3A_36 : memref<2048xi32, #tpu.memory_space<hbm>>) target(%arg7 : memref<2048xi32, #tpu.memory_space<vmem>>) target_semaphore(%run_scoped3A : memref<!tpu.dma_semaphore, #tpu.memory_space<semaphore_mem>>)
        %dma_wait3A = arith.constant 0 : i32
        %dma_wait3A_37 = tpu.memref_slice %arg3[%add3A_10, %dma_wait3A] : memref<128x2048xi32, #tpu.memory_space<hbm>> -> memref<1x2048xi32, #tpu.memory_space<hbm>>
        %dma_wait3A_38 = tpu.memref_squeeze %dma_wait3A_37 : memref<1x2048xi32, #tpu.memory_space<hbm>> -> memref<2048xi32, #tpu.memory_space<hbm>>
        %dma_wait3A_39 = arith.constant 0 : i32
        %dma_wait3A_40 = tpu.memref_slice %arg3[%add3A_10, %dma_wait3A_39] : memref<128x2048xi32, #tpu.memory_space<hbm>> -> memref<1x2048xi32, #tpu.memory_space<hbm>>
        %dma_wait3A_41 = tpu.memref_squeeze %dma_wait3A_40 : memref<1x2048xi32, #tpu.memory_space<hbm>> -> memref<2048xi32, #tpu.memory_space<hbm>>
        tpu.wait_dma2 semaphore(%run_scoped3A : memref<!tpu.dma_semaphore, #tpu.memory_space<semaphore_mem>>) src(%dma_wait3A_41 : memref<2048xi32, #tpu.memory_space<hbm>>) dst(%arg7 : memref<2048xi32, #tpu.memory_space<vmem>>)
        tpu.yield
      }) : () -> ()
      %swap3A = arith.constant 0 : index
      %swap3A_11 = tpu.vector_load %arg6[%swap3A] {strides = array<i32>} : memref<8192xf32, #tpu.memory_space<vmem>>, vector<16xf32>,
      tpu.vector_store %arg6[%swap3A], %broadcast_in_dim3A_1 {strides = array<i32>} : memref<8192xf32, #tpu.memory_space<vmem>>, vector<16xf32>,
      %swap3A_12 = arith.constant 16 : index
      %swap3A_13 = tpu.vector_load %arg6[%swap3A_12] {strides = array<i32>} : memref<8192xf32, #tpu.memory_space<vmem>>, vector<16xf32>,
      tpu.vector_store %arg6[%swap3A_12], %broadcast_in_dim3A_1 {strides = array<i32>} : memref<8192xf32, #tpu.memory_space<vmem>>, vector<16xf32>,
      %swap3A_14 = arith.constant 32 : index
      %swap3A_15 = tpu.vector_load %arg6[%swap3A_14] {strides = array<i32>} : memref<8192xf32, #tpu.memory_space<vmem>>, vector<16xf32>,
      tpu.vector_store %arg6[%swap3A_14], %broadcast_in_dim3A_1 {strides = array<i32>} : memref<8192xf32, #tpu.memory_space<vmem>>, vector<16xf32>,
      %swap3A_16 = arith.constant 48 : index
      %swap3A_17 = tpu.vector_load %arg6[%swap3A_16] {strides = array<i32>} : memref<8192xf32, #tpu.memory_space<vmem>>, vector<16xf32>,
      tpu.vector_store %arg6[%swap3A_16], %broadcast_in_dim3A_1 {strides = array<i32>} : memref<8192xf32, #tpu.memory_space<vmem>>, vector<16xf32>,
      %swap3A_18 = arith.constant 64 : index
      %swap3A_19 = tpu.vector_load %arg6[%swap3A_18] {strides = array<i32>} : memref<8192xf32, #tpu.memory_space<vmem>>, vector<16xf32>,
      tpu.vector_store %arg6[%swap3A_18], %broadcast_in_dim3A_1 {strides = array<i32>} : memref<8192xf32, #tpu.memory_space<vmem>>, vector<16xf32>,
      %swap3A_20 = arith.constant 80 : index
      %swap3A_21 = tpu.vector_load %arg6[%swap3A_20] {strides = array<i32>} : memref<8192xf32, #tpu.memory_space<vmem>>, vector<16xf32>,
      tpu.vector_store %arg6[%swap3A_20], %broadcast_in_dim3A_1 {strides = array<i32>} : memref<8192xf32, #tpu.memory_space<vmem>>, vector<16xf32>,
      %swap3A_22 = arith.constant 96 : index
      %swap3A_23 = tpu.vector_load %arg6[%swap3A_22] {strides = array<i32>} : memref<8192xf32, #tpu.memory_space<vmem>>, vector<16xf32>,
      tpu.vector_store %arg6[%swap3A_22], %broadcast_in_dim3A_1 {strides = array<i32>} : memref<8192xf32, #tpu.memory_space<vmem>>, vector<16xf32>,
      %swap3A_24 = arith.constant 112 : index
      %swap3A_25 = tpu.vector_load %arg6[%swap3A_24] {strides = array<i32>} : memref<8192xf32, #tpu.memory_space<vmem>>, vector<16xf32>,
      tpu.vector_store %arg6[%swap3A_24], %broadcast_in_dim3A_1 {strides = array<i32>} : memref<8192xf32, #tpu.memory_space<vmem>>, vector<16xf32>,
      %scan3A_26 = arith.constant 0 : i32
      %scan3A_27 = arith.constant 0 : i32
      %scan3A_28 = arith.constant 64 : i32
      %scan3A_29 = arith.addi %scan3A_27, %scan3A_28 : i32
      %scan3A_30 = arith.constant 1 : i32
      scf.for %scan3A_32 = %scan3A_27 to %scan3A_29 step %scan3A_30  : i32 {
        %mul3A_33 = arith.constant 32 : i32
        %mul3A_34 = arith.muli %scan3A_32, %mul3A_33 : i32
        %add3A_35 = arith.constant 0 : i32
        %add3A_36 = arith.addi %mul3A_34, %add3A_35 : i32
        %get3A = arith.index_cast %add3A_36 : i32 to index
        %get3A_37 = tpu.vector_load %arg7[%get3A] {strides = array<i32>} : memref<2048xi32, #tpu.memory_space<vmem>>, vector<16xi32>,
        %shift_left3A = arith.constant 7 : i32
        %shift_left3A_38 = vector.broadcast %shift_left3A : i32 to vector<16xi32>
        %shift_left3A_39 = arith.shli %get3A_37, %shift_left3A_38 : vector<16xi32>
        %add3A_40 = arith.constant 16 : i32
        %add3A_41 = arith.addi %mul3A_34, %add3A_40 : i32
        %get3A_42 = arith.index_cast %add3A_41 : i32 to index
        %get3A_43 = tpu.vector_load %arg7[%get3A_42] {strides = array<i32>} : memref<2048xi32, #tpu.memory_space<vmem>>, vector<16xi32>,
        %shift_left3A_44 = arith.constant 7 : i32
        %shift_left3A_45 = vector.broadcast %shift_left3A_44 : i32 to vector<16xi32>
        %shift_left3A_46 = arith.shli %get3A_43, %shift_left3A_45 : vector<16xi32>
        %broadcast_in_dim3A_47 = arith.constant 0.000000e+00 : f32
        %broadcast_in_dim3A_48 = vector.broadcast %broadcast_in_dim3A_47 : f32 to vector<16xf32>
        %broadcast_in_dim3A_49 = arith.constant 0.000000e+00 : f32
        %broadcast_in_dim3A_50 = vector.broadcast %broadcast_in_dim3A_49 : f32 to vector<16xf32>
        %broadcast_in_dim3A_51 = arith.constant 0.000000e+00 : f32
        %broadcast_in_dim3A_52 = vector.broadcast %broadcast_in_dim3A_51 : f32 to vector<16xf32>
        %broadcast_in_dim3A_53 = arith.constant 0.000000e+00 : f32
        %broadcast_in_dim3A_54 = vector.broadcast %broadcast_in_dim3A_53 : f32 to vector<16xf32>
        %broadcast_in_dim3A_55 = arith.constant 0.000000e+00 : f32
        %broadcast_in_dim3A_56 = vector.broadcast %broadcast_in_dim3A_55 : f32 to vector<16xf32>
        %broadcast_in_dim3A_57 = arith.constant 0.000000e+00 : f32
        %broadcast_in_dim3A_58 = vector.broadcast %broadcast_in_dim3A_57 : f32 to vector<16xf32>
        %broadcast_in_dim3A_59 = arith.constant 0.000000e+00 : f32
        %broadcast_in_dim3A_60 = vector.broadcast %broadcast_in_dim3A_59 : f32 to vector<16xf32>
        %broadcast_in_dim3A_61 = arith.constant 0.000000e+00 : f32
        %broadcast_in_dim3A_62 = vector.broadcast %broadcast_in_dim3A_61 : f32 to vector<16xf32>
        %broadcast_in_dim3A_63 = arith.constant 0.000000e+00 : f32
        %broadcast_in_dim3A_64 = vector.broadcast %broadcast_in_dim3A_63 : f32 to vector<16xf32>
        %broadcast_in_dim3A_65 = arith.constant 0.000000e+00 : f32
        %broadcast_in_dim3A_66 = vector.broadcast %broadcast_in_dim3A_65 : f32 to vector<16xf32>
        %broadcast_in_dim3A_67 = arith.constant 0.000000e+00 : f32
        %broadcast_in_dim3A_68 = vector.broadcast %broadcast_in_dim3A_67 : f32 to vector<16xf32>
        %broadcast_in_dim3A_69 = arith.constant 0.000000e+00 : f32
        %broadcast_in_dim3A_70 = vector.broadcast %broadcast_in_dim3A_69 : f32 to vector<16xf32>
        %broadcast_in_dim3A_71 = arith.constant 0.000000e+00 : f32
        %broadcast_in_dim3A_72 = vector.broadcast %broadcast_in_dim3A_71 : f32 to vector<16xf32>
        %broadcast_in_dim3A_73 = arith.constant 0.000000e+00 : f32
        %broadcast_in_dim3A_74 = vector.broadcast %broadcast_in_dim3A_73 : f32 to vector<16xf32>
        %broadcast_in_dim3A_75 = arith.constant 0.000000e+00 : f32
        %broadcast_in_dim3A_76 = vector.broadcast %broadcast_in_dim3A_75 : f32 to vector<16xf32>
        %broadcast_in_dim3A_77 = arith.constant 0.000000e+00 : f32
        %broadcast_in_dim3A_78 = vector.broadcast %broadcast_in_dim3A_77 : f32 to vector<16xf32>
        %broadcast_in_dim3A_79 = arith.constant 15 : i32
        %broadcast_in_dim3A_80 = vector.broadcast %broadcast_in_dim3A_79 : i32 to vector<16x1xi32>
        %gather3A = vector.shape_cast %broadcast_in_dim3A_80 : vector<16x1xi32> to vector<16xi32>
        %gather3A_81 = tpu.dynamic_gather %shift_left3A_46[%gather3A] in [0] : vector<16xi32>, vector<16xi32> -> vector<16xi32>
        %add3A_82 = arith.addi %gather3A_81, %iota3A : vector<16xi32>
        %gather3A_83 = arith.constant 0 : i32
        %gather3A_84 = tpu.memref_slice %arg6[%gather3A_83] : memref<8192xf32, #tpu.memory_space<vmem>> -> memref<8080xf32, #tpu.memory_space<vmem>>
        %gather3A_85 = tpu.vector_load_idx %gather3A_84[%add3A_82] : memref<8080xf32, #tpu.memory_space<vmem>>[vector<16xi32>], vector<16xf32>,
        %add3A_86 = arith.addf %broadcast_in_dim3A_48, %gather3A_85 : vector<16xf32>
        %add3A_87 = arith.addf %broadcast_in_dim3A_64, %add3A_86 : vector<16xf32>
        %gather3A_88 = arith.constant 16 : i32
        %gather3A_89 = tpu.memref_slice %arg6[%gather3A_88] : memref<8192xf32, #tpu.memory_space<vmem>> -> memref<8080xf32, #tpu.memory_space<vmem>>
        %gather3A_90 = tpu.vector_load_idx %gather3A_89[%add3A_82] : memref<8080xf32, #tpu.memory_space<vmem>>[vector<16xi32>], vector<16xf32>,
        %add3A_91 = arith.addf %broadcast_in_dim3A_50, %gather3A_90 : vector<16xf32>
        %add3A_92 = arith.addf %broadcast_in_dim3A_66, %add3A_91 : vector<16xf32>
        %gather3A_93 = arith.constant 32 : i32
        %gather3A_94 = tpu.memref_slice %arg6[%gather3A_93] : memref<8192xf32, #tpu.memory_space<vmem>> -> memref<8080xf32, #tpu.memory_space<vmem>>
        %gather3A_95 = tpu.vector_load_idx %gather3A_94[%add3A_82] : memref<8080xf32, #tpu.memory_space<vmem>>[vector<16xi32>], vector<16xf32>,
        %add3A_96 = arith.addf %broadcast_in_dim3A_52, %gather3A_95 : vector<16xf32>
        %add3A_97 = arith.addf %broadcast_in_dim3A_68, %add3A_96 : vector<16xf32>
        %gather3A_98 = arith.constant 48 : i32
        %gather3A_99 = tpu.memref_slice %arg6[%gather3A_98] : memref<8192xf32, #tpu.memory_space<vmem>> -> memref<8080xf32, #tpu.memory_space<vmem>>
        %gather3A_100 = tpu.vector_load_idx %gather3A_99[%add3A_82] : memref<8080xf32, #tpu.memory_space<vmem>>[vector<16xi32>], vector<16xf32>,
        %add3A_101 = arith.addf %broadcast_in_dim3A_54, %gather3A_100 : vector<16xf32>
        %add3A_102 = arith.addf %broadcast_in_dim3A_70, %add3A_101 : vector<16xf32>
        %gather3A_103 = arith.constant 64 : i32
        %gather3A_104 = tpu.memref_slice %arg6[%gather3A_103] : memref<8192xf32, #tpu.memory_space<vmem>> -> memref<8080xf32, #tpu.memory_space<vmem>>
        %gather3A_105 = tpu.vector_load_idx %gather3A_104[%add3A_82] : memref<8080xf32, #tpu.memory_space<vmem>>[vector<16xi32>], vector<16xf32>,
        %add3A_106 = arith.addf %broadcast_in_dim3A_56, %gather3A_105 : vector<16xf32>
        %add3A_107 = arith.addf %broadcast_in_dim3A_72, %add3A_106 : vector<16xf32>
        %gather3A_108 = arith.constant 80 : i32
        %gather3A_109 = tpu.memref_slice %arg6[%gather3A_108] : memref<8192xf32, #tpu.memory_space<vmem>> -> memref<8080xf32, #tpu.memory_space<vmem>>
        %gather3A_110 = tpu.vector_load_idx %gather3A_109[%add3A_82] : memref<8080xf32, #tpu.memory_space<vmem>>[vector<16xi32>], vector<16xf32>,
        %add3A_111 = arith.addf %broadcast_in_dim3A_58, %gather3A_110 : vector<16xf32>
        %add3A_112 = arith.addf %broadcast_in_dim3A_74, %add3A_111 : vector<16xf32>
        %gather3A_113 = arith.constant 96 : i32
        %gather3A_114 = tpu.memref_slice %arg6[%gather3A_113] : memref<8192xf32, #tpu.memory_space<vmem>> -> memref<8080xf32, #tpu.memory_space<vmem>>
        %gather3A_115 = tpu.vector_load_idx %gather3A_114[%add3A_82] : memref<8080xf32, #tpu.memory_space<vmem>>[vector<16xi32>], vector<16xf32>,
        %add3A_116 = arith.addf %broadcast_in_dim3A_60, %gather3A_115 : vector<16xf32>
        %add3A_117 = arith.addf %broadcast_in_dim3A_76, %add3A_116 : vector<16xf32>
        %gather3A_118 = arith.constant 112 : i32
        %gather3A_119 = tpu.memref_slice %arg6[%gather3A_118] : memref<8192xf32, #tpu.memory_space<vmem>> -> memref<8080xf32, #tpu.memory_space<vmem>>
        %gather3A_120 = tpu.vector_load_idx %gather3A_119[%add3A_82] : memref<8080xf32, #tpu.memory_space<vmem>>[vector<16xi32>], vector<16xf32>,
        %add3A_121 = arith.addf %broadcast_in_dim3A_62, %gather3A_120 : vector<16xf32>
        %add3A_122 = arith.addf %broadcast_in_dim3A_78, %add3A_121 : vector<16xf32>
        %broadcast_in_dim3A_123 = arith.constant 14 : i32
        %broadcast_in_dim3A_124 = vector.broadcast %broadcast_in_dim3A_123 : i32 to vector<16x1xi32>
        %gather3A_125 = vector.shape_cast %broadcast_in_dim3A_124 : vector<16x1xi32> to vector<16xi32>
        %gather3A_126 = tpu.dynamic_gather %shift_left3A_46[%gather3A_125] in [0] : vector<16xi32>, vector<16xi32> -> vector<16xi32>
        %add3A_127 = arith.addi %gather3A_126, %iota3A : vector<16xi32>
        %gather3A_128 = arith.constant 0 : i32
        %gather3A_129 = tpu.memref_slice %arg6[%gather3A_128] : memref<8192xf32, #tpu.memory_space<vmem>> -> memref<8080xf32, #tpu.memory_space<vmem>>
        %gather3A_130 = tpu.vector_load_idx %gather3A_129[%add3A_127] : memref<8080xf32, #tpu.memory_space<vmem>>[vector<16xi32>], vector<16xf32>,
        %add3A_131 = arith.addf %add3A_86, %gather3A_130 : vector<16xf32>
        %add3A_132 = arith.addf %add3A_87, %add3A_131 : vector<16xf32>
        %gather3A_133 = arith.constant 16 : i32
        %gather3A_134 = tpu.memref_slice %arg6[%gather3A_133] : memref<8192xf32, #tpu.memory_space<vmem>> -> memref<8080xf32, #tpu.memory_space<vmem>>
        %gather3A_135 = tpu.vector_load_idx %gather3A_134[%add3A_127] : memref<8080xf32, #tpu.memory_space<vmem>>[vector<16xi32>], vector<16xf32>,
        %add3A_136 = arith.addf %add3A_91, %gather3A_135 : vector<16xf32>
        %add3A_137 = arith.addf %add3A_92, %add3A_136 : vector<16xf32>
        %gather3A_138 = arith.constant 32 : i32
        %gather3A_139 = tpu.memref_slice %arg6[%gather3A_138] : memref<8192xf32, #tpu.memory_space<vmem>> -> memref<8080xf32, #tpu.memory_space<vmem>>
        %gather3A_140 = tpu.vector_load_idx %gather3A_139[%add3A_127] : memref<8080xf32, #tpu.memory_space<vmem>>[vector<16xi32>], vector<16xf32>,
        %add3A_141 = arith.addf %add3A_96, %gather3A_140 : vector<16xf32>
        %add3A_142 = arith.addf %add3A_97, %add3A_141 : vector<16xf32>
        %gather3A_143 = arith.constant 48 : i32
        %gather3A_144 = tpu.memref_slice %arg6[%gather3A_143] : memref<8192xf32, #tpu.memory_space<vmem>> -> memref<8080xf32, #tpu.memory_space<vmem>>
        %gather3A_145 = tpu.vector_load_idx %gather3A_144[%add3A_127] : memref<8080xf32, #tpu.memory_space<vmem>>[vector<16xi32>], vector<16xf32>,
        %add3A_146 = arith.addf %add3A_101, %gather3A_145 : vector<16xf32>
        %add3A_147 = arith.addf %add3A_102, %add3A_146 : vector<16xf32>
        %gather3A_148 = arith.constant 64 : i32
        %gather3A_149 = tpu.memref_slice %arg6[%gather3A_148] : memref<8192xf32, #tpu.memory_space<vmem>> -> memref<8080xf32, #tpu.memory_space<vmem>>
        %gather3A_150 = tpu.vector_load_idx %gather3A_149[%add3A_127] : memref<8080xf32, #tpu.memory_space<vmem>>[vector<16xi32>], vector<16xf32>,
        %add3A_151 = arith.addf %add3A_106, %gather3A_150 : vector<16xf32>
        %add3A_152 = arith.addf %add3A_107, %add3A_151 : vector<16xf32>
        %gather3A_153 = arith.constant 80 : i32
        %gather3A_154 = tpu.memref_slice %arg6[%gather3A_153] : memref<8192xf32, #tpu.memory_space<vmem>> -> memref<8080xf32, #tpu.memory_space<vmem>>
        %gather3A_155 = tpu.vector_load_idx %gather3A_154[%add3A_127] : memref<8080xf32, #tpu.memory_space<vmem>>[vector<16xi32>], vector<16xf32>,
        %add3A_156 = arith.addf %add3A_111, %gather3A_155 : vector<16xf32>
        %add3A_157 = arith.addf %add3A_112, %add3A_156 : vector<16xf32>
        %gather3A_158 = arith.constant 96 : i32
        %gather3A_159 = tpu.memref_slice %arg6[%gather3A_158] : memref<8192xf32, #tpu.memory_space<vmem>> -> memref<8080xf32, #tpu.memory_space<vmem>>
        %gather3A_160 = tpu.vector_load_idx %gather3A_159[%add3A_127] : memref<8080xf32, #tpu.memory_space<vmem>>[vector<16xi32>], vector<16xf32>,
        %add3A_161 = arith.addf %add3A_116, %gather3A_160 : vector<16xf32>
        %add3A_162 = arith.addf %add3A_117, %add3A_161 : vector<16xf32>
        %gather3A_163 = arith.constant 112 : i32
        %gather3A_164 = tpu.memref_slice %arg6[%gather3A_163] : memref<8192xf32, #tpu.memory_space<vmem>> -> memref<8080xf32, #tpu.memory_space<vmem>>
        %gather3A_165 = tpu.vector_load_idx %gather3A_164[%add3A_127] : memref<8080xf32, #tpu.memory_space<vmem>>[vector<16xi32>], vector<16xf32>,
        %add3A_166 = arith.addf %add3A_121, %gather3A_165 : vector<16xf32>
        %add3A_167 = arith.addf %add3A_122, %add3A_166 : vector<16xf32>
        %broadcast_in_dim3A_168 = arith.constant 13 : i32
        %broadcast_in_dim3A_169 = vector.broadcast %broadcast_in_dim3A_168 : i32 to vector<16x1xi32>
        %gather3A_170 = vector.shape_cast %broadcast_in_dim3A_169 : vector<16x1xi32> to vector<16xi32>
        %gather3A_171 = tpu.dynamic_gather %shift_left3A_46[%gather3A_170] in [0] : vector<16xi32>, vector<16xi32> -> vector<16xi32>
        %add3A_172 = arith.addi %gather3A_171, %iota3A : vector<16xi32>
        %gather3A_173 = arith.constant 0 : i32
        %gather3A_174 = tpu.memref_slice %arg6[%gather3A_173] : memref<8192xf32, #tpu.memory_space<vmem>> -> memref<8080xf32, #tpu.memory_space<vmem>>
        %gather3A_175 = tpu.vector_load_idx %gather3A_174[%add3A_172] : memref<8080xf32, #tpu.memory_space<vmem>>[vector<16xi32>], vector<16xf32>,
        %add3A_176 = arith.addf %add3A_131, %gather3A_175 : vector<16xf32>
        %add3A_177 = arith.addf %add3A_132, %add3A_176 : vector<16xf32>
        %gather3A_178 = arith.constant 16 : i32
        %gather3A_179 = tpu.memref_slice %arg6[%gather3A_178] : memref<8192xf32, #tpu.memory_space<vmem>> -> memref<8080xf32, #tpu.memory_space<vmem>>
        %gather3A_180 = tpu.vector_load_idx %gather3A_179[%add3A_172] : memref<8080xf32, #tpu.memory_space<vmem>>[vector<16xi32>], vector<16xf32>,
        %add3A_181 = arith.addf %add3A_136, %gather3A_180 : vector<16xf32>
        %add3A_182 = arith.addf %add3A_137, %add3A_181 : vector<16xf32>
        %gather3A_183 = arith.constant 32 : i32
        %gather3A_184 = tpu.memref_slice %arg6[%gather3A_183] : memref<8192xf32, #tpu.memory_space<vmem>> -> memref<8080xf32, #tpu.memory_space<vmem>>
        %gather3A_185 = tpu.vector_load_idx %gather3A_184[%add3A_172] : memref<8080xf32, #tpu.memory_space<vmem>>[vector<16xi32>], vector<16xf32>,
        %add3A_186 = arith.addf %add3A_141, %gather3A_185 : vector<16xf32>
        %add3A_187 = arith.addf %add3A_142, %add3A_186 : vector<16xf32>
        %gather3A_188 = arith.constant 48 : i32
        %gather3A_189 = tpu.memref_slice %arg6[%gather3A_188] : memref<8192xf32, #tpu.memory_space<vmem>> -> memref<8080xf32, #tpu.memory_space<vmem>>
        %gather3A_190 = tpu.vector_load_idx %gather3A_189[%add3A_172] : memref<8080xf32, #tpu.memory_space<vmem>>[vector<16xi32>], vector<16xf32>,
        %add3A_191 = arith.addf %add3A_146, %gather3A_190 : vector<16xf32>
        %add3A_192 = arith.addf %add3A_147, %add3A_191 : vector<16xf32>
        %gather3A_193 = arith.constant 64 : i32
        %gather3A_194 = tpu.memref_slice %arg6[%gather3A_193] : memref<8192xf32, #tpu.memory_space<vmem>> -> memref<8080xf32, #tpu.memory_space<vmem>>
        %gather3A_195 = tpu.vector_load_idx %gather3A_194[%add3A_172] : memref<8080xf32, #tpu.memory_space<vmem>>[vector<16xi32>], vector<16xf32>,
        %add3A_196 = arith.addf %add3A_151, %gather3A_195 : vector<16xf32>
        %add3A_197 = arith.addf %add3A_152, %add3A_196 : vector<16xf32>
        %gather3A_198 = arith.constant 80 : i32
        %gather3A_199 = tpu.memref_slice %arg6[%gather3A_198] : memref<8192xf32, #tpu.memory_space<vmem>> -> memref<8080xf32, #tpu.memory_space<vmem>>
        %gather3A_200 = tpu.vector_load_idx %gather3A_199[%add3A_172] : memref<8080xf32, #tpu.memory_space<vmem>>[vector<16xi32>], vector<16xf32>,
        %add3A_201 = arith.addf %add3A_156, %gather3A_200 : vector<16xf32>
        %add3A_202 = arith.addf %add3A_157, %add3A_201 : vector<16xf32>
        %gather3A_203 = arith.constant 96 : i32
        %gather3A_204 = tpu.memref_slice %arg6[%gather3A_203] : memref<8192xf32, #tpu.memory_space<vmem>> -> memref<8080xf32, #tpu.memory_space<vmem>>
        %gather3A_205 = tpu.vector_load_idx %gather3A_204[%add3A_172] : memref<8080xf32, #tpu.memory_space<vmem>>[vector<16xi32>], vector<16xf32>,
        %add3A_206 = arith.addf %add3A_161, %gather3A_205 : vector<16xf32>
        %add3A_207 = arith.addf %add3A_162, %add3A_206 : vector<16xf32>
        %gather3A_208 = arith.constant 112 : i32
        %gather3A_209 = tpu.memref_slice %arg6[%gather3A_208] : memref<8192xf32, #tpu.memory_space<vmem>> -> memref<8080xf32, #tpu.memory_space<vmem>>
        %gather3A_210 = tpu.vector_load_idx %gather3A_209[%add3A_172] : memref<8080xf32, #tpu.memory_space<vmem>>[vector<16xi32>], vector<16xf32>,
        %add3A_211 = arith.addf %add3A_166, %gather3A_210 : vector<16xf32>
        %add3A_212 = arith.addf %add3A_167, %add3A_211 : vector<16xf32>
        %broadcast_in_dim3A_213 = arith.constant 12 : i32
        %broadcast_in_dim3A_214 = vector.broadcast %broadcast_in_dim3A_213 : i32 to vector<16x1xi32>
        %gather3A_215 = vector.shape_cast %broadcast_in_dim3A_214 : vector<16x1xi32> to vector<16xi32>
        %gather3A_216 = tpu.dynamic_gather %shift_left3A_46[%gather3A_215] in [0] : vector<16xi32>, vector<16xi32> -> vector<16xi32>
        %add3A_217 = arith.addi %gather3A_216, %iota3A : vector<16xi32>
        %gather3A_218 = arith.constant 0 : i32
        %gather3A_219 = tpu.memref_slice %arg6[%gather3A_218] : memref<8192xf32, #tpu.memory_space<vmem>> -> memref<8080xf32, #tpu.memory_space<vmem>>
        %gather3A_220 = tpu.vector_load_idx %gather3A_219[%add3A_217] : memref<8080xf32, #tpu.memory_space<vmem>>[vector<16xi32>], vector<16xf32>,
        %add3A_221 = arith.addf %add3A_176, %gather3A_220 : vector<16xf32>
        %add3A_222 = arith.addf %add3A_177, %add3A_221 : vector<16xf32>
        %gather3A_223 = arith.constant 16 : i32
        %gather3A_224 = tpu.memref_slice %arg6[%gather3A_223] : memref<8192xf32, #tpu.memory_space<vmem>> -> memref<8080xf32, #tpu.memory_space<vmem>>
        %gather3A_225 = tpu.vector_load_idx %gather3A_224[%add3A_217] : memref<8080xf32, #tpu.memory_space<vmem>>[vector<16xi32>], vector<16xf32>,
        %add3A_226 = arith.addf %add3A_181, %gather3A_225 : vector<16xf32>
        %add3A_227 = arith.addf %add3A_182, %add3A_226 : vector<16xf32>
        %gather3A_228 = arith.constant 32 : i32
        %gather3A_229 = tpu.memref_slice %arg6[%gather3A_228] : memref<8192xf32, #tpu.memory_space<vmem>> -> memref<8080xf32, #tpu.memory_space<vmem>>
        %gather3A_230 = tpu.vector_load_idx %gather3A_229[%add3A_217] : memref<8080xf32, #tpu.memory_space<vmem>>[vector<16xi32>], vector<16xf32>,
        %add3A_231 = arith.addf %add3A_186, %gather3A_230 : vector<16xf32>
        %add3A_232 = arith.addf %add3A_187, %add3A_231 : vector<16xf32>
        %gather3A_233 = arith.constant 48 : i32
        %gather3A_234 = tpu.memref_slice %arg6[%gather3A_233] : memref<8192xf32, #tpu.memory_space<vmem>> -> memref<8080xf32, #tpu.memory_space<vmem>>
        %gather3A_235 = tpu.vector_load_idx %gather3A_234[%add3A_217] : memref<8080xf32, #tpu.memory_space<vmem>>[vector<16xi32>], vector<16xf32>,
        %add3A_236 = arith.addf %add3A_191, %gather3A_235 : vector<16xf32>
        %add3A_237 = arith.addf %add3A_192, %add3A_236 : vector<16xf32>
        %gather3A_238 = arith.constant 64 : i32
        %gather3A_239 = tpu.memref_slice %arg6[%gather3A_238] : memref<8192xf32, #tpu.memory_space<vmem>> -> memref<8080xf32, #tpu.memory_space<vmem>>
        %gather3A_240 = tpu.vector_load_idx %gather3A_239[%add3A_217] : memref<8080xf32, #tpu.memory_space<vmem>>[vector<16xi32>], vector<16xf32>,
        %add3A_241 = arith.addf %add3A_196, %gather3A_240 : vector<16xf32>
        %add3A_242 = arith.addf %add3A_197, %add3A_241 : vector<16xf32>
        %gather3A_243 = arith.constant 80 : i32
        %gather3A_244 = tpu.memref_slice %arg6[%gather3A_243] : memref<8192xf32, #tpu.memory_space<vmem>> -> memref<8080xf32, #tpu.memory_space<vmem>>
        %gather3A_245 = tpu.vector_load_idx %gather3A_244[%add3A_217] : memref<8080xf32, #tpu.memory_space<vmem>>[vector<16xi32>], vector<16xf32>,
        %add3A_246 = arith.addf %add3A_201, %gather3A_245 : vector<16xf32>
        %add3A_247 = arith.addf %add3A_202, %add3A_246 : vector<16xf32>
        %gather3A_248 = arith.constant 96 : i32
        %gather3A_249 = tpu.memref_slice %arg6[%gather3A_248] : memref<8192xf32, #tpu.memory_space<vmem>> -> memref<8080xf32, #tpu.memory_space<vmem>>
        %gather3A_250 = tpu.vector_load_idx %gather3A_249[%add3A_217] : memref<8080xf32, #tpu.memory_space<vmem>>[vector<16xi32>], vector<16xf32>,
        %add3A_251 = arith.addf %add3A_206, %gather3A_250 : vector<16xf32>
        %add3A_252 = arith.addf %add3A_207, %add3A_251 : vector<16xf32>
        %gather3A_253 = arith.constant 112 : i32
        %gather3A_254 = tpu.memref_slice %arg6[%gather3A_253] : memref<8192xf32, #tpu.memory_space<vmem>> -> memref<8080xf32, #tpu.memory_space<vmem>>
        %gather3A_255 = tpu.vector_load_idx %gather3A_254[%add3A_217] : memref<8080xf32, #tpu.memory_space<vmem>>[vector<16xi32>], vector<16xf32>,
        %add3A_256 = arith.addf %add3A_211, %gather3A_255 : vector<16xf32>
        %add3A_257 = arith.addf %add3A_212, %add3A_256 : vector<16xf32>
        %broadcast_in_dim3A_258 = arith.constant 11 : i32
        %broadcast_in_dim3A_259 = vector.broadcast %broadcast_in_dim3A_258 : i32 to vector<16x1xi32>
        %gather3A_260 = vector.shape_cast %broadcast_in_dim3A_259 : vector<16x1xi32> to vector<16xi32>
        %gather3A_261 = tpu.dynamic_gather %shift_left3A_46[%gather3A_260] in [0] : vector<16xi32>, vector<16xi32> -> vector<16xi32>
        %add3A_262 = arith.addi %gather3A_261, %iota3A : vector<16xi32>
        %gather3A_263 = arith.constant 0 : i32
        %gather3A_264 = tpu.memref_slice %arg6[%gather3A_263] : memref<8192xf32, #tpu.memory_space<vmem>> -> memref<8080xf32, #tpu.memory_space<vmem>>
        %gather3A_265 = tpu.vector_load_idx %gather3A_264[%add3A_262] : memref<8080xf32, #tpu.memory_space<vmem>>[vector<16xi32>], vector<16xf32>,
        %add3A_266 = arith.addf %add3A_221, %gather3A_265 : vector<16xf32>
        %add3A_267 = arith.addf %add3A_222, %add3A_266 : vector<16xf32>
        %gather3A_268 = arith.constant 16 : i32
        %gather3A_269 = tpu.memref_slice %arg6[%gather3A_268] : memref<8192xf32, #tpu.memory_space<vmem>> -> memref<8080xf32, #tpu.memory_space<vmem>>
        %gather3A_270 = tpu.vector_load_idx %gather3A_269[%add3A_262] : memref<8080xf32, #tpu.memory_space<vmem>>[vector<16xi32>], vector<16xf32>,
        %add3A_271 = arith.addf %add3A_226, %gather3A_270 : vector<16xf32>
        %add3A_272 = arith.addf %add3A_227, %add3A_271 : vector<16xf32>
        %gather3A_273 = arith.constant 32 : i32
        %gather3A_274 = tpu.memref_slice %arg6[%gather3A_273] : memref<8192xf32, #tpu.memory_space<vmem>> -> memref<8080xf32, #tpu.memory_space<vmem>>
        %gather3A_275 = tpu.vector_load_idx %gather3A_274[%add3A_262] : memref<8080xf32, #tpu.memory_space<vmem>>[vector<16xi32>], vector<16xf32>,
        %add3A_276 = arith.addf %add3A_231, %gather3A_275 : vector<16xf32>
        %add3A_277 = arith.addf %add3A_232, %add3A_276 : vector<16xf32>
        %gather3A_278 = arith.constant 48 : i32
        %gather3A_279 = tpu.memref_slice %arg6[%gather3A_278] : memref<8192xf32, #tpu.memory_space<vmem>> -> memref<8080xf32, #tpu.memory_space<vmem>>
        %gather3A_280 = tpu.vector_load_idx %gather3A_279[%add3A_262] : memref<8080xf32, #tpu.memory_space<vmem>>[vector<16xi32>], vector<16xf32>,
        %add3A_281 = arith.addf %add3A_236, %gather3A_280 : vector<16xf32>
        %add3A_282 = arith.addf %add3A_237, %add3A_281 : vector<16xf32>
        %gather3A_283 = arith.constant 64 : i32
        %gather3A_284 = tpu.memref_slice %arg6[%gather3A_283] : memref<8192xf32, #tpu.memory_space<vmem>> -> memref<8080xf32, #tpu.memory_space<vmem>>
        %gather3A_285 = tpu.vector_load_idx %gather3A_284[%add3A_262] : memref<8080xf32, #tpu.memory_space<vmem>>[vector<16xi32>], vector<16xf32>,
        %add3A_286 = arith.addf %add3A_241, %gather3A_285 : vector<16xf32>
        %add3A_287 = arith.addf %add3A_242, %add3A_286 : vector<16xf32>
        %gather3A_288 = arith.constant 80 : i32
        %gather3A_289 = tpu.memref_slice %arg6[%gather3A_288] : memref<8192xf32, #tpu.memory_space<vmem>> -> memref<8080xf32, #tpu.memory_space<vmem>>
        %gather3A_290 = tpu.vector_load_idx %gather3A_289[%add3A_262] : memref<8080xf32, #tpu.memory_space<vmem>>[vector<16xi32>], vector<16xf32>,
        %add3A_291 = arith.addf %add3A_246, %gather3A_290 : vector<16xf32>
        %add3A_292 = arith.addf %add3A_247, %add3A_291 : vector<16xf32>
        %gather3A_293 = arith.constant 96 : i32
        %gather3A_294 = tpu.memref_slice %arg6[%gather3A_293] : memref<8192xf32, #tpu.memory_space<vmem>> -> memref<8080xf32, #tpu.memory_space<vmem>>
        %gather3A_295 = tpu.vector_load_idx %gather3A_294[%add3A_262] : memref<8080xf32, #tpu.memory_space<vmem>>[vector<16xi32>], vector<16xf32>,
        %add3A_296 = arith.addf %add3A_251, %gather3A_295 : vector<16xf32>
        %add3A_297 = arith.addf %add3A_252, %add3A_296 : vector<16xf32>
        %gather3A_298 = arith.constant 112 : i32
        %gather3A_299 = tpu.memref_slice %arg6[%gather3A_298] : memref<8192xf32, #tpu.memory_space<vmem>> -> memref<8080xf32, #tpu.memory_space<vmem>>
        %gather3A_300 = tpu.vector_load_idx %gather3A_299[%add3A_262] : memref<8080xf32, #tpu.memory_space<vmem>>[vector<16xi32>], vector<16xf32>,
        %add3A_301 = arith.addf %add3A_256, %gather3A_300 : vector<16xf32>
        %add3A_302 = arith.addf %add3A_257, %add3A_301 : vector<16xf32>
        %broadcast_in_dim3A_303 = arith.constant 10 : i32
        %broadcast_in_dim3A_304 = vector.broadcast %broadcast_in_dim3A_303 : i32 to vector<16x1xi32>
        %gather3A_305 = vector.shape_cast %broadcast_in_dim3A_304 : vector<16x1xi32> to vector<16xi32>
        %gather3A_306 = tpu.dynamic_gather %shift_left3A_46[%gather3A_305] in [0] : vector<16xi32>, vector<16xi32> -> vector<16xi32>
        %add3A_307 = arith.addi %gather3A_306, %iota3A : vector<16xi32>
        %gather3A_308 = arith.constant 0 : i32
        %gather3A_309 = tpu.memref_slice %arg6[%gather3A_308] : memref<8192xf32, #tpu.memory_space<vmem>> -> memref<8080xf32, #tpu.memory_space<vmem>>
        %gather3A_310 = tpu.vector_load_idx %gather3A_309[%add3A_307] : memref<8080xf32, #tpu.memory_space<vmem>>[vector<16xi32>], vector<16xf32>,
        %add3A_311 = arith.addf %add3A_266, %gather3A_310 : vector<16xf32>
        %add3A_312 = arith.addf %add3A_267, %add3A_311 : vector<16xf32>
        %gather3A_313 = arith.constant 16 : i32
        %gather3A_314 = tpu.memref_slice %arg6[%gather3A_313] : memref<8192xf32, #tpu.memory_space<vmem>> -> memref<8080xf32, #tpu.memory_space<vmem>>
        %gather3A_315 = tpu.vector_load_idx %gather3A_314[%add3A_307] : memref<8080xf32, #tpu.memory_space<vmem>>[vector<16xi32>], vector<16xf32>,
        %add3A_316 = arith.addf %add3A_271, %gather3A_315 : vector<16xf32>
        %add3A_317 = arith.addf %add3A_272, %add3A_316 : vector<16xf32>
        %gather3A_318 = arith.constant 32 : i32
        %gather3A_319 = tpu.memref_slice %arg6[%gather3A_318] : memref<8192xf32, #tpu.memory_space<vmem>> -> memref<8080xf32, #tpu.memory_space<vmem>>
        %gather3A_320 = tpu.vector_load_idx %gather3A_319[%add3A_307] : memref<8080xf32, #tpu.memory_space<vmem>>[vector<16xi32>], vector<16xf32>,
        %add3A_321 = arith.addf %add3A_276, %gather3A_320 : vector<16xf32>
        %add3A_322 = arith.addf %add3A_277, %add3A_321 : vector<16xf32>
        %gather3A_323 = arith.constant 48 : i32
        %gather3A_324 = tpu.memref_slice %arg6[%gather3A_323] : memref<8192xf32, #tpu.memory_space<vmem>> -> memref<8080xf32, #tpu.memory_space<vmem>>
        %gather3A_325 = tpu.vector_load_idx %gather3A_324[%add3A_307] : memref<8080xf32, #tpu.memory_space<vmem>>[vector<16xi32>], vector<16xf32>,
        %add3A_326 = arith.addf %add3A_281, %gather3A_325 : vector<16xf32>
        %add3A_327 = arith.addf %add3A_282, %add3A_326 : vector<16xf32>
        %gather3A_328 = arith.constant 64 : i32
        %gather3A_329 = tpu.memref_slice %arg6[%gather3A_328] : memref<8192xf32, #tpu.memory_space<vmem>> -> memref<8080xf32, #tpu.memory_space<vmem>>
        %gather3A_330 = tpu.vector_load_idx %gather3A_329[%add3A_307] : memref<8080xf32, #tpu.memory_space<vmem>>[vector<16xi32>], vector<16xf32>,
        %add3A_331 = arith.addf %add3A_286, %gather3A_330 : vector<16xf32>
        %add3A_332 = arith.addf %add3A_287, %add3A_331 : vector<16xf32>
        %gather3A_333 = arith.constant 80 : i32
        %gather3A_334 = tpu.memref_slice %arg6[%gather3A_333] : memref<8192xf32, #tpu.memory_space<vmem>> -> memref<8080xf32, #tpu.memory_space<vmem>>
        %gather3A_335 = tpu.vector_load_idx %gather3A_334[%add3A_307] : memref<8080xf32, #tpu.memory_space<vmem>>[vector<16xi32>], vector<16xf32>,
        %add3A_336 = arith.addf %add3A_291, %gather3A_335 : vector<16xf32>
        %add3A_337 = arith.addf %add3A_292, %add3A_336 : vector<16xf32>
        %gather3A_338 = arith.constant 96 : i32
        %gather3A_339 = tpu.memref_slice %arg6[%gather3A_338] : memref<8192xf32, #tpu.memory_space<vmem>> -> memref<8080xf32, #tpu.memory_space<vmem>>
        %gather3A_340 = tpu.vector_load_idx %gather3A_339[%add3A_307] : memref<8080xf32, #tpu.memory_space<vmem>>[vector<16xi32>], vector<16xf32>,
        %add3A_341 = arith.addf %add3A_296, %gather3A_340 : vector<16xf32>
        %add3A_342 = arith.addf %add3A_297, %add3A_341 : vector<16xf32>
        %gather3A_343 = arith.constant 112 : i32
        %gather3A_344 = tpu.memref_slice %arg6[%gather3A_343] : memref<8192xf32, #tpu.memory_space<vmem>> -> memref<8080xf32, #tpu.memory_space<vmem>>
        %gather3A_345 = tpu.vector_load_idx %gather3A_344[%add3A_307] : memref<8080xf32, #tpu.memory_space<vmem>>[vector<16xi32>], vector<16xf32>,
        %add3A_346 = arith.addf %add3A_301, %gather3A_345 : vector<16xf32>
        %add3A_347 = arith.addf %add3A_302, %add3A_346 : vector<16xf32>
        %broadcast_in_dim3A_348 = arith.constant 9 : i32
        %broadcast_in_dim3A_349 = vector.broadcast %broadcast_in_dim3A_348 : i32 to vector<16x1xi32>
        %gather3A_350 = vector.shape_cast %broadcast_in_dim3A_349 : vector<16x1xi32> to vector<16xi32>
        %gather3A_351 = tpu.dynamic_gather %shift_left3A_46[%gather3A_350] in [0] : vector<16xi32>, vector<16xi32> -> vector<16xi32>
        %add3A_352 = arith.addi %gather3A_351, %iota3A : vector<16xi32>
        %gather3A_353 = arith.constant 0 : i32
        %gather3A_354 = tpu.memref_slice %arg6[%gather3A_353] : memref<8192xf32, #tpu.memory_space<vmem>> -> memref<8080xf32, #tpu.memory_space<vmem>>
        %gather3A_355 = tpu.vector_load_idx %gather3A_354[%add3A_352] : memref<8080xf32, #tpu.memory_space<vmem>>[vector<16xi32>], vector<16xf32>,
        %add3A_356 = arith.addf %add3A_311, %gather3A_355 : vector<16xf32>
        %add3A_357 = arith.addf %add3A_312, %add3A_356 : vector<16xf32>
        %gather3A_358 = arith.constant 16 : i32
        %gather3A_359 = tpu.memref_slice %arg6[%gather3A_358] : memref<8192xf32, #tpu.memory_space<vmem>> -> memref<8080xf32, #tpu.memory_space<vmem>>
        %gather3A_360 = tpu.vector_load_idx %gather3A_359[%add3A_352] : memref<8080xf32, #tpu.memory_space<vmem>>[vector<16xi32>], vector<16xf32>,
        %add3A_361 = arith.addf %add3A_316, %gather3A_360 : vector<16xf32>
        %add3A_362 = arith.addf %add3A_317, %add3A_361 : vector<16xf32>
        %gather3A_363 = arith.constant 32 : i32
        %gather3A_364 = tpu.memref_slice %arg6[%gather3A_363] : memref<8192xf32, #tpu.memory_space<vmem>> -> memref<8080xf32, #tpu.memory_space<vmem>>
        %gather3A_365 = tpu.vector_load_idx %gather3A_364[%add3A_352] : memref<8080xf32, #tpu.memory_space<vmem>>[vector<16xi32>], vector<16xf32>,
        %add3A_366 = arith.addf %add3A_321, %gather3A_365 : vector<16xf32>
        %add3A_367 = arith.addf %add3A_322, %add3A_366 : vector<16xf32>
        %gather3A_368 = arith.constant 48 : i32
        %gather3A_369 = tpu.memref_slice %arg6[%gather3A_368] : memref<8192xf32, #tpu.memory_space<vmem>> -> memref<8080xf32, #tpu.memory_space<vmem>>
        %gather3A_370 = tpu.vector_load_idx %gather3A_369[%add3A_352] : memref<8080xf32, #tpu.memory_space<vmem>>[vector<16xi32>], vector<16xf32>,
        %add3A_371 = arith.addf %add3A_326, %gather3A_370 : vector<16xf32>
        %add3A_372 = arith.addf %add3A_327, %add3A_371 : vector<16xf32>
        %gather3A_373 = arith.constant 64 : i32
        %gather3A_374 = tpu.memref_slice %arg6[%gather3A_373] : memref<8192xf32, #tpu.memory_space<vmem>> -> memref<8080xf32, #tpu.memory_space<vmem>>
        %gather3A_375 = tpu.vector_load_idx %gather3A_374[%add3A_352] : memref<8080xf32, #tpu.memory_space<vmem>>[vector<16xi32>], vector<16xf32>,
        %add3A_376 = arith.addf %add3A_331, %gather3A_375 : vector<16xf32>
        %add3A_377 = arith.addf %add3A_332, %add3A_376 : vector<16xf32>
        %gather3A_378 = arith.constant 80 : i32
        %gather3A_379 = tpu.memref_slice %arg6[%gather3A_378] : memref<8192xf32, #tpu.memory_space<vmem>> -> memref<8080xf32, #tpu.memory_space<vmem>>
        %gather3A_380 = tpu.vector_load_idx %gather3A_379[%add3A_352] : memref<8080xf32, #tpu.memory_space<vmem>>[vector<16xi32>], vector<16xf32>,
        %add3A_381 = arith.addf %add3A_336, %gather3A_380 : vector<16xf32>
        %add3A_382 = arith.addf %add3A_337, %add3A_381 : vector<16xf32>
        %gather3A_383 = arith.constant 96 : i32
        %gather3A_384 = tpu.memref_slice %arg6[%gather3A_383] : memref<8192xf32, #tpu.memory_space<vmem>> -> memref<8080xf32, #tpu.memory_space<vmem>>
        %gather3A_385 = tpu.vector_load_idx %gather3A_384[%add3A_352] : memref<8080xf32, #tpu.memory_space<vmem>>[vector<16xi32>], vector<16xf32>,
        %add3A_386 = arith.addf %add3A_341, %gather3A_385 : vector<16xf32>
        %add3A_387 = arith.addf %add3A_342, %add3A_386 : vector<16xf32>
        %gather3A_388 = arith.constant 112 : i32
        %gather3A_389 = tpu.memref_slice %arg6[%gather3A_388] : memref<8192xf32, #tpu.memory_space<vmem>> -> memref<8080xf32, #tpu.memory_space<vmem>>
        %gather3A_390 = tpu.vector_load_idx %gather3A_389[%add3A_352] : memref<8080xf32, #tpu.memory_space<vmem>>[vector<16xi32>], vector<16xf32>,
        %add3A_391 = arith.addf %add3A_346, %gather3A_390 : vector<16xf32>
        %add3A_392 = arith.addf %add3A_347, %add3A_391 : vector<16xf32>
        %broadcast_in_dim3A_393 = arith.constant 8 : i32
        %broadcast_in_dim3A_394 = vector.broadcast %broadcast_in_dim3A_393 : i32 to vector<16x1xi32>
        %gather3A_395 = vector.shape_cast %broadcast_in_dim3A_394 : vector<16x1xi32> to vector<16xi32>
        %gather3A_396 = tpu.dynamic_gather %shift_left3A_46[%gather3A_395] in [0] : vector<16xi32>, vector<16xi32> -> vector<16xi32>
        %add3A_397 = arith.addi %gather3A_396, %iota3A : vector<16xi32>
        %gather3A_398 = arith.constant 0 : i32
        %gather3A_399 = tpu.memref_slice %arg6[%gather3A_398] : memref<8192xf32, #tpu.memory_space<vmem>> -> memref<8080xf32, #tpu.memory_space<vmem>>
        %gather3A_400 = tpu.vector_load_idx %gather3A_399[%add3A_397] : memref<8080xf32, #tpu.memory_space<vmem>>[vector<16xi32>], vector<16xf32>,
        %add3A_401 = arith.addf %add3A_356, %gather3A_400 : vector<16xf32>
        %add3A_402 = arith.addf %add3A_357, %add3A_401 : vector<16xf32>
        %gather3A_403 = arith.constant 16 : i32
        %gather3A_404 = tpu.memref_slice %arg6[%gather3A_403] : memref<8192xf32, #tpu.memory_space<vmem>> -> memref<8080xf32, #tpu.memory_space<vmem>>
        %gather3A_405 = tpu.vector_load_idx %gather3A_404[%add3A_397] : memref<8080xf32, #tpu.memory_space<vmem>>[vector<16xi32>], vector<16xf32>,
        %add3A_406 = arith.addf %add3A_361, %gather3A_405 : vector<16xf32>
        %add3A_407 = arith.addf %add3A_362, %add3A_406 : vector<16xf32>
        %gather3A_408 = arith.constant 32 : i32
        %gather3A_409 = tpu.memref_slice %arg6[%gather3A_408] : memref<8192xf32, #tpu.memory_space<vmem>> -> memref<8080xf32, #tpu.memory_space<vmem>>
        %gather3A_410 = tpu.vector_load_idx %gather3A_409[%add3A_397] : memref<8080xf32, #tpu.memory_space<vmem>>[vector<16xi32>], vector<16xf32>,
        %add3A_411 = arith.addf %add3A_366, %gather3A_410 : vector<16xf32>
        %add3A_412 = arith.addf %add3A_367, %add3A_411 : vector<16xf32>
        %gather3A_413 = arith.constant 48 : i32
        %gather3A_414 = tpu.memref_slice %arg6[%gather3A_413] : memref<8192xf32, #tpu.memory_space<vmem>> -> memref<8080xf32, #tpu.memory_space<vmem>>
        %gather3A_415 = tpu.vector_load_idx %gather3A_414[%add3A_397] : memref<8080xf32, #tpu.memory_space<vmem>>[vector<16xi32>], vector<16xf32>,
        %add3A_416 = arith.addf %add3A_371, %gather3A_415 : vector<16xf32>
        %add3A_417 = arith.addf %add3A_372, %add3A_416 : vector<16xf32>
        %gather3A_418 = arith.constant 64 : i32
        %gather3A_419 = tpu.memref_slice %arg6[%gather3A_418] : memref<8192xf32, #tpu.memory_space<vmem>> -> memref<8080xf32, #tpu.memory_space<vmem>>
        %gather3A_420 = tpu.vector_load_idx %gather3A_419[%add3A_397] : memref<8080xf32, #tpu.memory_space<vmem>>[vector<16xi32>], vector<16xf32>,
        %add3A_421 = arith.addf %add3A_376, %gather3A_420 : vector<16xf32>
        %add3A_422 = arith.addf %add3A_377, %add3A_421 : vector<16xf32>
        %gather3A_423 = arith.constant 80 : i32
        %gather3A_424 = tpu.memref_slice %arg6[%gather3A_423] : memref<8192xf32, #tpu.memory_space<vmem>> -> memref<8080xf32, #tpu.memory_space<vmem>>
        %gather3A_425 = tpu.vector_load_idx %gather3A_424[%add3A_397] : memref<8080xf32, #tpu.memory_space<vmem>>[vector<16xi32>], vector<16xf32>,
        %add3A_426 = arith.addf %add3A_381, %gather3A_425 : vector<16xf32>
        %add3A_427 = arith.addf %add3A_382, %add3A_426 : vector<16xf32>
        %gather3A_428 = arith.constant 96 : i32
        %gather3A_429 = tpu.memref_slice %arg6[%gather3A_428] : memref<8192xf32, #tpu.memory_space<vmem>> -> memref<8080xf32, #tpu.memory_space<vmem>>
        %gather3A_430 = tpu.vector_load_idx %gather3A_429[%add3A_397] : memref<8080xf32, #tpu.memory_space<vmem>>[vector<16xi32>], vector<16xf32>,
        %add3A_431 = arith.addf %add3A_386, %gather3A_430 : vector<16xf32>
        %add3A_432 = arith.addf %add3A_387, %add3A_431 : vector<16xf32>
        %gather3A_433 = arith.constant 112 : i32
        %gather3A_434 = tpu.memref_slice %arg6[%gather3A_433] : memref<8192xf32, #tpu.memory_space<vmem>> -> memref<8080xf32, #tpu.memory_space<vmem>>
        %gather3A_435 = tpu.vector_load_idx %gather3A_434[%add3A_397] : memref<8080xf32, #tpu.memory_space<vmem>>[vector<16xi32>], vector<16xf32>,
        %add3A_436 = arith.addf %add3A_391, %gather3A_435 : vector<16xf32>
        %add3A_437 = arith.addf %add3A_392, %add3A_436 : vector<16xf32>
        %broadcast_in_dim3A_438 = arith.constant 7 : i32
        %broadcast_in_dim3A_439 = vector.broadcast %broadcast_in_dim3A_438 : i32 to vector<16x1xi32>
        %gather3A_440 = vector.shape_cast %broadcast_in_dim3A_439 : vector<16x1xi32> to vector<16xi32>
        %gather3A_441 = tpu.dynamic_gather %shift_left3A_46[%gather3A_440] in [0] : vector<16xi32>, vector<16xi32> -> vector<16xi32>
        %add3A_442 = arith.addi %gather3A_441, %iota3A : vector<16xi32>
        %gather3A_443 = arith.constant 0 : i32
        %gather3A_444 = tpu.memref_slice %arg6[%gather3A_443] : memref<8192xf32, #tpu.memory_space<vmem>> -> memref<8080xf32, #tpu.memory_space<vmem>>
        %gather3A_445 = tpu.vector_load_idx %gather3A_444[%add3A_442] : memref<8080xf32, #tpu.memory_space<vmem>>[vector<16xi32>], vector<16xf32>,
        %add3A_446 = arith.addf %add3A_401, %gather3A_445 : vector<16xf32>
        %add3A_447 = arith.addf %add3A_402, %add3A_446 : vector<16xf32>
        %gather3A_448 = arith.constant 16 : i32
        %gather3A_449 = tpu.memref_slice %arg6[%gather3A_448] : memref<8192xf32, #tpu.memory_space<vmem>> -> memref<8080xf32, #tpu.memory_space<vmem>>
        %gather3A_450 = tpu.vector_load_idx %gather3A_449[%add3A_442] : memref<8080xf32, #tpu.memory_space<vmem>>[vector<16xi32>], vector<16xf32>,
        %add3A_451 = arith.addf %add3A_406, %gather3A_450 : vector<16xf32>
        %add3A_452 = arith.addf %add3A_407, %add3A_451 : vector<16xf32>
        %gather3A_453 = arith.constant 32 : i32
        %gather3A_454 = tpu.memref_slice %arg6[%gather3A_453] : memref<8192xf32, #tpu.memory_space<vmem>> -> memref<8080xf32, #tpu.memory_space<vmem>>
        %gather3A_455 = tpu.vector_load_idx %gather3A_454[%add3A_442] : memref<8080xf32, #tpu.memory_space<vmem>>[vector<16xi32>], vector<16xf32>,
        %add3A_456 = arith.addf %add3A_411, %gather3A_455 : vector<16xf32>
        %add3A_457 = arith.addf %add3A_412, %add3A_456 : vector<16xf32>
        %gather3A_458 = arith.constant 48 : i32
        %gather3A_459 = tpu.memref_slice %arg6[%gather3A_458] : memref<8192xf32, #tpu.memory_space<vmem>> -> memref<8080xf32, #tpu.memory_space<vmem>>
        %gather3A_460 = tpu.vector_load_idx %gather3A_459[%add3A_442] : memref<8080xf32, #tpu.memory_space<vmem>>[vector<16xi32>], vector<16xf32>,
        %add3A_461 = arith.addf %add3A_416, %gather3A_460 : vector<16xf32>
        %add3A_462 = arith.addf %add3A_417, %add3A_461 : vector<16xf32>
        %gather3A_463 = arith.constant 64 : i32
        %gather3A_464 = tpu.memref_slice %arg6[%gather3A_463] : memref<8192xf32, #tpu.memory_space<vmem>> -> memref<8080xf32, #tpu.memory_space<vmem>>
        %gather3A_465 = tpu.vector_load_idx %gather3A_464[%add3A_442] : memref<8080xf32, #tpu.memory_space<vmem>>[vector<16xi32>], vector<16xf32>,
        %add3A_466 = arith.addf %add3A_421, %gather3A_465 : vector<16xf32>
        %add3A_467 = arith.addf %add3A_422, %add3A_466 : vector<16xf32>
        %gather3A_468 = arith.constant 80 : i32
        %gather3A_469 = tpu.memref_slice %arg6[%gather3A_468] : memref<8192xf32, #tpu.memory_space<vmem>> -> memref<8080xf32, #tpu.memory_space<vmem>>
        %gather3A_470 = tpu.vector_load_idx %gather3A_469[%add3A_442] : memref<8080xf32, #tpu.memory_space<vmem>>[vector<16xi32>], vector<16xf32>,
        %add3A_471 = arith.addf %add3A_426, %gather3A_470 : vector<16xf32>
        %add3A_472 = arith.addf %add3A_427, %add3A_471 : vector<16xf32>
        %gather3A_473 = arith.constant 96 : i32
        %gather3A_474 = tpu.memref_slice %arg6[%gather3A_473] : memref<8192xf32, #tpu.memory_space<vmem>> -> memref<8080xf32, #tpu.memory_space<vmem>>
        %gather3A_475 = tpu.vector_load_idx %gather3A_474[%add3A_442] : memref<8080xf32, #tpu.memory_space<vmem>>[vector<16xi32>], vector<16xf32>,
        %add3A_476 = arith.addf %add3A_431, %gather3A_475 : vector<16xf32>
        %add3A_477 = arith.addf %add3A_432, %add3A_476 : vector<16xf32>
        %gather3A_478 = arith.constant 112 : i32
        %gather3A_479 = tpu.memref_slice %arg6[%gather3A_478] : memref<8192xf32, #tpu.memory_space<vmem>> -> memref<8080xf32, #tpu.memory_space<vmem>>
        %gather3A_480 = tpu.vector_load_idx %gather3A_479[%add3A_442] : memref<8080xf32, #tpu.memory_space<vmem>>[vector<16xi32>], vector<16xf32>,
        %add3A_481 = arith.addf %add3A_436, %gather3A_480 : vector<16xf32>
        %add3A_482 = arith.addf %add3A_437, %add3A_481 : vector<16xf32>
        %broadcast_in_dim3A_483 = arith.constant 6 : i32
        %broadcast_in_dim3A_484 = vector.broadcast %broadcast_in_dim3A_483 : i32 to vector<16x1xi32>
        %gather3A_485 = vector.shape_cast %broadcast_in_dim3A_484 : vector<16x1xi32> to vector<16xi32>
        %gather3A_486 = tpu.dynamic_gather %shift_left3A_46[%gather3A_485] in [0] : vector<16xi32>, vector<16xi32> -> vector<16xi32>
        %add3A_487 = arith.addi %gather3A_486, %iota3A : vector<16xi32>
        %gather3A_488 = arith.constant 0 : i32
        %gather3A_489 = tpu.memref_slice %arg6[%gather3A_488] : memref<8192xf32, #tpu.memory_space<vmem>> -> memref<8080xf32, #tpu.memory_space<vmem>>
        %gather3A_490 = tpu.vector_load_idx %gather3A_489[%add3A_487] : memref<8080xf32, #tpu.memory_space<vmem>>[vector<16xi32>], vector<16xf32>,
        %add3A_491 = arith.addf %add3A_446, %gather3A_490 : vector<16xf32>
        %add3A_492 = arith.addf %add3A_447, %add3A_491 : vector<16xf32>
        %gather3A_493 = arith.constant 16 : i32
        %gather3A_494 = tpu.memref_slice %arg6[%gather3A_493] : memref<8192xf32, #tpu.memory_space<vmem>> -> memref<8080xf32, #tpu.memory_space<vmem>>
        %gather3A_495 = tpu.vector_load_idx %gather3A_494[%add3A_487] : memref<8080xf32, #tpu.memory_space<vmem>>[vector<16xi32>], vector<16xf32>,
        %add3A_496 = arith.addf %add3A_451, %gather3A_495 : vector<16xf32>
        %add3A_497 = arith.addf %add3A_452, %add3A_496 : vector<16xf32>
        %gather3A_498 = arith.constant 32 : i32
        %gather3A_499 = tpu.memref_slice %arg6[%gather3A_498] : memref<8192xf32, #tpu.memory_space<vmem>> -> memref<8080xf32, #tpu.memory_space<vmem>>
        %gather3A_500 = tpu.vector_load_idx %gather3A_499[%add3A_487] : memref<8080xf32, #tpu.memory_space<vmem>>[vector<16xi32>], vector<16xf32>,
        %add3A_501 = arith.addf %add3A_456, %gather3A_500 : vector<16xf32>
        %add3A_502 = arith.addf %add3A_457, %add3A_501 : vector<16xf32>
        %gather3A_503 = arith.constant 48 : i32
        %gather3A_504 = tpu.memref_slice %arg6[%gather3A_503] : memref<8192xf32, #tpu.memory_space<vmem>> -> memref<8080xf32, #tpu.memory_space<vmem>>
        %gather3A_505 = tpu.vector_load_idx %gather3A_504[%add3A_487] : memref<8080xf32, #tpu.memory_space<vmem>>[vector<16xi32>], vector<16xf32>,
        %add3A_506 = arith.addf %add3A_461, %gather3A_505 : vector<16xf32>
        %add3A_507 = arith.addf %add3A_462, %add3A_506 : vector<16xf32>
        %gather3A_508 = arith.constant 64 : i32
        %gather3A_509 = tpu.memref_slice %arg6[%gather3A_508] : memref<8192xf32, #tpu.memory_space<vmem>> -> memref<8080xf32, #tpu.memory_space<vmem>>
        %gather3A_510 = tpu.vector_load_idx %gather3A_509[%add3A_487] : memref<8080xf32, #tpu.memory_space<vmem>>[vector<16xi32>], vector<16xf32>,
        %add3A_511 = arith.addf %add3A_466, %gather3A_510 : vector<16xf32>
        %add3A_512 = arith.addf %add3A_467, %add3A_511 : vector<16xf32>
        %gather3A_513 = arith.constant 80 : i32
        %gather3A_514 = tpu.memref_slice %arg6[%gather3A_513] : memref<8192xf32, #tpu.memory_space<vmem>> -> memref<8080xf32, #tpu.memory_space<vmem>>
        %gather3A_515 = tpu.vector_load_idx %gather3A_514[%add3A_487] : memref<8080xf32, #tpu.memory_space<vmem>>[vector<16xi32>], vector<16xf32>,
        %add3A_516 = arith.addf %add3A_471, %gather3A_515 : vector<16xf32>
        %add3A_517 = arith.addf %add3A_472, %add3A_516 : vector<16xf32>
        %gather3A_518 = arith.constant 96 : i32
        %gather3A_519 = tpu.memref_slice %arg6[%gather3A_518] : memref<8192xf32, #tpu.memory_space<vmem>> -> memref<8080xf32, #tpu.memory_space<vmem>>
        %gather3A_520 = tpu.vector_load_idx %gather3A_519[%add3A_487] : memref<8080xf32, #tpu.memory_space<vmem>>[vector<16xi32>], vector<16xf32>,
        %add3A_521 = arith.addf %add3A_476, %gather3A_520 : vector<16xf32>
        %add3A_522 = arith.addf %add3A_477, %add3A_521 : vector<16xf32>
        %gather3A_523 = arith.constant 112 : i32
        %gather3A_524 = tpu.memref_slice %arg6[%gather3A_523] : memref<8192xf32, #tpu.memory_space<vmem>> -> memref<8080xf32, #tpu.memory_space<vmem>>
        %gather3A_525 = tpu.vector_load_idx %gather3A_524[%add3A_487] : memref<8080xf32, #tpu.memory_space<vmem>>[vector<16xi32>], vector<16xf32>,
        %add3A_526 = arith.addf %add3A_481, %gather3A_525 : vector<16xf32>
        %add3A_527 = arith.addf %add3A_482, %add3A_526 : vector<16xf32>
        %broadcast_in_dim3A_528 = arith.constant 5 : i32
        %broadcast_in_dim3A_529 = vector.broadcast %broadcast_in_dim3A_528 : i32 to vector<16x1xi32>
        %gather3A_530 = vector.shape_cast %broadcast_in_dim3A_529 : vector<16x1xi32> to vector<16xi32>
        %gather3A_531 = tpu.dynamic_gather %shift_left3A_46[%gather3A_530] in [0] : vector<16xi32>, vector<16xi32> -> vector<16xi32>
        %add3A_532 = arith.addi %gather3A_531, %iota3A : vector<16xi32>
        %gather3A_533 = arith.constant 0 : i32
        %gather3A_534 = tpu.memref_slice %arg6[%gather3A_533] : memref<8192xf32, #tpu.memory_space<vmem>> -> memref<8080xf32, #tpu.memory_space<vmem>>
        %gather3A_535 = tpu.vector_load_idx %gather3A_534[%add3A_532] : memref<8080xf32, #tpu.memory_space<vmem>>[vector<16xi32>], vector<16xf32>,
        %add3A_536 = arith.addf %add3A_491, %gather3A_535 : vector<16xf32>
        %add3A_537 = arith.addf %add3A_492, %add3A_536 : vector<16xf32>
        %gather3A_538 = arith.constant 16 : i32
        %gather3A_539 = tpu.memref_slice %arg6[%gather3A_538] : memref<8192xf32, #tpu.memory_space<vmem>> -> memref<8080xf32, #tpu.memory_space<vmem>>
        %gather3A_540 = tpu.vector_load_idx %gather3A_539[%add3A_532] : memref<8080xf32, #tpu.memory_space<vmem>>[vector<16xi32>], vector<16xf32>,
        %add3A_541 = arith.addf %add3A_496, %gather3A_540 : vector<16xf32>
        %add3A_542 = arith.addf %add3A_497, %add3A_541 : vector<16xf32>
        %gather3A_543 = arith.constant 32 : i32
        %gather3A_544 = tpu.memref_slice %arg6[%gather3A_543] : memref<8192xf32, #tpu.memory_space<vmem>> -> memref<8080xf32, #tpu.memory_space<vmem>>
        %gather3A_545 = tpu.vector_load_idx %gather3A_544[%add3A_532] : memref<8080xf32, #tpu.memory_space<vmem>>[vector<16xi32>], vector<16xf32>,
        %add3A_546 = arith.addf %add3A_501, %gather3A_545 : vector<16xf32>
        %add3A_547 = arith.addf %add3A_502, %add3A_546 : vector<16xf32>
        %gather3A_548 = arith.constant 48 : i32
        %gather3A_549 = tpu.memref_slice %arg6[%gather3A_548] : memref<8192xf32, #tpu.memory_space<vmem>> -> memref<8080xf32, #tpu.memory_space<vmem>>
        %gather3A_550 = tpu.vector_load_idx %gather3A_549[%add3A_532] : memref<8080xf32, #tpu.memory_space<vmem>>[vector<16xi32>], vector<16xf32>,
        %add3A_551 = arith.addf %add3A_506, %gather3A_550 : vector<16xf32>
        %add3A_552 = arith.addf %add3A_507, %add3A_551 : vector<16xf32>
        %gather3A_553 = arith.constant 64 : i32
        %gather3A_554 = tpu.memref_slice %arg6[%gather3A_553] : memref<8192xf32, #tpu.memory_space<vmem>> -> memref<8080xf32, #tpu.memory_space<vmem>>
        %gather3A_555 = tpu.vector_load_idx %gather3A_554[%add3A_532] : memref<8080xf32, #tpu.memory_space<vmem>>[vector<16xi32>], vector<16xf32>,
        %add3A_556 = arith.addf %add3A_511, %gather3A_555 : vector<16xf32>
        %add3A_557 = arith.addf %add3A_512, %add3A_556 : vector<16xf32>
        %gather3A_558 = arith.constant 80 : i32
        %gather3A_559 = tpu.memref_slice %arg6[%gather3A_558] : memref<8192xf32, #tpu.memory_space<vmem>> -> memref<8080xf32, #tpu.memory_space<vmem>>
        %gather3A_560 = tpu.vector_load_idx %gather3A_559[%add3A_532] : memref<8080xf32, #tpu.memory_space<vmem>>[vector<16xi32>], vector<16xf32>,
        %add3A_561 = arith.addf %add3A_516, %gather3A_560 : vector<16xf32>
        %add3A_562 = arith.addf %add3A_517, %add3A_561 : vector<16xf32>
        %gather3A_563 = arith.constant 96 : i32
        %gather3A_564 = tpu.memref_slice %arg6[%gather3A_563] : memref<8192xf32, #tpu.memory_space<vmem>> -> memref<8080xf32, #tpu.memory_space<vmem>>
        %gather3A_565 = tpu.vector_load_idx %gather3A_564[%add3A_532] : memref<8080xf32, #tpu.memory_space<vmem>>[vector<16xi32>], vector<16xf32>,
        %add3A_566 = arith.addf %add3A_521, %gather3A_565 : vector<16xf32>
        %add3A_567 = arith.addf %add3A_522, %add3A_566 : vector<16xf32>
        %gather3A_568 = arith.constant 112 : i32
        %gather3A_569 = tpu.memref_slice %arg6[%gather3A_568] : memref<8192xf32, #tpu.memory_space<vmem>> -> memref<8080xf32, #tpu.memory_space<vmem>>
        %gather3A_570 = tpu.vector_load_idx %gather3A_569[%add3A_532] : memref<8080xf32, #tpu.memory_space<vmem>>[vector<16xi32>], vector<16xf32>,
        %add3A_571 = arith.addf %add3A_526, %gather3A_570 : vector<16xf32>
        %add3A_572 = arith.addf %add3A_527, %add3A_571 : vector<16xf32>
        %broadcast_in_dim3A_573 = arith.constant 4 : i32
        %broadcast_in_dim3A_574 = vector.broadcast %broadcast_in_dim3A_573 : i32 to vector<16x1xi32>
        %gather3A_575 = vector.shape_cast %broadcast_in_dim3A_574 : vector<16x1xi32> to vector<16xi32>
        %gather3A_576 = tpu.dynamic_gather %shift_left3A_46[%gather3A_575] in [0] : vector<16xi32>, vector<16xi32> -> vector<16xi32>
        %add3A_577 = arith.addi %gather3A_576, %iota3A : vector<16xi32>
        %gather3A_578 = arith.constant 0 : i32
        %gather3A_579 = tpu.memref_slice %arg6[%gather3A_578] : memref<8192xf32, #tpu.memory_space<vmem>> -> memref<8080xf32, #tpu.memory_space<vmem>>
        %gather3A_580 = tpu.vector_load_idx %gather3A_579[%add3A_577] : memref<8080xf32, #tpu.memory_space<vmem>>[vector<16xi32>], vector<16xf32>,
        %add3A_581 = arith.addf %add3A_536, %gather3A_580 : vector<16xf32>
        %add3A_582 = arith.addf %add3A_537, %add3A_581 : vector<16xf32>
        %gather3A_583 = arith.constant 16 : i32
        %gather3A_584 = tpu.memref_slice %arg6[%gather3A_583] : memref<8192xf32, #tpu.memory_space<vmem>> -> memref<8080xf32, #tpu.memory_space<vmem>>
        %gather3A_585 = tpu.vector_load_idx %gather3A_584[%add3A_577] : memref<8080xf32, #tpu.memory_space<vmem>>[vector<16xi32>], vector<16xf32>,
        %add3A_586 = arith.addf %add3A_541, %gather3A_585 : vector<16xf32>
        %add3A_587 = arith.addf %add3A_542, %add3A_586 : vector<16xf32>
        %gather3A_588 = arith.constant 32 : i32
        %gather3A_589 = tpu.memref_slice %arg6[%gather3A_588] : memref<8192xf32, #tpu.memory_space<vmem>> -> memref<8080xf32, #tpu.memory_space<vmem>>
        %gather3A_590 = tpu.vector_load_idx %gather3A_589[%add3A_577] : memref<8080xf32, #tpu.memory_space<vmem>>[vector<16xi32>], vector<16xf32>,
        %add3A_591 = arith.addf %add3A_546, %gather3A_590 : vector<16xf32>
        %add3A_592 = arith.addf %add3A_547, %add3A_591 : vector<16xf32>
        %gather3A_593 = arith.constant 48 : i32
        %gather3A_594 = tpu.memref_slice %arg6[%gather3A_593] : memref<8192xf32, #tpu.memory_space<vmem>> -> memref<8080xf32, #tpu.memory_space<vmem>>
        %gather3A_595 = tpu.vector_load_idx %gather3A_594[%add3A_577] : memref<8080xf32, #tpu.memory_space<vmem>>[vector<16xi32>], vector<16xf32>,
        %add3A_596 = arith.addf %add3A_551, %gather3A_595 : vector<16xf32>
        %add3A_597 = arith.addf %add3A_552, %add3A_596 : vector<16xf32>
        %gather3A_598 = arith.constant 64 : i32
        %gather3A_599 = tpu.memref_slice %arg6[%gather3A_598] : memref<8192xf32, #tpu.memory_space<vmem>> -> memref<8080xf32, #tpu.memory_space<vmem>>
        %gather3A_600 = tpu.vector_load_idx %gather3A_599[%add3A_577] : memref<8080xf32, #tpu.memory_space<vmem>>[vector<16xi32>], vector<16xf32>,
        %add3A_601 = arith.addf %add3A_556, %gather3A_600 : vector<16xf32>
        %add3A_602 = arith.addf %add3A_557, %add3A_601 : vector<16xf32>
        %gather3A_603 = arith.constant 80 : i32
        %gather3A_604 = tpu.memref_slice %arg6[%gather3A_603] : memref<8192xf32, #tpu.memory_space<vmem>> -> memref<8080xf32, #tpu.memory_space<vmem>>
        %gather3A_605 = tpu.vector_load_idx %gather3A_604[%add3A_577] : memref<8080xf32, #tpu.memory_space<vmem>>[vector<16xi32>], vector<16xf32>,
        %add3A_606 = arith.addf %add3A_561, %gather3A_605 : vector<16xf32>
        %add3A_607 = arith.addf %add3A_562, %add3A_606 : vector<16xf32>
        %gather3A_608 = arith.constant 96 : i32
        %gather3A_609 = tpu.memref_slice %arg6[%gather3A_608] : memref<8192xf32, #tpu.memory_space<vmem>> -> memref<8080xf32, #tpu.memory_space<vmem>>
        %gather3A_610 = tpu.vector_load_idx %gather3A_609[%add3A_577] : memref<8080xf32, #tpu.memory_space<vmem>>[vector<16xi32>], vector<16xf32>,
        %add3A_611 = arith.addf %add3A_566, %gather3A_610 : vector<16xf32>
        %add3A_612 = arith.addf %add3A_567, %add3A_611 : vector<16xf32>
        %gather3A_613 = arith.constant 112 : i32
        %gather3A_614 = tpu.memref_slice %arg6[%gather3A_613] : memref<8192xf32, #tpu.memory_space<vmem>> -> memref<8080xf32, #tpu.memory_space<vmem>>
        %gather3A_615 = tpu.vector_load_idx %gather3A_614[%add3A_577] : memref<8080xf32, #tpu.memory_space<vmem>>[vector<16xi32>], vector<16xf32>,
        %add3A_616 = arith.addf %add3A_571, %gather3A_615 : vector<16xf32>
        %add3A_617 = arith.addf %add3A_572, %add3A_616 : vector<16xf32>
        %broadcast_in_dim3A_618 = arith.constant 3 : i32
        %broadcast_in_dim3A_619 = vector.broadcast %broadcast_in_dim3A_618 : i32 to vector<16x1xi32>
        %gather3A_620 = vector.shape_cast %broadcast_in_dim3A_619 : vector<16x1xi32> to vector<16xi32>
        %gather3A_621 = tpu.dynamic_gather %shift_left3A_46[%gather3A_620] in [0] : vector<16xi32>, vector<16xi32> -> vector<16xi32>
        %add3A_622 = arith.addi %gather3A_621, %iota3A : vector<16xi32>
        %gather3A_623 = arith.constant 0 : i32
        %gather3A_624 = tpu.memref_slice %arg6[%gather3A_623] : memref<8192xf32, #tpu.memory_space<vmem>> -> memref<8080xf32, #tpu.memory_space<vmem>>
        %gather3A_625 = tpu.vector_load_idx %gather3A_624[%add3A_622] : memref<8080xf32, #tpu.memory_space<vmem>>[vector<16xi32>], vector<16xf32>,
        %add3A_626 = arith.addf %add3A_581, %gather3A_625 : vector<16xf32>
        %add3A_627 = arith.addf %add3A_582, %add3A_626 : vector<16xf32>
        %gather3A_628 = arith.constant 16 : i32
        %gather3A_629 = tpu.memref_slice %arg6[%gather3A_628] : memref<8192xf32, #tpu.memory_space<vmem>> -> memref<8080xf32, #tpu.memory_space<vmem>>
        %gather3A_630 = tpu.vector_load_idx %gather3A_629[%add3A_622] : memref<8080xf32, #tpu.memory_space<vmem>>[vector<16xi32>], vector<16xf32>,
        %add3A_631 = arith.addf %add3A_586, %gather3A_630 : vector<16xf32>
        %add3A_632 = arith.addf %add3A_587, %add3A_631 : vector<16xf32>
        %gather3A_633 = arith.constant 32 : i32
        %gather3A_634 = tpu.memref_slice %arg6[%gather3A_633] : memref<8192xf32, #tpu.memory_space<vmem>> -> memref<8080xf32, #tpu.memory_space<vmem>>
        %gather3A_635 = tpu.vector_load_idx %gather3A_634[%add3A_622] : memref<8080xf32, #tpu.memory_space<vmem>>[vector<16xi32>], vector<16xf32>,
        %add3A_636 = arith.addf %add3A_591, %gather3A_635 : vector<16xf32>
        %add3A_637 = arith.addf %add3A_592, %add3A_636 : vector<16xf32>
        %gather3A_638 = arith.constant 48 : i32
        %gather3A_639 = tpu.memref_slice %arg6[%gather3A_638] : memref<8192xf32, #tpu.memory_space<vmem>> -> memref<8080xf32, #tpu.memory_space<vmem>>
        %gather3A_640 = tpu.vector_load_idx %gather3A_639[%add3A_622] : memref<8080xf32, #tpu.memory_space<vmem>>[vector<16xi32>], vector<16xf32>,
        %add3A_641 = arith.addf %add3A_596, %gather3A_640 : vector<16xf32>
        %add3A_642 = arith.addf %add3A_597, %add3A_641 : vector<16xf32>
        %gather3A_643 = arith.constant 64 : i32
        %gather3A_644 = tpu.memref_slice %arg6[%gather3A_643] : memref<8192xf32, #tpu.memory_space<vmem>> -> memref<8080xf32, #tpu.memory_space<vmem>>
        %gather3A_645 = tpu.vector_load_idx %gather3A_644[%add3A_622] : memref<8080xf32, #tpu.memory_space<vmem>>[vector<16xi32>], vector<16xf32>,
        %add3A_646 = arith.addf %add3A_601, %gather3A_645 : vector<16xf32>
        %add3A_647 = arith.addf %add3A_602, %add3A_646 : vector<16xf32>
        %gather3A_648 = arith.constant 80 : i32
        %gather3A_649 = tpu.memref_slice %arg6[%gather3A_648] : memref<8192xf32, #tpu.memory_space<vmem>> -> memref<8080xf32, #tpu.memory_space<vmem>>
        %gather3A_650 = tpu.vector_load_idx %gather3A_649[%add3A_622] : memref<8080xf32, #tpu.memory_space<vmem>>[vector<16xi32>], vector<16xf32>,
        %add3A_651 = arith.addf %add3A_606, %gather3A_650 : vector<16xf32>
        %add3A_652 = arith.addf %add3A_607, %add3A_651 : vector<16xf32>
        %gather3A_653 = arith.constant 96 : i32
        %gather3A_654 = tpu.memref_slice %arg6[%gather3A_653] : memref<8192xf32, #tpu.memory_space<vmem>> -> memref<8080xf32, #tpu.memory_space<vmem>>
        %gather3A_655 = tpu.vector_load_idx %gather3A_654[%add3A_622] : memref<8080xf32, #tpu.memory_space<vmem>>[vector<16xi32>], vector<16xf32>,
        %add3A_656 = arith.addf %add3A_611, %gather3A_655 : vector<16xf32>
        %add3A_657 = arith.addf %add3A_612, %add3A_656 : vector<16xf32>
        %gather3A_658 = arith.constant 112 : i32
        %gather3A_659 = tpu.memref_slice %arg6[%gather3A_658] : memref<8192xf32, #tpu.memory_space<vmem>> -> memref<8080xf32, #tpu.memory_space<vmem>>
        %gather3A_660 = tpu.vector_load_idx %gather3A_659[%add3A_622] : memref<8080xf32, #tpu.memory_space<vmem>>[vector<16xi32>], vector<16xf32>,
        %add3A_661 = arith.addf %add3A_616, %gather3A_660 : vector<16xf32>
        %add3A_662 = arith.addf %add3A_617, %add3A_661 : vector<16xf32>
        %broadcast_in_dim3A_663 = arith.constant 2 : i32
        %broadcast_in_dim3A_664 = vector.broadcast %broadcast_in_dim3A_663 : i32 to vector<16x1xi32>
        %gather3A_665 = vector.shape_cast %broadcast_in_dim3A_664 : vector<16x1xi32> to vector<16xi32>
        %gather3A_666 = tpu.dynamic_gather %shift_left3A_46[%gather3A_665] in [0] : vector<16xi32>, vector<16xi32> -> vector<16xi32>
        %add3A_667 = arith.addi %gather3A_666, %iota3A : vector<16xi32>
        %gather3A_668 = arith.constant 0 : i32
        %gather3A_669 = tpu.memref_slice %arg6[%gather3A_668] : memref<8192xf32, #tpu.memory_space<vmem>> -> memref<8080xf32, #tpu.memory_space<vmem>>
        %gather3A_670 = tpu.vector_load_idx %gather3A_669[%add3A_667] : memref<8080xf32, #tpu.memory_space<vmem>>[vector<16xi32>], vector<16xf32>,
        %add3A_671 = arith.addf %add3A_626, %gather3A_670 : vector<16xf32>
        %add3A_672 = arith.addf %add3A_627, %add3A_671 : vector<16xf32>
        %gather3A_673 = arith.constant 16 : i32
        %gather3A_674 = tpu.memref_slice %arg6[%gather3A_673] : memref<8192xf32, #tpu.memory_space<vmem>> -> memref<8080xf32, #tpu.memory_space<vmem>>
        %gather3A_675 = tpu.vector_load_idx %gather3A_674[%add3A_667] : memref<8080xf32, #tpu.memory_space<vmem>>[vector<16xi32>], vector<16xf32>,
        %add3A_676 = arith.addf %add3A_631, %gather3A_675 : vector<16xf32>
        %add3A_677 = arith.addf %add3A_632, %add3A_676 : vector<16xf32>
        %gather3A_678 = arith.constant 32 : i32
        %gather3A_679 = tpu.memref_slice %arg6[%gather3A_678] : memref<8192xf32, #tpu.memory_space<vmem>> -> memref<8080xf32, #tpu.memory_space<vmem>>
        %gather3A_680 = tpu.vector_load_idx %gather3A_679[%add3A_667] : memref<8080xf32, #tpu.memory_space<vmem>>[vector<16xi32>], vector<16xf32>,
        %add3A_681 = arith.addf %add3A_636, %gather3A_680 : vector<16xf32>
        %add3A_682 = arith.addf %add3A_637, %add3A_681 : vector<16xf32>
        %gather3A_683 = arith.constant 48 : i32
        %gather3A_684 = tpu.memref_slice %arg6[%gather3A_683] : memref<8192xf32, #tpu.memory_space<vmem>> -> memref<8080xf32, #tpu.memory_space<vmem>>
        %gather3A_685 = tpu.vector_load_idx %gather3A_684[%add3A_667] : memref<8080xf32, #tpu.memory_space<vmem>>[vector<16xi32>], vector<16xf32>,
        %add3A_686 = arith.addf %add3A_641, %gather3A_685 : vector<16xf32>
        %add3A_687 = arith.addf %add3A_642, %add3A_686 : vector<16xf32>
        %gather3A_688 = arith.constant 64 : i32
        %gather3A_689 = tpu.memref_slice %arg6[%gather3A_688] : memref<8192xf32, #tpu.memory_space<vmem>> -> memref<8080xf32, #tpu.memory_space<vmem>>
        %gather3A_690 = tpu.vector_load_idx %gather3A_689[%add3A_667] : memref<8080xf32, #tpu.memory_space<vmem>>[vector<16xi32>], vector<16xf32>,
        %add3A_691 = arith.addf %add3A_646, %gather3A_690 : vector<16xf32>
        %add3A_692 = arith.addf %add3A_647, %add3A_691 : vector<16xf32>
        %gather3A_693 = arith.constant 80 : i32
        %gather3A_694 = tpu.memref_slice %arg6[%gather3A_693] : memref<8192xf32, #tpu.memory_space<vmem>> -> memref<8080xf32, #tpu.memory_space<vmem>>
        %gather3A_695 = tpu.vector_load_idx %gather3A_694[%add3A_667] : memref<8080xf32, #tpu.memory_space<vmem>>[vector<16xi32>], vector<16xf32>,
        %add3A_696 = arith.addf %add3A_651, %gather3A_695 : vector<16xf32>
        %add3A_697 = arith.addf %add3A_652, %add3A_696 : vector<16xf32>
        %gather3A_698 = arith.constant 96 : i32
        %gather3A_699 = tpu.memref_slice %arg6[%gather3A_698] : memref<8192xf32, #tpu.memory_space<vmem>> -> memref<8080xf32, #tpu.memory_space<vmem>>
        %gather3A_700 = tpu.vector_load_idx %gather3A_699[%add3A_667] : memref<8080xf32, #tpu.memory_space<vmem>>[vector<16xi32>], vector<16xf32>,
        %add3A_701 = arith.addf %add3A_656, %gather3A_700 : vector<16xf32>
        %add3A_702 = arith.addf %add3A_657, %add3A_701 : vector<16xf32>
        %gather3A_703 = arith.constant 112 : i32
        %gather3A_704 = tpu.memref_slice %arg6[%gather3A_703] : memref<8192xf32, #tpu.memory_space<vmem>> -> memref<8080xf32, #tpu.memory_space<vmem>>
        %gather3A_705 = tpu.vector_load_idx %gather3A_704[%add3A_667] : memref<8080xf32, #tpu.memory_space<vmem>>[vector<16xi32>], vector<16xf32>,
        %add3A_706 = arith.addf %add3A_661, %gather3A_705 : vector<16xf32>
        %add3A_707 = arith.addf %add3A_662, %add3A_706 : vector<16xf32>
        %broadcast_in_dim3A_708 = arith.constant 1 : i32
        %broadcast_in_dim3A_709 = vector.broadcast %broadcast_in_dim3A_708 : i32 to vector<16x1xi32>
        %gather3A_710 = vector.shape_cast %broadcast_in_dim3A_709 : vector<16x1xi32> to vector<16xi32>
        %gather3A_711 = tpu.dynamic_gather %shift_left3A_46[%gather3A_710] in [0] : vector<16xi32>, vector<16xi32> -> vector<16xi32>
        %add3A_712 = arith.addi %gather3A_711, %iota3A : vector<16xi32>
        %gather3A_713 = arith.constant 0 : i32
        %gather3A_714 = tpu.memref_slice %arg6[%gather3A_713] : memref<8192xf32, #tpu.memory_space<vmem>> -> memref<8080xf32, #tpu.memory_space<vmem>>
        %gather3A_715 = tpu.vector_load_idx %gather3A_714[%add3A_712] : memref<8080xf32, #tpu.memory_space<vmem>>[vector<16xi32>], vector<16xf32>,
        %add3A_716 = arith.addf %add3A_671, %gather3A_715 : vector<16xf32>
        %add3A_717 = arith.addf %add3A_672, %add3A_716 : vector<16xf32>
        %gather3A_718 = arith.constant 16 : i32
        %gather3A_719 = tpu.memref_slice %arg6[%gather3A_718] : memref<8192xf32, #tpu.memory_space<vmem>> -> memref<8080xf32, #tpu.memory_space<vmem>>
        %gather3A_720 = tpu.vector_load_idx %gather3A_719[%add3A_712] : memref<8080xf32, #tpu.memory_space<vmem>>[vector<16xi32>], vector<16xf32>,
        %add3A_721 = arith.addf %add3A_676, %gather3A_720 : vector<16xf32>
        %add3A_722 = arith.addf %add3A_677, %add3A_721 : vector<16xf32>
        %gather3A_723 = arith.constant 32 : i32
        %gather3A_724 = tpu.memref_slice %arg6[%gather3A_723] : memref<8192xf32, #tpu.memory_space<vmem>> -> memref<8080xf32, #tpu.memory_space<vmem>>
        %gather3A_725 = tpu.vector_load_idx %gather3A_724[%add3A_712] : memref<8080xf32, #tpu.memory_space<vmem>>[vector<16xi32>], vector<16xf32>,
        %add3A_726 = arith.addf %add3A_681, %gather3A_725 : vector<16xf32>
        %add3A_727 = arith.addf %add3A_682, %add3A_726 : vector<16xf32>
        %gather3A_728 = arith.constant 48 : i32
        %gather3A_729 = tpu.memref_slice %arg6[%gather3A_728] : memref<8192xf32, #tpu.memory_space<vmem>> -> memref<8080xf32, #tpu.memory_space<vmem>>
        %gather3A_730 = tpu.vector_load_idx %gather3A_729[%add3A_712] : memref<8080xf32, #tpu.memory_space<vmem>>[vector<16xi32>], vector<16xf32>,
        %add3A_731 = arith.addf %add3A_686, %gather3A_730 : vector<16xf32>
        %add3A_732 = arith.addf %add3A_687, %add3A_731 : vector<16xf32>
        %gather3A_733 = arith.constant 64 : i32
        %gather3A_734 = tpu.memref_slice %arg6[%gather3A_733] : memref<8192xf32, #tpu.memory_space<vmem>> -> memref<8080xf32, #tpu.memory_space<vmem>>
        %gather3A_735 = tpu.vector_load_idx %gather3A_734[%add3A_712] : memref<8080xf32, #tpu.memory_space<vmem>>[vector<16xi32>], vector<16xf32>,
        %add3A_736 = arith.addf %add3A_691, %gather3A_735 : vector<16xf32>
        %add3A_737 = arith.addf %add3A_692, %add3A_736 : vector<16xf32>
        %gather3A_738 = arith.constant 80 : i32
        %gather3A_739 = tpu.memref_slice %arg6[%gather3A_738] : memref<8192xf32, #tpu.memory_space<vmem>> -> memref<8080xf32, #tpu.memory_space<vmem>>
        %gather3A_740 = tpu.vector_load_idx %gather3A_739[%add3A_712] : memref<8080xf32, #tpu.memory_space<vmem>>[vector<16xi32>], vector<16xf32>,
        %add3A_741 = arith.addf %add3A_696, %gather3A_740 : vector<16xf32>
        %add3A_742 = arith.addf %add3A_697, %add3A_741 : vector<16xf32>
        %gather3A_743 = arith.constant 96 : i32
        %gather3A_744 = tpu.memref_slice %arg6[%gather3A_743] : memref<8192xf32, #tpu.memory_space<vmem>> -> memref<8080xf32, #tpu.memory_space<vmem>>
        %gather3A_745 = tpu.vector_load_idx %gather3A_744[%add3A_712] : memref<8080xf32, #tpu.memory_space<vmem>>[vector<16xi32>], vector<16xf32>,
        %add3A_746 = arith.addf %add3A_701, %gather3A_745 : vector<16xf32>
        %add3A_747 = arith.addf %add3A_702, %add3A_746 : vector<16xf32>
        %gather3A_748 = arith.constant 112 : i32
        %gather3A_749 = tpu.memref_slice %arg6[%gather3A_748] : memref<8192xf32, #tpu.memory_space<vmem>> -> memref<8080xf32, #tpu.memory_space<vmem>>
        %gather3A_750 = tpu.vector_load_idx %gather3A_749[%add3A_712] : memref<8080xf32, #tpu.memory_space<vmem>>[vector<16xi32>], vector<16xf32>,
        %add3A_751 = arith.addf %add3A_706, %gather3A_750 : vector<16xf32>
        %add3A_752 = arith.addf %add3A_707, %add3A_751 : vector<16xf32>
        %broadcast_in_dim3A_753 = arith.constant 0 : i32
        %broadcast_in_dim3A_754 = vector.broadcast %broadcast_in_dim3A_753 : i32 to vector<16x1xi32>
        %gather3A_755 = vector.shape_cast %broadcast_in_dim3A_754 : vector<16x1xi32> to vector<16xi32>
        %gather3A_756 = tpu.dynamic_gather %shift_left3A_46[%gather3A_755] in [0] : vector<16xi32>, vector<16xi32> -> vector<16xi32>
        %add3A_757 = arith.addi %gather3A_756, %iota3A : vector<16xi32>
        %gather3A_758 = arith.constant 0 : i32
        %gather3A_759 = tpu.memref_slice %arg6[%gather3A_758] : memref<8192xf32, #tpu.memory_space<vmem>> -> memref<8080xf32, #tpu.memory_space<vmem>>
        %gather3A_760 = tpu.vector_load_idx %gather3A_759[%add3A_757] : memref<8080xf32, #tpu.memory_space<vmem>>[vector<16xi32>], vector<16xf32>,
        %add3A_761 = arith.addf %add3A_716, %gather3A_760 : vector<16xf32>
        %add3A_762 = arith.addf %add3A_717, %add3A_761 : vector<16xf32>
        %gather3A_763 = arith.constant 16 : i32
        %gather3A_764 = tpu.memref_slice %arg6[%gather3A_763] : memref<8192xf32, #tpu.memory_space<vmem>> -> memref<8080xf32, #tpu.memory_space<vmem>>
        %gather3A_765 = tpu.vector_load_idx %gather3A_764[%add3A_757] : memref<8080xf32, #tpu.memory_space<vmem>>[vector<16xi32>], vector<16xf32>,
        %add3A_766 = arith.addf %add3A_721, %gather3A_765 : vector<16xf32>
        %add3A_767 = arith.addf %add3A_722, %add3A_766 : vector<16xf32>
        %gather3A_768 = arith.constant 32 : i32
        %gather3A_769 = tpu.memref_slice %arg6[%gather3A_768] : memref<8192xf32, #tpu.memory_space<vmem>> -> memref<8080xf32, #tpu.memory_space<vmem>>
        %gather3A_770 = tpu.vector_load_idx %gather3A_769[%add3A_757] : memref<8080xf32, #tpu.memory_space<vmem>>[vector<16xi32>], vector<16xf32>,
        %add3A_771 = arith.addf %add3A_726, %gather3A_770 : vector<16xf32>
        %add3A_772 = arith.addf %add3A_727, %add3A_771 : vector<16xf32>
        %gather3A_773 = arith.constant 48 : i32
        %gather3A_774 = tpu.memref_slice %arg6[%gather3A_773] : memref<8192xf32, #tpu.memory_space<vmem>> -> memref<8080xf32, #tpu.memory_space<vmem>>
        %gather3A_775 = tpu.vector_load_idx %gather3A_774[%add3A_757] : memref<8080xf32, #tpu.memory_space<vmem>>[vector<16xi32>], vector<16xf32>,
        %add3A_776 = arith.addf %add3A_731, %gather3A_775 : vector<16xf32>
        %add3A_777 = arith.addf %add3A_732, %add3A_776 : vector<16xf32>
        %gather3A_778 = arith.constant 64 : i32
        %gather3A_779 = tpu.memref_slice %arg6[%gather3A_778] : memref<8192xf32, #tpu.memory_space<vmem>> -> memref<8080xf32, #tpu.memory_space<vmem>>
        %gather3A_780 = tpu.vector_load_idx %gather3A_779[%add3A_757] : memref<8080xf32, #tpu.memory_space<vmem>>[vector<16xi32>], vector<16xf32>,
        %add3A_781 = arith.addf %add3A_736, %gather3A_780 : vector<16xf32>
        %add3A_782 = arith.addf %add3A_737, %add3A_781 : vector<16xf32>
        %gather3A_783 = arith.constant 80 : i32
        %gather3A_784 = tpu.memref_slice %arg6[%gather3A_783] : memref<8192xf32, #tpu.memory_space<vmem>> -> memref<8080xf32, #tpu.memory_space<vmem>>
        %gather3A_785 = tpu.vector_load_idx %gather3A_784[%add3A_757] : memref<8080xf32, #tpu.memory_space<vmem>>[vector<16xi32>], vector<16xf32>,
        %add3A_786 = arith.addf %add3A_741, %gather3A_785 : vector<16xf32>
        %add3A_787 = arith.addf %add3A_742, %add3A_786 : vector<16xf32>
        %gather3A_788 = arith.constant 96 : i32
        %gather3A_789 = tpu.memref_slice %arg6[%gather3A_788] : memref<8192xf32, #tpu.memory_space<vmem>> -> memref<8080xf32, #tpu.memory_space<vmem>>
        %gather3A_790 = tpu.vector_load_idx %gather3A_789[%add3A_757] : memref<8080xf32, #tpu.memory_space<vmem>>[vector<16xi32>], vector<16xf32>,
        %add3A_791 = arith.addf %add3A_746, %gather3A_790 : vector<16xf32>
        %add3A_792 = arith.addf %add3A_747, %add3A_791 : vector<16xf32>
        %gather3A_793 = arith.constant 112 : i32
        %gather3A_794 = tpu.memref_slice %arg6[%gather3A_793] : memref<8192xf32, #tpu.memory_space<vmem>> -> memref<8080xf32, #tpu.memory_space<vmem>>
        %gather3A_795 = tpu.vector_load_idx %gather3A_794[%add3A_757] : memref<8080xf32, #tpu.memory_space<vmem>>[vector<16xi32>], vector<16xf32>,
        %add3A_796 = arith.addf %add3A_751, %gather3A_795 : vector<16xf32>
        %add3A_797 = arith.addf %add3A_752, %add3A_796 : vector<16xf32>
        %broadcast_in_dim3A_798 = arith.constant 15 : i32
        %broadcast_in_dim3A_799 = vector.broadcast %broadcast_in_dim3A_798 : i32 to vector<16x1xi32>
        %gather3A_800 = vector.shape_cast %broadcast_in_dim3A_799 : vector<16x1xi32> to vector<16xi32>
        %gather3A_801 = tpu.dynamic_gather %shift_left3A_39[%gather3A_800] in [0] : vector<16xi32>, vector<16xi32> -> vector<16xi32>
        %add3A_802 = arith.addi %gather3A_801, %iota3A : vector<16xi32>
        %gather3A_803 = arith.constant 0 : i32
        %gather3A_804 = tpu.memref_slice %arg6[%gather3A_803] : memref<8192xf32, #tpu.memory_space<vmem>> -> memref<8080xf32, #tpu.memory_space<vmem>>
        %gather3A_805 = tpu.vector_load_idx %gather3A_804[%add3A_802] : memref<8080xf32, #tpu.memory_space<vmem>>[vector<16xi32>], vector<16xf32>,
        %add3A_806 = arith.addf %add3A_761, %gather3A_805 : vector<16xf32>
        %add3A_807 = arith.addf %add3A_762, %add3A_806 : vector<16xf32>
        %gather3A_808 = arith.constant 16 : i32
        %gather3A_809 = tpu.memref_slice %arg6[%gather3A_808] : memref<8192xf32, #tpu.memory_space<vmem>> -> memref<8080xf32, #tpu.memory_space<vmem>>
        %gather3A_810 = tpu.vector_load_idx %gather3A_809[%add3A_802] : memref<8080xf32, #tpu.memory_space<vmem>>[vector<16xi32>], vector<16xf32>,
        %add3A_811 = arith.addf %add3A_766, %gather3A_810 : vector<16xf32>
        %add3A_812 = arith.addf %add3A_767, %add3A_811 : vector<16xf32>
        %gather3A_813 = arith.constant 32 : i32
        %gather3A_814 = tpu.memref_slice %arg6[%gather3A_813] : memref<8192xf32, #tpu.memory_space<vmem>> -> memref<8080xf32, #tpu.memory_space<vmem>>
        %gather3A_815 = tpu.vector_load_idx %gather3A_814[%add3A_802] : memref<8080xf32, #tpu.memory_space<vmem>>[vector<16xi32>], vector<16xf32>,
        %add3A_816 = arith.addf %add3A_771, %gather3A_815 : vector<16xf32>
        %add3A_817 = arith.addf %add3A_772, %add3A_816 : vector<16xf32>
        %gather3A_818 = arith.constant 48 : i32
        %gather3A_819 = tpu.memref_slice %arg6[%gather3A_818] : memref<8192xf32, #tpu.memory_space<vmem>> -> memref<8080xf32, #tpu.memory_space<vmem>>
        %gather3A_820 = tpu.vector_load_idx %gather3A_819[%add3A_802] : memref<8080xf32, #tpu.memory_space<vmem>>[vector<16xi32>], vector<16xf32>,
        %add3A_821 = arith.addf %add3A_776, %gather3A_820 : vector<16xf32>
        %add3A_822 = arith.addf %add3A_777, %add3A_821 : vector<16xf32>
        %gather3A_823 = arith.constant 64 : i32
        %gather3A_824 = tpu.memref_slice %arg6[%gather3A_823] : memref<8192xf32, #tpu.memory_space<vmem>> -> memref<8080xf32, #tpu.memory_space<vmem>>
        %gather3A_825 = tpu.vector_load_idx %gather3A_824[%add3A_802] : memref<8080xf32, #tpu.memory_space<vmem>>[vector<16xi32>], vector<16xf32>,
        %add3A_826 = arith.addf %add3A_781, %gather3A_825 : vector<16xf32>
        %add3A_827 = arith.addf %add3A_782, %add3A_826 : vector<16xf32>
        %gather3A_828 = arith.constant 80 : i32
        %gather3A_829 = tpu.memref_slice %arg6[%gather3A_828] : memref<8192xf32, #tpu.memory_space<vmem>> -> memref<8080xf32, #tpu.memory_space<vmem>>
        %gather3A_830 = tpu.vector_load_idx %gather3A_829[%add3A_802] : memref<8080xf32, #tpu.memory_space<vmem>>[vector<16xi32>], vector<16xf32>,
        %add3A_831 = arith.addf %add3A_786, %gather3A_830 : vector<16xf32>
        %add3A_832 = arith.addf %add3A_787, %add3A_831 : vector<16xf32>
        %gather3A_833 = arith.constant 96 : i32
        %gather3A_834 = tpu.memref_slice %arg6[%gather3A_833] : memref<8192xf32, #tpu.memory_space<vmem>> -> memref<8080xf32, #tpu.memory_space<vmem>>
        %gather3A_835 = tpu.vector_load_idx %gather3A_834[%add3A_802] : memref<8080xf32, #tpu.memory_space<vmem>>[vector<16xi32>], vector<16xf32>,
        %add3A_836 = arith.addf %add3A_791, %gather3A_835 : vector<16xf32>
        %add3A_837 = arith.addf %add3A_792, %add3A_836 : vector<16xf32>
        %gather3A_838 = arith.constant 112 : i32
        %gather3A_839 = tpu.memref_slice %arg6[%gather3A_838] : memref<8192xf32, #tpu.memory_space<vmem>> -> memref<8080xf32, #tpu.memory_space<vmem>>
        %gather3A_840 = tpu.vector_load_idx %gather3A_839[%add3A_802] : memref<8080xf32, #tpu.memory_space<vmem>>[vector<16xi32>], vector<16xf32>,
        %add3A_841 = arith.addf %add3A_796, %gather3A_840 : vector<16xf32>
        %add3A_842 = arith.addf %add3A_797, %add3A_841 : vector<16xf32>
        %broadcast_in_dim3A_843 = arith.constant 14 : i32
        %broadcast_in_dim3A_844 = vector.broadcast %broadcast_in_dim3A_843 : i32 to vector<16x1xi32>
        %gather3A_845 = vector.shape_cast %broadcast_in_dim3A_844 : vector<16x1xi32> to vector<16xi32>
        %gather3A_846 = tpu.dynamic_gather %shift_left3A_39[%gather3A_845] in [0] : vector<16xi32>, vector<16xi32> -> vector<16xi32>
        %add3A_847 = arith.addi %gather3A_846, %iota3A : vector<16xi32>
        %gather3A_848 = arith.constant 0 : i32
        %gather3A_849 = tpu.memref_slice %arg6[%gather3A_848] : memref<8192xf32, #tpu.memory_space<vmem>> -> memref<8080xf32, #tpu.memory_space<vmem>>
        %gather3A_850 = tpu.vector_load_idx %gather3A_849[%add3A_847] : memref<8080xf32, #tpu.memory_space<vmem>>[vector<16xi32>], vector<16xf32>,
        %add3A_851 = arith.addf %add3A_806, %gather3A_850 : vector<16xf32>
        %add3A_852 = arith.addf %add3A_807, %add3A_851 : vector<16xf32>
        %gather3A_853 = arith.constant 16 : i32
        %gather3A_854 = tpu.memref_slice %arg6[%gather3A_853] : memref<8192xf32, #tpu.memory_space<vmem>> -> memref<8080xf32, #tpu.memory_space<vmem>>
        %gather3A_855 = tpu.vector_load_idx %gather3A_854[%add3A_847] : memref<8080xf32, #tpu.memory_space<vmem>>[vector<16xi32>], vector<16xf32>,
        %add3A_856 = arith.addf %add3A_811, %gather3A_855 : vector<16xf32>
        %add3A_857 = arith.addf %add3A_812, %add3A_856 : vector<16xf32>
        %gather3A_858 = arith.constant 32 : i32
        %gather3A_859 = tpu.memref_slice %arg6[%gather3A_858] : memref<8192xf32, #tpu.memory_space<vmem>> -> memref<8080xf32, #tpu.memory_space<vmem>>
        %gather3A_860 = tpu.vector_load_idx %gather3A_859[%add3A_847] : memref<8080xf32, #tpu.memory_space<vmem>>[vector<16xi32>], vector<16xf32>,
        %add3A_861 = arith.addf %add3A_816, %gather3A_860 : vector<16xf32>
        %add3A_862 = arith.addf %add3A_817, %add3A_861 : vector<16xf32>
        %gather3A_863 = arith.constant 48 : i32
        %gather3A_864 = tpu.memref_slice %arg6[%gather3A_863] : memref<8192xf32, #tpu.memory_space<vmem>> -> memref<8080xf32, #tpu.memory_space<vmem>>
        %gather3A_865 = tpu.vector_load_idx %gather3A_864[%add3A_847] : memref<8080xf32, #tpu.memory_space<vmem>>[vector<16xi32>], vector<16xf32>,
        %add3A_866 = arith.addf %add3A_821, %gather3A_865 : vector<16xf32>
        %add3A_867 = arith.addf %add3A_822, %add3A_866 : vector<16xf32>
        %gather3A_868 = arith.constant 64 : i32
        %gather3A_869 = tpu.memref_slice %arg6[%gather3A_868] : memref<8192xf32, #tpu.memory_space<vmem>> -> memref<8080xf32, #tpu.memory_space<vmem>>
        %gather3A_870 = tpu.vector_load_idx %gather3A_869[%add3A_847] : memref<8080xf32, #tpu.memory_space<vmem>>[vector<16xi32>], vector<16xf32>,
        %add3A_871 = arith.addf %add3A_826, %gather3A_870 : vector<16xf32>
        %add3A_872 = arith.addf %add3A_827, %add3A_871 : vector<16xf32>
        %gather3A_873 = arith.constant 80 : i32
        %gather3A_874 = tpu.memref_slice %arg6[%gather3A_873] : memref<8192xf32, #tpu.memory_space<vmem>> -> memref<8080xf32, #tpu.memory_space<vmem>>
        %gather3A_875 = tpu.vector_load_idx %gather3A_874[%add3A_847] : memref<8080xf32, #tpu.memory_space<vmem>>[vector<16xi32>], vector<16xf32>,
        %add3A_876 = arith.addf %add3A_831, %gather3A_875 : vector<16xf32>
        %add3A_877 = arith.addf %add3A_832, %add3A_876 : vector<16xf32>
        %gather3A_878 = arith.constant 96 : i32
        %gather3A_879 = tpu.memref_slice %arg6[%gather3A_878] : memref<8192xf32, #tpu.memory_space<vmem>> -> memref<8080xf32, #tpu.memory_space<vmem>>
        %gather3A_880 = tpu.vector_load_idx %gather3A_879[%add3A_847] : memref<8080xf32, #tpu.memory_space<vmem>>[vector<16xi32>], vector<16xf32>,
        %add3A_881 = arith.addf %add3A_836, %gather3A_880 : vector<16xf32>
        %add3A_882 = arith.addf %add3A_837, %add3A_881 : vector<16xf32>
        %gather3A_883 = arith.constant 112 : i32
        %gather3A_884 = tpu.memref_slice %arg6[%gather3A_883] : memref<8192xf32, #tpu.memory_space<vmem>> -> memref<8080xf32, #tpu.memory_space<vmem>>
        %gather3A_885 = tpu.vector_load_idx %gather3A_884[%add3A_847] : memref<8080xf32, #tpu.memory_space<vmem>>[vector<16xi32>], vector<16xf32>,
        %add3A_886 = arith.addf %add3A_841, %gather3A_885 : vector<16xf32>
        %add3A_887 = arith.addf %add3A_842, %add3A_886 : vector<16xf32>
        %broadcast_in_dim3A_888 = arith.constant 13 : i32
        %broadcast_in_dim3A_889 = vector.broadcast %broadcast_in_dim3A_888 : i32 to vector<16x1xi32>
        %gather3A_890 = vector.shape_cast %broadcast_in_dim3A_889 : vector<16x1xi32> to vector<16xi32>
        %gather3A_891 = tpu.dynamic_gather %shift_left3A_39[%gather3A_890] in [0] : vector<16xi32>, vector<16xi32> -> vector<16xi32>
        %add3A_892 = arith.addi %gather3A_891, %iota3A : vector<16xi32>
        %gather3A_893 = arith.constant 0 : i32
        %gather3A_894 = tpu.memref_slice %arg6[%gather3A_893] : memref<8192xf32, #tpu.memory_space<vmem>> -> memref<8080xf32, #tpu.memory_space<vmem>>
        %gather3A_895 = tpu.vector_load_idx %gather3A_894[%add3A_892] : memref<8080xf32, #tpu.memory_space<vmem>>[vector<16xi32>], vector<16xf32>,
        %add3A_896 = arith.addf %add3A_851, %gather3A_895 : vector<16xf32>
        %add3A_897 = arith.addf %add3A_852, %add3A_896 : vector<16xf32>
        %gather3A_898 = arith.constant 16 : i32
        %gather3A_899 = tpu.memref_slice %arg6[%gather3A_898] : memref<8192xf32, #tpu.memory_space<vmem>> -> memref<8080xf32, #tpu.memory_space<vmem>>
        %gather3A_900 = tpu.vector_load_idx %gather3A_899[%add3A_892] : memref<8080xf32, #tpu.memory_space<vmem>>[vector<16xi32>], vector<16xf32>,
        %add3A_901 = arith.addf %add3A_856, %gather3A_900 : vector<16xf32>
        %add3A_902 = arith.addf %add3A_857, %add3A_901 : vector<16xf32>
        %gather3A_903 = arith.constant 32 : i32
        %gather3A_904 = tpu.memref_slice %arg6[%gather3A_903] : memref<8192xf32, #tpu.memory_space<vmem>> -> memref<8080xf32, #tpu.memory_space<vmem>>
        %gather3A_905 = tpu.vector_load_idx %gather3A_904[%add3A_892] : memref<8080xf32, #tpu.memory_space<vmem>>[vector<16xi32>], vector<16xf32>,
        %add3A_906 = arith.addf %add3A_861, %gather3A_905 : vector<16xf32>
        %add3A_907 = arith.addf %add3A_862, %add3A_906 : vector<16xf32>
        %gather3A_908 = arith.constant 48 : i32
        %gather3A_909 = tpu.memref_slice %arg6[%gather3A_908] : memref<8192xf32, #tpu.memory_space<vmem>> -> memref<8080xf32, #tpu.memory_space<vmem>>
        %gather3A_910 = tpu.vector_load_idx %gather3A_909[%add3A_892] : memref<8080xf32, #tpu.memory_space<vmem>>[vector<16xi32>], vector<16xf32>,
        %add3A_911 = arith.addf %add3A_866, %gather3A_910 : vector<16xf32>
        %add3A_912 = arith.addf %add3A_867, %add3A_911 : vector<16xf32>
        %gather3A_913 = arith.constant 64 : i32
        %gather3A_914 = tpu.memref_slice %arg6[%gather3A_913] : memref<8192xf32, #tpu.memory_space<vmem>> -> memref<8080xf32, #tpu.memory_space<vmem>>
        %gather3A_915 = tpu.vector_load_idx %gather3A_914[%add3A_892] : memref<8080xf32, #tpu.memory_space<vmem>>[vector<16xi32>], vector<16xf32>,
        %add3A_916 = arith.addf %add3A_871, %gather3A_915 : vector<16xf32>
        %add3A_917 = arith.addf %add3A_872, %add3A_916 : vector<16xf32>
        %gather3A_918 = arith.constant 80 : i32
        %gather3A_919 = tpu.memref_slice %arg6[%gather3A_918] : memref<8192xf32, #tpu.memory_space<vmem>> -> memref<8080xf32, #tpu.memory_space<vmem>>
        %gather3A_920 = tpu.vector_load_idx %gather3A_919[%add3A_892] : memref<8080xf32, #tpu.memory_space<vmem>>[vector<16xi32>], vector<16xf32>,
        %add3A_921 = arith.addf %add3A_876, %gather3A_920 : vector<16xf32>
        %add3A_922 = arith.addf %add3A_877, %add3A_921 : vector<16xf32>
        %gather3A_923 = arith.constant 96 : i32
        %gather3A_924 = tpu.memref_slice %arg6[%gather3A_923] : memref<8192xf32, #tpu.memory_space<vmem>> -> memref<8080xf32, #tpu.memory_space<vmem>>
        %gather3A_925 = tpu.vector_load_idx %gather3A_924[%add3A_892] : memref<8080xf32, #tpu.memory_space<vmem>>[vector<16xi32>], vector<16xf32>,
        %add3A_926 = arith.addf %add3A_881, %gather3A_925 : vector<16xf32>
        %add3A_927 = arith.addf %add3A_882, %add3A_926 : vector<16xf32>
        %gather3A_928 = arith.constant 112 : i32
        %gather3A_929 = tpu.memref_slice %arg6[%gather3A_928] : memref<8192xf32, #tpu.memory_space<vmem>> -> memref<8080xf32, #tpu.memory_space<vmem>>
        %gather3A_930 = tpu.vector_load_idx %gather3A_929[%add3A_892] : memref<8080xf32, #tpu.memory_space<vmem>>[vector<16xi32>], vector<16xf32>,
        %add3A_931 = arith.addf %add3A_886, %gather3A_930 : vector<16xf32>
        %add3A_932 = arith.addf %add3A_887, %add3A_931 : vector<16xf32>
        %broadcast_in_dim3A_933 = arith.constant 12 : i32
        %broadcast_in_dim3A_934 = vector.broadcast %broadcast_in_dim3A_933 : i32 to vector<16x1xi32>
        %gather3A_935 = vector.shape_cast %broadcast_in_dim3A_934 : vector<16x1xi32> to vector<16xi32>
        %gather3A_936 = tpu.dynamic_gather %shift_left3A_39[%gather3A_935] in [0] : vector<16xi32>, vector<16xi32> -> vector<16xi32>
        %add3A_937 = arith.addi %gather3A_936, %iota3A : vector<16xi32>
        %gather3A_938 = arith.constant 0 : i32
        %gather3A_939 = tpu.memref_slice %arg6[%gather3A_938] : memref<8192xf32, #tpu.memory_space<vmem>> -> memref<8080xf32, #tpu.memory_space<vmem>>
        %gather3A_940 = tpu.vector_load_idx %gather3A_939[%add3A_937] : memref<8080xf32, #tpu.memory_space<vmem>>[vector<16xi32>], vector<16xf32>,
        %add3A_941 = arith.addf %add3A_896, %gather3A_940 : vector<16xf32>
        %add3A_942 = arith.addf %add3A_897, %add3A_941 : vector<16xf32>
        %gather3A_943 = arith.constant 16 : i32
        %gather3A_944 = tpu.memref_slice %arg6[%gather3A_943] : memref<8192xf32, #tpu.memory_space<vmem>> -> memref<8080xf32, #tpu.memory_space<vmem>>
        %gather3A_945 = tpu.vector_load_idx %gather3A_944[%add3A_937] : memref<8080xf32, #tpu.memory_space<vmem>>[vector<16xi32>], vector<16xf32>,
        %add3A_946 = arith.addf %add3A_901, %gather3A_945 : vector<16xf32>
        %add3A_947 = arith.addf %add3A_902, %add3A_946 : vector<16xf32>
        %gather3A_948 = arith.constant 32 : i32
        %gather3A_949 = tpu.memref_slice %arg6[%gather3A_948] : memref<8192xf32, #tpu.memory_space<vmem>> -> memref<8080xf32, #tpu.memory_space<vmem>>
        %gather3A_950 = tpu.vector_load_idx %gather3A_949[%add3A_937] : memref<8080xf32, #tpu.memory_space<vmem>>[vector<16xi32>], vector<16xf32>,
        %add3A_951 = arith.addf %add3A_906, %gather3A_950 : vector<16xf32>
        %add3A_952 = arith.addf %add3A_907, %add3A_951 : vector<16xf32>
        %gather3A_953 = arith.constant 48 : i32
        %gather3A_954 = tpu.memref_slice %arg6[%gather3A_953] : memref<8192xf32, #tpu.memory_space<vmem>> -> memref<8080xf32, #tpu.memory_space<vmem>>
        %gather3A_955 = tpu.vector_load_idx %gather3A_954[%add3A_937] : memref<8080xf32, #tpu.memory_space<vmem>>[vector<16xi32>], vector<16xf32>,
        %add3A_956 = arith.addf %add3A_911, %gather3A_955 : vector<16xf32>
        %add3A_957 = arith.addf %add3A_912, %add3A_956 : vector<16xf32>
        %gather3A_958 = arith.constant 64 : i32
        %gather3A_959 = tpu.memref_slice %arg6[%gather3A_958] : memref<8192xf32, #tpu.memory_space<vmem>> -> memref<8080xf32, #tpu.memory_space<vmem>>
        %gather3A_960 = tpu.vector_load_idx %gather3A_959[%add3A_937] : memref<8080xf32, #tpu.memory_space<vmem>>[vector<16xi32>], vector<16xf32>,
        %add3A_961 = arith.addf %add3A_916, %gather3A_960 : vector<16xf32>
        %add3A_962 = arith.addf %add3A_917, %add3A_961 : vector<16xf32>
        %gather3A_963 = arith.constant 80 : i32
        %gather3A_964 = tpu.memref_slice %arg6[%gather3A_963] : memref<8192xf32, #tpu.memory_space<vmem>> -> memref<8080xf32, #tpu.memory_space<vmem>>
        %gather3A_965 = tpu.vector_load_idx %gather3A_964[%add3A_937] : memref<8080xf32, #tpu.memory_space<vmem>>[vector<16xi32>], vector<16xf32>,
        %add3A_966 = arith.addf %add3A_921, %gather3A_965 : vector<16xf32>
        %add3A_967 = arith.addf %add3A_922, %add3A_966 : vector<16xf32>
        %gather3A_968 = arith.constant 96 : i32
        %gather3A_969 = tpu.memref_slice %arg6[%gather3A_968] : memref<8192xf32, #tpu.memory_space<vmem>> -> memref<8080xf32, #tpu.memory_space<vmem>>
        %gather3A_970 = tpu.vector_load_idx %gather3A_969[%add3A_937] : memref<8080xf32, #tpu.memory_space<vmem>>[vector<16xi32>], vector<16xf32>,
        %add3A_971 = arith.addf %add3A_926, %gather3A_970 : vector<16xf32>
        %add3A_972 = arith.addf %add3A_927, %add3A_971 : vector<16xf32>
        %gather3A_973 = arith.constant 112 : i32
        %gather3A_974 = tpu.memref_slice %arg6[%gather3A_973] : memref<8192xf32, #tpu.memory_space<vmem>> -> memref<8080xf32, #tpu.memory_space<vmem>>
        %gather3A_975 = tpu.vector_load_idx %gather3A_974[%add3A_937] : memref<8080xf32, #tpu.memory_space<vmem>>[vector<16xi32>], vector<16xf32>,
        %add3A_976 = arith.addf %add3A_931, %gather3A_975 : vector<16xf32>
        %add3A_977 = arith.addf %add3A_932, %add3A_976 : vector<16xf32>
        %broadcast_in_dim3A_978 = arith.constant 11 : i32
        %broadcast_in_dim3A_979 = vector.broadcast %broadcast_in_dim3A_978 : i32 to vector<16x1xi32>
        %gather3A_980 = vector.shape_cast %broadcast_in_dim3A_979 : vector<16x1xi32> to vector<16xi32>
        %gather3A_981 = tpu.dynamic_gather %shift_left3A_39[%gather3A_980] in [0] : vector<16xi32>, vector<16xi32> -> vector<16xi32>
        %add3A_982 = arith.addi %gather3A_981, %iota3A : vector<16xi32>
        %gather3A_983 = arith.constant 0 : i32
        %gather3A_984 = tpu.memref_slice %arg6[%gather3A_983] : memref<8192xf32, #tpu.memory_space<vmem>> -> memref<8080xf32, #tpu.memory_space<vmem>>
        %gather3A_985 = tpu.vector_load_idx %gather3A_984[%add3A_982] : memref<8080xf32, #tpu.memory_space<vmem>>[vector<16xi32>], vector<16xf32>,
        %add3A_986 = arith.addf %add3A_941, %gather3A_985 : vector<16xf32>
        %add3A_987 = arith.addf %add3A_942, %add3A_986 : vector<16xf32>
        %gather3A_988 = arith.constant 16 : i32
        %gather3A_989 = tpu.memref_slice %arg6[%gather3A_988] : memref<8192xf32, #tpu.memory_space<vmem>> -> memref<8080xf32, #tpu.memory_space<vmem>>
        %gather3A_990 = tpu.vector_load_idx %gather3A_989[%add3A_982] : memref<8080xf32, #tpu.memory_space<vmem>>[vector<16xi32>], vector<16xf32>,
        %add3A_991 = arith.addf %add3A_946, %gather3A_990 : vector<16xf32>
        %add3A_992 = arith.addf %add3A_947, %add3A_991 : vector<16xf32>
        %gather3A_993 = arith.constant 32 : i32
        %gather3A_994 = tpu.memref_slice %arg6[%gather3A_993] : memref<8192xf32, #tpu.memory_space<vmem>> -> memref<8080xf32, #tpu.memory_space<vmem>>
        %gather3A_995 = tpu.vector_load_idx %gather3A_994[%add3A_982] : memref<8080xf32, #tpu.memory_space<vmem>>[vector<16xi32>], vector<16xf32>,
        %add3A_996 = arith.addf %add3A_951, %gather3A_995 : vector<16xf32>
        %add3A_997 = arith.addf %add3A_952, %add3A_996 : vector<16xf32>
        %gather3A_998 = arith.constant 48 : i32
        %gather3A_999 = tpu.memref_slice %arg6[%gather3A_998] : memref<8192xf32, #tpu.memory_space<vmem>> -> memref<8080xf32, #tpu.memory_space<vmem>>
        %gather3A_1000 = tpu.vector_load_idx %gather3A_999[%add3A_982] : memref<8080xf32, #tpu.memory_space<vmem>>[vector<16xi32>], vector<16xf32>,
        %add3A_1001 = arith.addf %add3A_956, %gather3A_1000 : vector<16xf32>
        %add3A_1002 = arith.addf %add3A_957, %add3A_1001 : vector<16xf32>
        %gather3A_1003 = arith.constant 64 : i32
        %gather3A_1004 = tpu.memref_slice %arg6[%gather3A_1003] : memref<8192xf32, #tpu.memory_space<vmem>> -> memref<8080xf32, #tpu.memory_space<vmem>>
        %gather3A_1005 = tpu.vector_load_idx %gather3A_1004[%add3A_982] : memref<8080xf32, #tpu.memory_space<vmem>>[vector<16xi32>], vector<16xf32>,
        %add3A_1006 = arith.addf %add3A_961, %gather3A_1005 : vector<16xf32>
        %add3A_1007 = arith.addf %add3A_962, %add3A_1006 : vector<16xf32>
        %gather3A_1008 = arith.constant 80 : i32
        %gather3A_1009 = tpu.memref_slice %arg6[%gather3A_1008] : memref<8192xf32, #tpu.memory_space<vmem>> -> memref<8080xf32, #tpu.memory_space<vmem>>
        %gather3A_1010 = tpu.vector_load_idx %gather3A_1009[%add3A_982] : memref<8080xf32, #tpu.memory_space<vmem>>[vector<16xi32>], vector<16xf32>,
        %add3A_1011 = arith.addf %add3A_966, %gather3A_1010 : vector<16xf32>
        %add3A_1012 = arith.addf %add3A_967, %add3A_1011 : vector<16xf32>
        %gather3A_1013 = arith.constant 96 : i32
        %gather3A_1014 = tpu.memref_slice %arg6[%gather3A_1013] : memref<8192xf32, #tpu.memory_space<vmem>> -> memref<8080xf32, #tpu.memory_space<vmem>>
        %gather3A_1015 = tpu.vector_load_idx %gather3A_1014[%add3A_982] : memref<8080xf32, #tpu.memory_space<vmem>>[vector<16xi32>], vector<16xf32>,
        %add3A_1016 = arith.addf %add3A_971, %gather3A_1015 : vector<16xf32>
        %add3A_1017 = arith.addf %add3A_972, %add3A_1016 : vector<16xf32>
        %gather3A_1018 = arith.constant 112 : i32
        %gather3A_1019 = tpu.memref_slice %arg6[%gather3A_1018] : memref<8192xf32, #tpu.memory_space<vmem>> -> memref<8080xf32, #tpu.memory_space<vmem>>
        %gather3A_1020 = tpu.vector_load_idx %gather3A_1019[%add3A_982] : memref<8080xf32, #tpu.memory_space<vmem>>[vector<16xi32>], vector<16xf32>,
        %add3A_1021 = arith.addf %add3A_976, %gather3A_1020 : vector<16xf32>
        %add3A_1022 = arith.addf %add3A_977, %add3A_1021 : vector<16xf32>
        %broadcast_in_dim3A_1023 = arith.constant 10 : i32
        %broadcast_in_dim3A_1024 = vector.broadcast %broadcast_in_dim3A_1023 : i32 to vector<16x1xi32>
        %gather3A_1025 = vector.shape_cast %broadcast_in_dim3A_1024 : vector<16x1xi32> to vector<16xi32>
        %gather3A_1026 = tpu.dynamic_gather %shift_left3A_39[%gather3A_1025] in [0] : vector<16xi32>, vector<16xi32> -> vector<16xi32>
        %add3A_1027 = arith.addi %gather3A_1026, %iota3A : vector<16xi32>
        %gather3A_1028 = arith.constant 0 : i32
        %gather3A_1029 = tpu.memref_slice %arg6[%gather3A_1028] : memref<8192xf32, #tpu.memory_space<vmem>> -> memref<8080xf32, #tpu.memory_space<vmem>>
        %gather3A_1030 = tpu.vector_load_idx %gather3A_1029[%add3A_1027] : memref<8080xf32, #tpu.memory_space<vmem>>[vector<16xi32>], vector<16xf32>,
        %add3A_1031 = arith.addf %add3A_986, %gather3A_1030 : vector<16xf32>
        %add3A_1032 = arith.addf %add3A_987, %add3A_1031 : vector<16xf32>
        %gather3A_1033 = arith.constant 16 : i32
        %gather3A_1034 = tpu.memref_slice %arg6[%gather3A_1033] : memref<8192xf32, #tpu.memory_space<vmem>> -> memref<8080xf32, #tpu.memory_space<vmem>>
        %gather3A_1035 = tpu.vector_load_idx %gather3A_1034[%add3A_1027] : memref<8080xf32, #tpu.memory_space<vmem>>[vector<16xi32>], vector<16xf32>,
        %add3A_1036 = arith.addf %add3A_991, %gather3A_1035 : vector<16xf32>
        %add3A_1037 = arith.addf %add3A_992, %add3A_1036 : vector<16xf32>
        %gather3A_1038 = arith.constant 32 : i32
        %gather3A_1039 = tpu.memref_slice %arg6[%gather3A_1038] : memref<8192xf32, #tpu.memory_space<vmem>> -> memref<8080xf32, #tpu.memory_space<vmem>>
        %gather3A_1040 = tpu.vector_load_idx %gather3A_1039[%add3A_1027] : memref<8080xf32, #tpu.memory_space<vmem>>[vector<16xi32>], vector<16xf32>,
        %add3A_1041 = arith.addf %add3A_996, %gather3A_1040 : vector<16xf32>
        %add3A_1042 = arith.addf %add3A_997, %add3A_1041 : vector<16xf32>
        %gather3A_1043 = arith.constant 48 : i32
        %gather3A_1044 = tpu.memref_slice %arg6[%gather3A_1043] : memref<8192xf32, #tpu.memory_space<vmem>> -> memref<8080xf32, #tpu.memory_space<vmem>>
        %gather3A_1045 = tpu.vector_load_idx %gather3A_1044[%add3A_1027] : memref<8080xf32, #tpu.memory_space<vmem>>[vector<16xi32>], vector<16xf32>,
        %add3A_1046 = arith.addf %add3A_1001, %gather3A_1045 : vector<16xf32>
        %add3A_1047 = arith.addf %add3A_1002, %add3A_1046 : vector<16xf32>
        %gather3A_1048 = arith.constant 64 : i32
        %gather3A_1049 = tpu.memref_slice %arg6[%gather3A_1048] : memref<8192xf32, #tpu.memory_space<vmem>> -> memref<8080xf32, #tpu.memory_space<vmem>>
        %gather3A_1050 = tpu.vector_load_idx %gather3A_1049[%add3A_1027] : memref<8080xf32, #tpu.memory_space<vmem>>[vector<16xi32>], vector<16xf32>,
        %add3A_1051 = arith.addf %add3A_1006, %gather3A_1050 : vector<16xf32>
        %add3A_1052 = arith.addf %add3A_1007, %add3A_1051 : vector<16xf32>
        %gather3A_1053 = arith.constant 80 : i32
        %gather3A_1054 = tpu.memref_slice %arg6[%gather3A_1053] : memref<8192xf32, #tpu.memory_space<vmem>> -> memref<8080xf32, #tpu.memory_space<vmem>>
        %gather3A_1055 = tpu.vector_load_idx %gather3A_1054[%add3A_1027] : memref<8080xf32, #tpu.memory_space<vmem>>[vector<16xi32>], vector<16xf32>,
        %add3A_1056 = arith.addf %add3A_1011, %gather3A_1055 : vector<16xf32>
        %add3A_1057 = arith.addf %add3A_1012, %add3A_1056 : vector<16xf32>
        %gather3A_1058 = arith.constant 96 : i32
        %gather3A_1059 = tpu.memref_slice %arg6[%gather3A_1058] : memref<8192xf32, #tpu.memory_space<vmem>> -> memref<8080xf32, #tpu.memory_space<vmem>>
        %gather3A_1060 = tpu.vector_load_idx %gather3A_1059[%add3A_1027] : memref<8080xf32, #tpu.memory_space<vmem>>[vector<16xi32>], vector<16xf32>,
        %add3A_1061 = arith.addf %add3A_1016, %gather3A_1060 : vector<16xf32>
        %add3A_1062 = arith.addf %add3A_1017, %add3A_1061 : vector<16xf32>
        %gather3A_1063 = arith.constant 112 : i32
        %gather3A_1064 = tpu.memref_slice %arg6[%gather3A_1063] : memref<8192xf32, #tpu.memory_space<vmem>> -> memref<8080xf32, #tpu.memory_space<vmem>>
        %gather3A_1065 = tpu.vector_load_idx %gather3A_1064[%add3A_1027] : memref<8080xf32, #tpu.memory_space<vmem>>[vector<16xi32>], vector<16xf32>,
        %add3A_1066 = arith.addf %add3A_1021, %gather3A_1065 : vector<16xf32>
        %add3A_1067 = arith.addf %add3A_1022, %add3A_1066 : vector<16xf32>
        %broadcast_in_dim3A_1068 = arith.constant 9 : i32
        %broadcast_in_dim3A_1069 = vector.broadcast %broadcast_in_dim3A_1068 : i32 to vector<16x1xi32>
        %gather3A_1070 = vector.shape_cast %broadcast_in_dim3A_1069 : vector<16x1xi32> to vector<16xi32>
        %gather3A_1071 = tpu.dynamic_gather %shift_left3A_39[%gather3A_1070] in [0] : vector<16xi32>, vector<16xi32> -> vector<16xi32>
        %add3A_1072 = arith.addi %gather3A_1071, %iota3A : vector<16xi32>
        %gather3A_1073 = arith.constant 0 : i32
        %gather3A_1074 = tpu.memref_slice %arg6[%gather3A_1073] : memref<8192xf32, #tpu.memory_space<vmem>> -> memref<8080xf32, #tpu.memory_space<vmem>>
        %gather3A_1075 = tpu.vector_load_idx %gather3A_1074[%add3A_1072] : memref<8080xf32, #tpu.memory_space<vmem>>[vector<16xi32>], vector<16xf32>,
        %add3A_1076 = arith.addf %add3A_1031, %gather3A_1075 : vector<16xf32>
        %add3A_1077 = arith.addf %add3A_1032, %add3A_1076 : vector<16xf32>
        %gather3A_1078 = arith.constant 16 : i32
        %gather3A_1079 = tpu.memref_slice %arg6[%gather3A_1078] : memref<8192xf32, #tpu.memory_space<vmem>> -> memref<8080xf32, #tpu.memory_space<vmem>>
        %gather3A_1080 = tpu.vector_load_idx %gather3A_1079[%add3A_1072] : memref<8080xf32, #tpu.memory_space<vmem>>[vector<16xi32>], vector<16xf32>,
        %add3A_1081 = arith.addf %add3A_1036, %gather3A_1080 : vector<16xf32>
        %add3A_1082 = arith.addf %add3A_1037, %add3A_1081 : vector<16xf32>
        %gather3A_1083 = arith.constant 32 : i32
        %gather3A_1084 = tpu.memref_slice %arg6[%gather3A_1083] : memref<8192xf32, #tpu.memory_space<vmem>> -> memref<8080xf32, #tpu.memory_space<vmem>>
        %gather3A_1085 = tpu.vector_load_idx %gather3A_1084[%add3A_1072] : memref<8080xf32, #tpu.memory_space<vmem>>[vector<16xi32>], vector<16xf32>,
        %add3A_1086 = arith.addf %add3A_1041, %gather3A_1085 : vector<16xf32>
        %add3A_1087 = arith.addf %add3A_1042, %add3A_1086 : vector<16xf32>
        %gather3A_1088 = arith.constant 48 : i32
        %gather3A_1089 = tpu.memref_slice %arg6[%gather3A_1088] : memref<8192xf32, #tpu.memory_space<vmem>> -> memref<8080xf32, #tpu.memory_space<vmem>>
        %gather3A_1090 = tpu.vector_load_idx %gather3A_1089[%add3A_1072] : memref<8080xf32, #tpu.memory_space<vmem>>[vector<16xi32>], vector<16xf32>,
        %add3A_1091 = arith.addf %add3A_1046, %gather3A_1090 : vector<16xf32>
        %add3A_1092 = arith.addf %add3A_1047, %add3A_1091 : vector<16xf32>
        %gather3A_1093 = arith.constant 64 : i32
        %gather3A_1094 = tpu.memref_slice %arg6[%gather3A_1093] : memref<8192xf32, #tpu.memory_space<vmem>> -> memref<8080xf32, #tpu.memory_space<vmem>>
        %gather3A_1095 = tpu.vector_load_idx %gather3A_1094[%add3A_1072] : memref<8080xf32, #tpu.memory_space<vmem>>[vector<16xi32>], vector<16xf32>,
        %add3A_1096 = arith.addf %add3A_1051, %gather3A_1095 : vector<16xf32>
        %add3A_1097 = arith.addf %add3A_1052, %add3A_1096 : vector<16xf32>
        %gather3A_1098 = arith.constant 80 : i32
        %gather3A_1099 = tpu.memref_slice %arg6[%gather3A_1098] : memref<8192xf32, #tpu.memory_space<vmem>> -> memref<8080xf32, #tpu.memory_space<vmem>>
        %gather3A_1100 = tpu.vector_load_idx %gather3A_1099[%add3A_1072] : memref<8080xf32, #tpu.memory_space<vmem>>[vector<16xi32>], vector<16xf32>,
        %add3A_1101 = arith.addf %add3A_1056, %gather3A_1100 : vector<16xf32>
        %add3A_1102 = arith.addf %add3A_1057, %add3A_1101 : vector<16xf32>
        %gather3A_1103 = arith.constant 96 : i32
        %gather3A_1104 = tpu.memref_slice %arg6[%gather3A_1103] : memref<8192xf32, #tpu.memory_space<vmem>> -> memref<8080xf32, #tpu.memory_space<vmem>>
        %gather3A_1105 = tpu.vector_load_idx %gather3A_1104[%add3A_1072] : memref<8080xf32, #tpu.memory_space<vmem>>[vector<16xi32>], vector<16xf32>,
        %add3A_1106 = arith.addf %add3A_1061, %gather3A_1105 : vector<16xf32>
        %add3A_1107 = arith.addf %add3A_1062, %add3A_1106 : vector<16xf32>
        %gather3A_1108 = arith.constant 112 : i32
        %gather3A_1109 = tpu.memref_slice %arg6[%gather3A_1108] : memref<8192xf32, #tpu.memory_space<vmem>> -> memref<8080xf32, #tpu.memory_space<vmem>>
        %gather3A_1110 = tpu.vector_load_idx %gather3A_1109[%add3A_1072] : memref<8080xf32, #tpu.memory_space<vmem>>[vector<16xi32>], vector<16xf32>,
        %add3A_1111 = arith.addf %add3A_1066, %gather3A_1110 : vector<16xf32>
        %add3A_1112 = arith.addf %add3A_1067, %add3A_1111 : vector<16xf32>
        %broadcast_in_dim3A_1113 = arith.constant 8 : i32
        %broadcast_in_dim3A_1114 = vector.broadcast %broadcast_in_dim3A_1113 : i32 to vector<16x1xi32>
        %gather3A_1115 = vector.shape_cast %broadcast_in_dim3A_1114 : vector<16x1xi32> to vector<16xi32>
        %gather3A_1116 = tpu.dynamic_gather %shift_left3A_39[%gather3A_1115] in [0] : vector<16xi32>, vector<16xi32> -> vector<16xi32>
        %add3A_1117 = arith.addi %gather3A_1116, %iota3A : vector<16xi32>
        %gather3A_1118 = arith.constant 0 : i32
        %gather3A_1119 = tpu.memref_slice %arg6[%gather3A_1118] : memref<8192xf32, #tpu.memory_space<vmem>> -> memref<8080xf32, #tpu.memory_space<vmem>>
        %gather3A_1120 = tpu.vector_load_idx %gather3A_1119[%add3A_1117] : memref<8080xf32, #tpu.memory_space<vmem>>[vector<16xi32>], vector<16xf32>,
        %add3A_1121 = arith.addf %add3A_1076, %gather3A_1120 : vector<16xf32>
        %add3A_1122 = arith.addf %add3A_1077, %add3A_1121 : vector<16xf32>
        %gather3A_1123 = arith.constant 16 : i32
        %gather3A_1124 = tpu.memref_slice %arg6[%gather3A_1123] : memref<8192xf32, #tpu.memory_space<vmem>> -> memref<8080xf32, #tpu.memory_space<vmem>>
        %gather3A_1125 = tpu.vector_load_idx %gather3A_1124[%add3A_1117] : memref<8080xf32, #tpu.memory_space<vmem>>[vector<16xi32>], vector<16xf32>,
        %add3A_1126 = arith.addf %add3A_1081, %gather3A_1125 : vector<16xf32>
        %add3A_1127 = arith.addf %add3A_1082, %add3A_1126 : vector<16xf32>
        %gather3A_1128 = arith.constant 32 : i32
        %gather3A_1129 = tpu.memref_slice %arg6[%gather3A_1128] : memref<8192xf32, #tpu.memory_space<vmem>> -> memref<8080xf32, #tpu.memory_space<vmem>>
        %gather3A_1130 = tpu.vector_load_idx %gather3A_1129[%add3A_1117] : memref<8080xf32, #tpu.memory_space<vmem>>[vector<16xi32>], vector<16xf32>,
        %add3A_1131 = arith.addf %add3A_1086, %gather3A_1130 : vector<16xf32>
        %add3A_1132 = arith.addf %add3A_1087, %add3A_1131 : vector<16xf32>
        %gather3A_1133 = arith.constant 48 : i32
        %gather3A_1134 = tpu.memref_slice %arg6[%gather3A_1133] : memref<8192xf32, #tpu.memory_space<vmem>> -> memref<8080xf32, #tpu.memory_space<vmem>>
        %gather3A_1135 = tpu.vector_load_idx %gather3A_1134[%add3A_1117] : memref<8080xf32, #tpu.memory_space<vmem>>[vector<16xi32>], vector<16xf32>,
        %add3A_1136 = arith.addf %add3A_1091, %gather3A_1135 : vector<16xf32>
        %add3A_1137 = arith.addf %add3A_1092, %add3A_1136 : vector<16xf32>
        %gather3A_1138 = arith.constant 64 : i32
        %gather3A_1139 = tpu.memref_slice %arg6[%gather3A_1138] : memref<8192xf32, #tpu.memory_space<vmem>> -> memref<8080xf32, #tpu.memory_space<vmem>>
        %gather3A_1140 = tpu.vector_load_idx %gather3A_1139[%add3A_1117] : memref<8080xf32, #tpu.memory_space<vmem>>[vector<16xi32>], vector<16xf32>,
        %add3A_1141 = arith.addf %add3A_1096, %gather3A_1140 : vector<16xf32>
        %add3A_1142 = arith.addf %add3A_1097, %add3A_1141 : vector<16xf32>
        %gather3A_1143 = arith.constant 80 : i32
        %gather3A_1144 = tpu.memref_slice %arg6[%gather3A_1143] : memref<8192xf32, #tpu.memory_space<vmem>> -> memref<8080xf32, #tpu.memory_space<vmem>>
        %gather3A_1145 = tpu.vector_load_idx %gather3A_1144[%add3A_1117] : memref<8080xf32, #tpu.memory_space<vmem>>[vector<16xi32>], vector<16xf32>,
        %add3A_1146 = arith.addf %add3A_1101, %gather3A_1145 : vector<16xf32>
        %add3A_1147 = arith.addf %add3A_1102, %add3A_1146 : vector<16xf32>
        %gather3A_1148 = arith.constant 96 : i32
        %gather3A_1149 = tpu.memref_slice %arg6[%gather3A_1148] : memref<8192xf32, #tpu.memory_space<vmem>> -> memref<8080xf32, #tpu.memory_space<vmem>>
        %gather3A_1150 = tpu.vector_load_idx %gather3A_1149[%add3A_1117] : memref<8080xf32, #tpu.memory_space<vmem>>[vector<16xi32>], vector<16xf32>,
        %add3A_1151 = arith.addf %add3A_1106, %gather3A_1150 : vector<16xf32>
        %add3A_1152 = arith.addf %add3A_1107, %add3A_1151 : vector<16xf32>
        %gather3A_1153 = arith.constant 112 : i32
        %gather3A_1154 = tpu.memref_slice %arg6[%gather3A_1153] : memref<8192xf32, #tpu.memory_space<vmem>> -> memref<8080xf32, #tpu.memory_space<vmem>>
        %gather3A_1155 = tpu.vector_load_idx %gather3A_1154[%add3A_1117] : memref<8080xf32, #tpu.memory_space<vmem>>[vector<16xi32>], vector<16xf32>,
        %add3A_1156 = arith.addf %add3A_1111, %gather3A_1155 : vector<16xf32>
        %add3A_1157 = arith.addf %add3A_1112, %add3A_1156 : vector<16xf32>
        %broadcast_in_dim3A_1158 = arith.constant 7 : i32
        %broadcast_in_dim3A_1159 = vector.broadcast %broadcast_in_dim3A_1158 : i32 to vector<16x1xi32>
        %gather3A_1160 = vector.shape_cast %broadcast_in_dim3A_1159 : vector<16x1xi32> to vector<16xi32>
        %gather3A_1161 = tpu.dynamic_gather %shift_left3A_39[%gather3A_1160] in [0] : vector<16xi32>, vector<16xi32> -> vector<16xi32>
        %add3A_1162 = arith.addi %gather3A_1161, %iota3A : vector<16xi32>
        %gather3A_1163 = arith.constant 0 : i32
        %gather3A_1164 = tpu.memref_slice %arg6[%gather3A_1163] : memref<8192xf32, #tpu.memory_space<vmem>> -> memref<8080xf32, #tpu.memory_space<vmem>>
        %gather3A_1165 = tpu.vector_load_idx %gather3A_1164[%add3A_1162] : memref<8080xf32, #tpu.memory_space<vmem>>[vector<16xi32>], vector<16xf32>,
        %add3A_1166 = arith.addf %add3A_1121, %gather3A_1165 : vector<16xf32>
        %add3A_1167 = arith.addf %add3A_1122, %add3A_1166 : vector<16xf32>
        %gather3A_1168 = arith.constant 16 : i32
        %gather3A_1169 = tpu.memref_slice %arg6[%gather3A_1168] : memref<8192xf32, #tpu.memory_space<vmem>> -> memref<8080xf32, #tpu.memory_space<vmem>>
        %gather3A_1170 = tpu.vector_load_idx %gather3A_1169[%add3A_1162] : memref<8080xf32, #tpu.memory_space<vmem>>[vector<16xi32>], vector<16xf32>,
        %add3A_1171 = arith.addf %add3A_1126, %gather3A_1170 : vector<16xf32>
        %add3A_1172 = arith.addf %add3A_1127, %add3A_1171 : vector<16xf32>
        %gather3A_1173 = arith.constant 32 : i32
        %gather3A_1174 = tpu.memref_slice %arg6[%gather3A_1173] : memref<8192xf32, #tpu.memory_space<vmem>> -> memref<8080xf32, #tpu.memory_space<vmem>>
        %gather3A_1175 = tpu.vector_load_idx %gather3A_1174[%add3A_1162] : memref<8080xf32, #tpu.memory_space<vmem>>[vector<16xi32>], vector<16xf32>,
        %add3A_1176 = arith.addf %add3A_1131, %gather3A_1175 : vector<16xf32>
        %add3A_1177 = arith.addf %add3A_1132, %add3A_1176 : vector<16xf32>
        %gather3A_1178 = arith.constant 48 : i32
        %gather3A_1179 = tpu.memref_slice %arg6[%gather3A_1178] : memref<8192xf32, #tpu.memory_space<vmem>> -> memref<8080xf32, #tpu.memory_space<vmem>>
        %gather3A_1180 = tpu.vector_load_idx %gather3A_1179[%add3A_1162] : memref<8080xf32, #tpu.memory_space<vmem>>[vector<16xi32>], vector<16xf32>,
        %add3A_1181 = arith.addf %add3A_1136, %gather3A_1180 : vector<16xf32>
        %add3A_1182 = arith.addf %add3A_1137, %add3A_1181 : vector<16xf32>
        %gather3A_1183 = arith.constant 64 : i32
        %gather3A_1184 = tpu.memref_slice %arg6[%gather3A_1183] : memref<8192xf32, #tpu.memory_space<vmem>> -> memref<8080xf32, #tpu.memory_space<vmem>>
        %gather3A_1185 = tpu.vector_load_idx %gather3A_1184[%add3A_1162] : memref<8080xf32, #tpu.memory_space<vmem>>[vector<16xi32>], vector<16xf32>,
        %add3A_1186 = arith.addf %add3A_1141, %gather3A_1185 : vector<16xf32>
        %add3A_1187 = arith.addf %add3A_1142, %add3A_1186 : vector<16xf32>
        %gather3A_1188 = arith.constant 80 : i32
        %gather3A_1189 = tpu.memref_slice %arg6[%gather3A_1188] : memref<8192xf32, #tpu.memory_space<vmem>> -> memref<8080xf32, #tpu.memory_space<vmem>>
        %gather3A_1190 = tpu.vector_load_idx %gather3A_1189[%add3A_1162] : memref<8080xf32, #tpu.memory_space<vmem>>[vector<16xi32>], vector<16xf32>,
        %add3A_1191 = arith.addf %add3A_1146, %gather3A_1190 : vector<16xf32>
        %add3A_1192 = arith.addf %add3A_1147, %add3A_1191 : vector<16xf32>
        %gather3A_1193 = arith.constant 96 : i32
        %gather3A_1194 = tpu.memref_slice %arg6[%gather3A_1193] : memref<8192xf32, #tpu.memory_space<vmem>> -> memref<8080xf32, #tpu.memory_space<vmem>>
        %gather3A_1195 = tpu.vector_load_idx %gather3A_1194[%add3A_1162] : memref<8080xf32, #tpu.memory_space<vmem>>[vector<16xi32>], vector<16xf32>,
        %add3A_1196 = arith.addf %add3A_1151, %gather3A_1195 : vector<16xf32>
        %add3A_1197 = arith.addf %add3A_1152, %add3A_1196 : vector<16xf32>
        %gather3A_1198 = arith.constant 112 : i32
        %gather3A_1199 = tpu.memref_slice %arg6[%gather3A_1198] : memref<8192xf32, #tpu.memory_space<vmem>> -> memref<8080xf32, #tpu.memory_space<vmem>>
        %gather3A_1200 = tpu.vector_load_idx %gather3A_1199[%add3A_1162] : memref<8080xf32, #tpu.memory_space<vmem>>[vector<16xi32>], vector<16xf32>,
        %add3A_1201 = arith.addf %add3A_1156, %gather3A_1200 : vector<16xf32>
        %add3A_1202 = arith.addf %add3A_1157, %add3A_1201 : vector<16xf32>
        %broadcast_in_dim3A_1203 = arith.constant 6 : i32
        %broadcast_in_dim3A_1204 = vector.broadcast %broadcast_in_dim3A_1203 : i32 to vector<16x1xi32>
        %gather3A_1205 = vector.shape_cast %broadcast_in_dim3A_1204 : vector<16x1xi32> to vector<16xi32>
        %gather3A_1206 = tpu.dynamic_gather %shift_left3A_39[%gather3A_1205] in [0] : vector<16xi32>, vector<16xi32> -> vector<16xi32>
        %add3A_1207 = arith.addi %gather3A_1206, %iota3A : vector<16xi32>
        %gather3A_1208 = arith.constant 0 : i32
        %gather3A_1209 = tpu.memref_slice %arg6[%gather3A_1208] : memref<8192xf32, #tpu.memory_space<vmem>> -> memref<8080xf32, #tpu.memory_space<vmem>>
        %gather3A_1210 = tpu.vector_load_idx %gather3A_1209[%add3A_1207] : memref<8080xf32, #tpu.memory_space<vmem>>[vector<16xi32>], vector<16xf32>,
        %add3A_1211 = arith.addf %add3A_1166, %gather3A_1210 : vector<16xf32>
        %add3A_1212 = arith.addf %add3A_1167, %add3A_1211 : vector<16xf32>
        %gather3A_1213 = arith.constant 16 : i32
        %gather3A_1214 = tpu.memref_slice %arg6[%gather3A_1213] : memref<8192xf32, #tpu.memory_space<vmem>> -> memref<8080xf32, #tpu.memory_space<vmem>>
        %gather3A_1215 = tpu.vector_load_idx %gather3A_1214[%add3A_1207] : memref<8080xf32, #tpu.memory_space<vmem>>[vector<16xi32>], vector<16xf32>,
        %add3A_1216 = arith.addf %add3A_1171, %gather3A_1215 : vector<16xf32>
        %add3A_1217 = arith.addf %add3A_1172, %add3A_1216 : vector<16xf32>
        %gather3A_1218 = arith.constant 32 : i32
        %gather3A_1219 = tpu.memref_slice %arg6[%gather3A_1218] : memref<8192xf32, #tpu.memory_space<vmem>> -> memref<8080xf32, #tpu.memory_space<vmem>>
        %gather3A_1220 = tpu.vector_load_idx %gather3A_1219[%add3A_1207] : memref<8080xf32, #tpu.memory_space<vmem>>[vector<16xi32>], vector<16xf32>,
        %add3A_1221 = arith.addf %add3A_1176, %gather3A_1220 : vector<16xf32>
        %add3A_1222 = arith.addf %add3A_1177, %add3A_1221 : vector<16xf32>
        %gather3A_1223 = arith.constant 48 : i32
        %gather3A_1224 = tpu.memref_slice %arg6[%gather3A_1223] : memref<8192xf32, #tpu.memory_space<vmem>> -> memref<8080xf32, #tpu.memory_space<vmem>>
        %gather3A_1225 = tpu.vector_load_idx %gather3A_1224[%add3A_1207] : memref<8080xf32, #tpu.memory_space<vmem>>[vector<16xi32>], vector<16xf32>,
        %add3A_1226 = arith.addf %add3A_1181, %gather3A_1225 : vector<16xf32>
        %add3A_1227 = arith.addf %add3A_1182, %add3A_1226 : vector<16xf32>
        %gather3A_1228 = arith.constant 64 : i32
        %gather3A_1229 = tpu.memref_slice %arg6[%gather3A_1228] : memref<8192xf32, #tpu.memory_space<vmem>> -> memref<8080xf32, #tpu.memory_space<vmem>>
        %gather3A_1230 = tpu.vector_load_idx %gather3A_1229[%add3A_1207] : memref<8080xf32, #tpu.memory_space<vmem>>[vector<16xi32>], vector<16xf32>,
        %add3A_1231 = arith.addf %add3A_1186, %gather3A_1230 : vector<16xf32>
        %add3A_1232 = arith.addf %add3A_1187, %add3A_1231 : vector<16xf32>
        %gather3A_1233 = arith.constant 80 : i32
        %gather3A_1234 = tpu.memref_slice %arg6[%gather3A_1233] : memref<8192xf32, #tpu.memory_space<vmem>> -> memref<8080xf32, #tpu.memory_space<vmem>>
        %gather3A_1235 = tpu.vector_load_idx %gather3A_1234[%add3A_1207] : memref<8080xf32, #tpu.memory_space<vmem>>[vector<16xi32>], vector<16xf32>,
        %add3A_1236 = arith.addf %add3A_1191, %gather3A_1235 : vector<16xf32>
        %add3A_1237 = arith.addf %add3A_1192, %add3A_1236 : vector<16xf32>
        %gather3A_1238 = arith.constant 96 : i32
        %gather3A_1239 = tpu.memref_slice %arg6[%gather3A_1238] : memref<8192xf32, #tpu.memory_space<vmem>> -> memref<8080xf32, #tpu.memory_space<vmem>>
        %gather3A_1240 = tpu.vector_load_idx %gather3A_1239[%add3A_1207] : memref<8080xf32, #tpu.memory_space<vmem>>[vector<16xi32>], vector<16xf32>,
        %add3A_1241 = arith.addf %add3A_1196, %gather3A_1240 : vector<16xf32>
        %add3A_1242 = arith.addf %add3A_1197, %add3A_1241 : vector<16xf32>
        %gather3A_1243 = arith.constant 112 : i32
        %gather3A_1244 = tpu.memref_slice %arg6[%gather3A_1243] : memref<8192xf32, #tpu.memory_space<vmem>> -> memref<8080xf32, #tpu.memory_space<vmem>>
        %gather3A_1245 = tpu.vector_load_idx %gather3A_1244[%add3A_1207] : memref<8080xf32, #tpu.memory_space<vmem>>[vector<16xi32>], vector<16xf32>,
        %add3A_1246 = arith.addf %add3A_1201, %gather3A_1245 : vector<16xf32>
        %add3A_1247 = arith.addf %add3A_1202, %add3A_1246 : vector<16xf32>
        %broadcast_in_dim3A_1248 = arith.constant 5 : i32
        %broadcast_in_dim3A_1249 = vector.broadcast %broadcast_in_dim3A_1248 : i32 to vector<16x1xi32>
        %gather3A_1250 = vector.shape_cast %broadcast_in_dim3A_1249 : vector<16x1xi32> to vector<16xi32>
        %gather3A_1251 = tpu.dynamic_gather %shift_left3A_39[%gather3A_1250] in [0] : vector<16xi32>, vector<16xi32> -> vector<16xi32>
        %add3A_1252 = arith.addi %gather3A_1251, %iota3A : vector<16xi32>
        %gather3A_1253 = arith.constant 0 : i32
        %gather3A_1254 = tpu.memref_slice %arg6[%gather3A_1253] : memref<8192xf32, #tpu.memory_space<vmem>> -> memref<8080xf32, #tpu.memory_space<vmem>>
        %gather3A_1255 = tpu.vector_load_idx %gather3A_1254[%add3A_1252] : memref<8080xf32, #tpu.memory_space<vmem>>[vector<16xi32>], vector<16xf32>,
        %add3A_1256 = arith.addf %add3A_1211, %gather3A_1255 : vector<16xf32>
        %add3A_1257 = arith.addf %add3A_1212, %add3A_1256 : vector<16xf32>
        %gather3A_1258 = arith.constant 16 : i32
        %gather3A_1259 = tpu.memref_slice %arg6[%gather3A_1258] : memref<8192xf32, #tpu.memory_space<vmem>> -> memref<8080xf32, #tpu.memory_space<vmem>>
        %gather3A_1260 = tpu.vector_load_idx %gather3A_1259[%add3A_1252] : memref<8080xf32, #tpu.memory_space<vmem>>[vector<16xi32>], vector<16xf32>,
        %add3A_1261 = arith.addf %add3A_1216, %gather3A_1260 : vector<16xf32>
        %add3A_1262 = arith.addf %add3A_1217, %add3A_1261 : vector<16xf32>
        %gather3A_1263 = arith.constant 32 : i32
        %gather3A_1264 = tpu.memref_slice %arg6[%gather3A_1263] : memref<8192xf32, #tpu.memory_space<vmem>> -> memref<8080xf32, #tpu.memory_space<vmem>>
        %gather3A_1265 = tpu.vector_load_idx %gather3A_1264[%add3A_1252] : memref<8080xf32, #tpu.memory_space<vmem>>[vector<16xi32>], vector<16xf32>,
        %add3A_1266 = arith.addf %add3A_1221, %gather3A_1265 : vector<16xf32>
        %add3A_1267 = arith.addf %add3A_1222, %add3A_1266 : vector<16xf32>
        %gather3A_1268 = arith.constant 48 : i32
        %gather3A_1269 = tpu.memref_slice %arg6[%gather3A_1268] : memref<8192xf32, #tpu.memory_space<vmem>> -> memref<8080xf32, #tpu.memory_space<vmem>>
        %gather3A_1270 = tpu.vector_load_idx %gather3A_1269[%add3A_1252] : memref<8080xf32, #tpu.memory_space<vmem>>[vector<16xi32>], vector<16xf32>,
        %add3A_1271 = arith.addf %add3A_1226, %gather3A_1270 : vector<16xf32>
        %add3A_1272 = arith.addf %add3A_1227, %add3A_1271 : vector<16xf32>
        %gather3A_1273 = arith.constant 64 : i32
        %gather3A_1274 = tpu.memref_slice %arg6[%gather3A_1273] : memref<8192xf32, #tpu.memory_space<vmem>> -> memref<8080xf32, #tpu.memory_space<vmem>>
        %gather3A_1275 = tpu.vector_load_idx %gather3A_1274[%add3A_1252] : memref<8080xf32, #tpu.memory_space<vmem>>[vector<16xi32>], vector<16xf32>,
        %add3A_1276 = arith.addf %add3A_1231, %gather3A_1275 : vector<16xf32>
        %add3A_1277 = arith.addf %add3A_1232, %add3A_1276 : vector<16xf32>
        %gather3A_1278 = arith.constant 80 : i32
        %gather3A_1279 = tpu.memref_slice %arg6[%gather3A_1278] : memref<8192xf32, #tpu.memory_space<vmem>> -> memref<8080xf32, #tpu.memory_space<vmem>>
        %gather3A_1280 = tpu.vector_load_idx %gather3A_1279[%add3A_1252] : memref<8080xf32, #tpu.memory_space<vmem>>[vector<16xi32>], vector<16xf32>,
        %add3A_1281 = arith.addf %add3A_1236, %gather3A_1280 : vector<16xf32>
        %add3A_1282 = arith.addf %add3A_1237, %add3A_1281 : vector<16xf32>
        %gather3A_1283 = arith.constant 96 : i32
        %gather3A_1284 = tpu.memref_slice %arg6[%gather3A_1283] : memref<8192xf32, #tpu.memory_space<vmem>> -> memref<8080xf32, #tpu.memory_space<vmem>>
        %gather3A_1285 = tpu.vector_load_idx %gather3A_1284[%add3A_1252] : memref<8080xf32, #tpu.memory_space<vmem>>[vector<16xi32>], vector<16xf32>,
        %add3A_1286 = arith.addf %add3A_1241, %gather3A_1285 : vector<16xf32>
        %add3A_1287 = arith.addf %add3A_1242, %add3A_1286 : vector<16xf32>
        %gather3A_1288 = arith.constant 112 : i32
        %gather3A_1289 = tpu.memref_slice %arg6[%gather3A_1288] : memref<8192xf32, #tpu.memory_space<vmem>> -> memref<8080xf32, #tpu.memory_space<vmem>>
        %gather3A_1290 = tpu.vector_load_idx %gather3A_1289[%add3A_1252] : memref<8080xf32, #tpu.memory_space<vmem>>[vector<16xi32>], vector<16xf32>,
        %add3A_1291 = arith.addf %add3A_1246, %gather3A_1290 : vector<16xf32>
        %add3A_1292 = arith.addf %add3A_1247, %add3A_1291 : vector<16xf32>
        %broadcast_in_dim3A_1293 = arith.constant 4 : i32
        %broadcast_in_dim3A_1294 = vector.broadcast %broadcast_in_dim3A_1293 : i32 to vector<16x1xi32>
        %gather3A_1295 = vector.shape_cast %broadcast_in_dim3A_1294 : vector<16x1xi32> to vector<16xi32>
        %gather3A_1296 = tpu.dynamic_gather %shift_left3A_39[%gather3A_1295] in [0] : vector<16xi32>, vector<16xi32> -> vector<16xi32>
        %add3A_1297 = arith.addi %gather3A_1296, %iota3A : vector<16xi32>
        %gather3A_1298 = arith.constant 0 : i32
        %gather3A_1299 = tpu.memref_slice %arg6[%gather3A_1298] : memref<8192xf32, #tpu.memory_space<vmem>> -> memref<8080xf32, #tpu.memory_space<vmem>>
        %gather3A_1300 = tpu.vector_load_idx %gather3A_1299[%add3A_1297] : memref<8080xf32, #tpu.memory_space<vmem>>[vector<16xi32>], vector<16xf32>,
        %add3A_1301 = arith.addf %add3A_1256, %gather3A_1300 : vector<16xf32>
        %add3A_1302 = arith.addf %add3A_1257, %add3A_1301 : vector<16xf32>
        %gather3A_1303 = arith.constant 16 : i32
        %gather3A_1304 = tpu.memref_slice %arg6[%gather3A_1303] : memref<8192xf32, #tpu.memory_space<vmem>> -> memref<8080xf32, #tpu.memory_space<vmem>>
        %gather3A_1305 = tpu.vector_load_idx %gather3A_1304[%add3A_1297] : memref<8080xf32, #tpu.memory_space<vmem>>[vector<16xi32>], vector<16xf32>,
        %add3A_1306 = arith.addf %add3A_1261, %gather3A_1305 : vector<16xf32>
        %add3A_1307 = arith.addf %add3A_1262, %add3A_1306 : vector<16xf32>
        %gather3A_1308 = arith.constant 32 : i32
        %gather3A_1309 = tpu.memref_slice %arg6[%gather3A_1308] : memref<8192xf32, #tpu.memory_space<vmem>> -> memref<8080xf32, #tpu.memory_space<vmem>>
        %gather3A_1310 = tpu.vector_load_idx %gather3A_1309[%add3A_1297] : memref<8080xf32, #tpu.memory_space<vmem>>[vector<16xi32>], vector<16xf32>,
        %add3A_1311 = arith.addf %add3A_1266, %gather3A_1310 : vector<16xf32>
        %add3A_1312 = arith.addf %add3A_1267, %add3A_1311 : vector<16xf32>
        %gather3A_1313 = arith.constant 48 : i32
        %gather3A_1314 = tpu.memref_slice %arg6[%gather3A_1313] : memref<8192xf32, #tpu.memory_space<vmem>> -> memref<8080xf32, #tpu.memory_space<vmem>>
        %gather3A_1315 = tpu.vector_load_idx %gather3A_1314[%add3A_1297] : memref<8080xf32, #tpu.memory_space<vmem>>[vector<16xi32>], vector<16xf32>,
        %add3A_1316 = arith.addf %add3A_1271, %gather3A_1315 : vector<16xf32>
        %add3A_1317 = arith.addf %add3A_1272, %add3A_1316 : vector<16xf32>
        %gather3A_1318 = arith.constant 64 : i32
        %gather3A_1319 = tpu.memref_slice %arg6[%gather3A_1318] : memref<8192xf32, #tpu.memory_space<vmem>> -> memref<8080xf32, #tpu.memory_space<vmem>>
        %gather3A_1320 = tpu.vector_load_idx %gather3A_1319[%add3A_1297] : memref<8080xf32, #tpu.memory_space<vmem>>[vector<16xi32>], vector<16xf32>,
        %add3A_1321 = arith.addf %add3A_1276, %gather3A_1320 : vector<16xf32>
        %add3A_1322 = arith.addf %add3A_1277, %add3A_1321 : vector<16xf32>
        %gather3A_1323 = arith.constant 80 : i32
        %gather3A_1324 = tpu.memref_slice %arg6[%gather3A_1323] : memref<8192xf32, #tpu.memory_space<vmem>> -> memref<8080xf32, #tpu.memory_space<vmem>>
        %gather3A_1325 = tpu.vector_load_idx %gather3A_1324[%add3A_1297] : memref<8080xf32, #tpu.memory_space<vmem>>[vector<16xi32>], vector<16xf32>,
        %add3A_1326 = arith.addf %add3A_1281, %gather3A_1325 : vector<16xf32>
        %add3A_1327 = arith.addf %add3A_1282, %add3A_1326 : vector<16xf32>
        %gather3A_1328 = arith.constant 96 : i32
        %gather3A_1329 = tpu.memref_slice %arg6[%gather3A_1328] : memref<8192xf32, #tpu.memory_space<vmem>> -> memref<8080xf32, #tpu.memory_space<vmem>>
        %gather3A_1330 = tpu.vector_load_idx %gather3A_1329[%add3A_1297] : memref<8080xf32, #tpu.memory_space<vmem>>[vector<16xi32>], vector<16xf32>,
        %add3A_1331 = arith.addf %add3A_1286, %gather3A_1330 : vector<16xf32>
        %add3A_1332 = arith.addf %add3A_1287, %add3A_1331 : vector<16xf32>
        %gather3A_1333 = arith.constant 112 : i32
        %gather3A_1334 = tpu.memref_slice %arg6[%gather3A_1333] : memref<8192xf32, #tpu.memory_space<vmem>> -> memref<8080xf32, #tpu.memory_space<vmem>>
        %gather3A_1335 = tpu.vector_load_idx %gather3A_1334[%add3A_1297] : memref<8080xf32, #tpu.memory_space<vmem>>[vector<16xi32>], vector<16xf32>,
        %add3A_1336 = arith.addf %add3A_1291, %gather3A_1335 : vector<16xf32>
        %add3A_1337 = arith.addf %add3A_1292, %add3A_1336 : vector<16xf32>
        %broadcast_in_dim3A_1338 = arith.constant 3 : i32
        %broadcast_in_dim3A_1339 = vector.broadcast %broadcast_in_dim3A_1338 : i32 to vector<16x1xi32>
        %gather3A_1340 = vector.shape_cast %broadcast_in_dim3A_1339 : vector<16x1xi32> to vector<16xi32>
        %gather3A_1341 = tpu.dynamic_gather %shift_left3A_39[%gather3A_1340] in [0] : vector<16xi32>, vector<16xi32> -> vector<16xi32>
        %add3A_1342 = arith.addi %gather3A_1341, %iota3A : vector<16xi32>
        %gather3A_1343 = arith.constant 0 : i32
        %gather3A_1344 = tpu.memref_slice %arg6[%gather3A_1343] : memref<8192xf32, #tpu.memory_space<vmem>> -> memref<8080xf32, #tpu.memory_space<vmem>>
        %gather3A_1345 = tpu.vector_load_idx %gather3A_1344[%add3A_1342] : memref<8080xf32, #tpu.memory_space<vmem>>[vector<16xi32>], vector<16xf32>,
        %add3A_1346 = arith.addf %add3A_1301, %gather3A_1345 : vector<16xf32>
        %add3A_1347 = arith.addf %add3A_1302, %add3A_1346 : vector<16xf32>
        %gather3A_1348 = arith.constant 16 : i32
        %gather3A_1349 = tpu.memref_slice %arg6[%gather3A_1348] : memref<8192xf32, #tpu.memory_space<vmem>> -> memref<8080xf32, #tpu.memory_space<vmem>>
        %gather3A_1350 = tpu.vector_load_idx %gather3A_1349[%add3A_1342] : memref<8080xf32, #tpu.memory_space<vmem>>[vector<16xi32>], vector<16xf32>,
        %add3A_1351 = arith.addf %add3A_1306, %gather3A_1350 : vector<16xf32>
        %add3A_1352 = arith.addf %add3A_1307, %add3A_1351 : vector<16xf32>
        %gather3A_1353 = arith.constant 32 : i32
        %gather3A_1354 = tpu.memref_slice %arg6[%gather3A_1353] : memref<8192xf32, #tpu.memory_space<vmem>> -> memref<8080xf32, #tpu.memory_space<vmem>>
        %gather3A_1355 = tpu.vector_load_idx %gather3A_1354[%add3A_1342] : memref<8080xf32, #tpu.memory_space<vmem>>[vector<16xi32>], vector<16xf32>,
        %add3A_1356 = arith.addf %add3A_1311, %gather3A_1355 : vector<16xf32>
        %add3A_1357 = arith.addf %add3A_1312, %add3A_1356 : vector<16xf32>
        %gather3A_1358 = arith.constant 48 : i32
        %gather3A_1359 = tpu.memref_slice %arg6[%gather3A_1358] : memref<8192xf32, #tpu.memory_space<vmem>> -> memref<8080xf32, #tpu.memory_space<vmem>>
        %gather3A_1360 = tpu.vector_load_idx %gather3A_1359[%add3A_1342] : memref<8080xf32, #tpu.memory_space<vmem>>[vector<16xi32>], vector<16xf32>,
        %add3A_1361 = arith.addf %add3A_1316, %gather3A_1360 : vector<16xf32>
        %add3A_1362 = arith.addf %add3A_1317, %add3A_1361 : vector<16xf32>
        %gather3A_1363 = arith.constant 64 : i32
        %gather3A_1364 = tpu.memref_slice %arg6[%gather3A_1363] : memref<8192xf32, #tpu.memory_space<vmem>> -> memref<8080xf32, #tpu.memory_space<vmem>>
        %gather3A_1365 = tpu.vector_load_idx %gather3A_1364[%add3A_1342] : memref<8080xf32, #tpu.memory_space<vmem>>[vector<16xi32>], vector<16xf32>,
        %add3A_1366 = arith.addf %add3A_1321, %gather3A_1365 : vector<16xf32>
        %add3A_1367 = arith.addf %add3A_1322, %add3A_1366 : vector<16xf32>
        %gather3A_1368 = arith.constant 80 : i32
        %gather3A_1369 = tpu.memref_slice %arg6[%gather3A_1368] : memref<8192xf32, #tpu.memory_space<vmem>> -> memref<8080xf32, #tpu.memory_space<vmem>>
        %gather3A_1370 = tpu.vector_load_idx %gather3A_1369[%add3A_1342] : memref<8080xf32, #tpu.memory_space<vmem>>[vector<16xi32>], vector<16xf32>,
        %add3A_1371 = arith.addf %add3A_1326, %gather3A_1370 : vector<16xf32>
        %add3A_1372 = arith.addf %add3A_1327, %add3A_1371 : vector<16xf32>
        %gather3A_1373 = arith.constant 96 : i32
        %gather3A_1374 = tpu.memref_slice %arg6[%gather3A_1373] : memref<8192xf32, #tpu.memory_space<vmem>> -> memref<8080xf32, #tpu.memory_space<vmem>>
        %gather3A_1375 = tpu.vector_load_idx %gather3A_1374[%add3A_1342] : memref<8080xf32, #tpu.memory_space<vmem>>[vector<16xi32>], vector<16xf32>,
        %add3A_1376 = arith.addf %add3A_1331, %gather3A_1375 : vector<16xf32>
        %add3A_1377 = arith.addf %add3A_1332, %add3A_1376 : vector<16xf32>
        %gather3A_1378 = arith.constant 112 : i32
        %gather3A_1379 = tpu.memref_slice %arg6[%gather3A_1378] : memref<8192xf32, #tpu.memory_space<vmem>> -> memref<8080xf32, #tpu.memory_space<vmem>>
        %gather3A_1380 = tpu.vector_load_idx %gather3A_1379[%add3A_1342] : memref<8080xf32, #tpu.memory_space<vmem>>[vector<16xi32>], vector<16xf32>,
        %add3A_1381 = arith.addf %add3A_1336, %gather3A_1380 : vector<16xf32>
        %add3A_1382 = arith.addf %add3A_1337, %add3A_1381 : vector<16xf32>
        %broadcast_in_dim3A_1383 = arith.constant 2 : i32
        %broadcast_in_dim3A_1384 = vector.broadcast %broadcast_in_dim3A_1383 : i32 to vector<16x1xi32>
        %gather3A_1385 = vector.shape_cast %broadcast_in_dim3A_1384 : vector<16x1xi32> to vector<16xi32>
        %gather3A_1386 = tpu.dynamic_gather %shift_left3A_39[%gather3A_1385] in [0] : vector<16xi32>, vector<16xi32> -> vector<16xi32>
        %add3A_1387 = arith.addi %gather3A_1386, %iota3A : vector<16xi32>
        %gather3A_1388 = arith.constant 0 : i32
        %gather3A_1389 = tpu.memref_slice %arg6[%gather3A_1388] : memref<8192xf32, #tpu.memory_space<vmem>> -> memref<8080xf32, #tpu.memory_space<vmem>>
        %gather3A_1390 = tpu.vector_load_idx %gather3A_1389[%add3A_1387] : memref<8080xf32, #tpu.memory_space<vmem>>[vector<16xi32>], vector<16xf32>,
        %add3A_1391 = arith.addf %add3A_1346, %gather3A_1390 : vector<16xf32>
        %add3A_1392 = arith.addf %add3A_1347, %add3A_1391 : vector<16xf32>
        %gather3A_1393 = arith.constant 16 : i32
        %gather3A_1394 = tpu.memref_slice %arg6[%gather3A_1393] : memref<8192xf32, #tpu.memory_space<vmem>> -> memref<8080xf32, #tpu.memory_space<vmem>>
        %gather3A_1395 = tpu.vector_load_idx %gather3A_1394[%add3A_1387] : memref<8080xf32, #tpu.memory_space<vmem>>[vector<16xi32>], vector<16xf32>,
        %add3A_1396 = arith.addf %add3A_1351, %gather3A_1395 : vector<16xf32>
        %add3A_1397 = arith.addf %add3A_1352, %add3A_1396 : vector<16xf32>
        %gather3A_1398 = arith.constant 32 : i32
        %gather3A_1399 = tpu.memref_slice %arg6[%gather3A_1398] : memref<8192xf32, #tpu.memory_space<vmem>> -> memref<8080xf32, #tpu.memory_space<vmem>>
        %gather3A_1400 = tpu.vector_load_idx %gather3A_1399[%add3A_1387] : memref<8080xf32, #tpu.memory_space<vmem>>[vector<16xi32>], vector<16xf32>,
        %add3A_1401 = arith.addf %add3A_1356, %gather3A_1400 : vector<16xf32>
        %add3A_1402 = arith.addf %add3A_1357, %add3A_1401 : vector<16xf32>
        %gather3A_1403 = arith.constant 48 : i32
        %gather3A_1404 = tpu.memref_slice %arg6[%gather3A_1403] : memref<8192xf32, #tpu.memory_space<vmem>> -> memref<8080xf32, #tpu.memory_space<vmem>>
        %gather3A_1405 = tpu.vector_load_idx %gather3A_1404[%add3A_1387] : memref<8080xf32, #tpu.memory_space<vmem>>[vector<16xi32>], vector<16xf32>,
        %add3A_1406 = arith.addf %add3A_1361, %gather3A_1405 : vector<16xf32>
        %add3A_1407 = arith.addf %add3A_1362, %add3A_1406 : vector<16xf32>
        %gather3A_1408 = arith.constant 64 : i32
        %gather3A_1409 = tpu.memref_slice %arg6[%gather3A_1408] : memref<8192xf32, #tpu.memory_space<vmem>> -> memref<8080xf32, #tpu.memory_space<vmem>>
        %gather3A_1410 = tpu.vector_load_idx %gather3A_1409[%add3A_1387] : memref<8080xf32, #tpu.memory_space<vmem>>[vector<16xi32>], vector<16xf32>,
        %add3A_1411 = arith.addf %add3A_1366, %gather3A_1410 : vector<16xf32>
        %add3A_1412 = arith.addf %add3A_1367, %add3A_1411 : vector<16xf32>
        %gather3A_1413 = arith.constant 80 : i32
        %gather3A_1414 = tpu.memref_slice %arg6[%gather3A_1413] : memref<8192xf32, #tpu.memory_space<vmem>> -> memref<8080xf32, #tpu.memory_space<vmem>>
        %gather3A_1415 = tpu.vector_load_idx %gather3A_1414[%add3A_1387] : memref<8080xf32, #tpu.memory_space<vmem>>[vector<16xi32>], vector<16xf32>,
        %add3A_1416 = arith.addf %add3A_1371, %gather3A_1415 : vector<16xf32>
        %add3A_1417 = arith.addf %add3A_1372, %add3A_1416 : vector<16xf32>
        %gather3A_1418 = arith.constant 96 : i32
        %gather3A_1419 = tpu.memref_slice %arg6[%gather3A_1418] : memref<8192xf32, #tpu.memory_space<vmem>> -> memref<8080xf32, #tpu.memory_space<vmem>>
        %gather3A_1420 = tpu.vector_load_idx %gather3A_1419[%add3A_1387] : memref<8080xf32, #tpu.memory_space<vmem>>[vector<16xi32>], vector<16xf32>,
        %add3A_1421 = arith.addf %add3A_1376, %gather3A_1420 : vector<16xf32>
        %add3A_1422 = arith.addf %add3A_1377, %add3A_1421 : vector<16xf32>
        %gather3A_1423 = arith.constant 112 : i32
        %gather3A_1424 = tpu.memref_slice %arg6[%gather3A_1423] : memref<8192xf32, #tpu.memory_space<vmem>> -> memref<8080xf32, #tpu.memory_space<vmem>>
        %gather3A_1425 = tpu.vector_load_idx %gather3A_1424[%add3A_1387] : memref<8080xf32, #tpu.memory_space<vmem>>[vector<16xi32>], vector<16xf32>,
        %add3A_1426 = arith.addf %add3A_1381, %gather3A_1425 : vector<16xf32>
        %add3A_1427 = arith.addf %add3A_1382, %add3A_1426 : vector<16xf32>
        %broadcast_in_dim3A_1428 = arith.constant 1 : i32
        %broadcast_in_dim3A_1429 = vector.broadcast %broadcast_in_dim3A_1428 : i32 to vector<16x1xi32>
        %gather3A_1430 = vector.shape_cast %broadcast_in_dim3A_1429 : vector<16x1xi32> to vector<16xi32>
        %gather3A_1431 = tpu.dynamic_gather %shift_left3A_39[%gather3A_1430] in [0] : vector<16xi32>, vector<16xi32> -> vector<16xi32>
        %add3A_1432 = arith.addi %gather3A_1431, %iota3A : vector<16xi32>
        %gather3A_1433 = arith.constant 0 : i32
        %gather3A_1434 = tpu.memref_slice %arg6[%gather3A_1433] : memref<8192xf32, #tpu.memory_space<vmem>> -> memref<8080xf32, #tpu.memory_space<vmem>>
        %gather3A_1435 = tpu.vector_load_idx %gather3A_1434[%add3A_1432] : memref<8080xf32, #tpu.memory_space<vmem>>[vector<16xi32>], vector<16xf32>,
        %add3A_1436 = arith.addf %add3A_1391, %gather3A_1435 : vector<16xf32>
        %add3A_1437 = arith.addf %add3A_1392, %add3A_1436 : vector<16xf32>
        %gather3A_1438 = arith.constant 16 : i32
        %gather3A_1439 = tpu.memref_slice %arg6[%gather3A_1438] : memref<8192xf32, #tpu.memory_space<vmem>> -> memref<8080xf32, #tpu.memory_space<vmem>>
        %gather3A_1440 = tpu.vector_load_idx %gather3A_1439[%add3A_1432] : memref<8080xf32, #tpu.memory_space<vmem>>[vector<16xi32>], vector<16xf32>,
        %add3A_1441 = arith.addf %add3A_1396, %gather3A_1440 : vector<16xf32>
        %add3A_1442 = arith.addf %add3A_1397, %add3A_1441 : vector<16xf32>
        %gather3A_1443 = arith.constant 32 : i32
        %gather3A_1444 = tpu.memref_slice %arg6[%gather3A_1443] : memref<8192xf32, #tpu.memory_space<vmem>> -> memref<8080xf32, #tpu.memory_space<vmem>>
        %gather3A_1445 = tpu.vector_load_idx %gather3A_1444[%add3A_1432] : memref<8080xf32, #tpu.memory_space<vmem>>[vector<16xi32>], vector<16xf32>,
        %add3A_1446 = arith.addf %add3A_1401, %gather3A_1445 : vector<16xf32>
        %add3A_1447 = arith.addf %add3A_1402, %add3A_1446 : vector<16xf32>
        %gather3A_1448 = arith.constant 48 : i32
        %gather3A_1449 = tpu.memref_slice %arg6[%gather3A_1448] : memref<8192xf32, #tpu.memory_space<vmem>> -> memref<8080xf32, #tpu.memory_space<vmem>>
        %gather3A_1450 = tpu.vector_load_idx %gather3A_1449[%add3A_1432] : memref<8080xf32, #tpu.memory_space<vmem>>[vector<16xi32>], vector<16xf32>,
        %add3A_1451 = arith.addf %add3A_1406, %gather3A_1450 : vector<16xf32>
        %add3A_1452 = arith.addf %add3A_1407, %add3A_1451 : vector<16xf32>
        %gather3A_1453 = arith.constant 64 : i32
        %gather3A_1454 = tpu.memref_slice %arg6[%gather3A_1453] : memref<8192xf32, #tpu.memory_space<vmem>> -> memref<8080xf32, #tpu.memory_space<vmem>>
        %gather3A_1455 = tpu.vector_load_idx %gather3A_1454[%add3A_1432] : memref<8080xf32, #tpu.memory_space<vmem>>[vector<16xi32>], vector<16xf32>,
        %add3A_1456 = arith.addf %add3A_1411, %gather3A_1455 : vector<16xf32>
        %add3A_1457 = arith.addf %add3A_1412, %add3A_1456 : vector<16xf32>
        %gather3A_1458 = arith.constant 80 : i32
        %gather3A_1459 = tpu.memref_slice %arg6[%gather3A_1458] : memref<8192xf32, #tpu.memory_space<vmem>> -> memref<8080xf32, #tpu.memory_space<vmem>>
        %gather3A_1460 = tpu.vector_load_idx %gather3A_1459[%add3A_1432] : memref<8080xf32, #tpu.memory_space<vmem>>[vector<16xi32>], vector<16xf32>,
        %add3A_1461 = arith.addf %add3A_1416, %gather3A_1460 : vector<16xf32>
        %add3A_1462 = arith.addf %add3A_1417, %add3A_1461 : vector<16xf32>
        %gather3A_1463 = arith.constant 96 : i32
        %gather3A_1464 = tpu.memref_slice %arg6[%gather3A_1463] : memref<8192xf32, #tpu.memory_space<vmem>> -> memref<8080xf32, #tpu.memory_space<vmem>>
        %gather3A_1465 = tpu.vector_load_idx %gather3A_1464[%add3A_1432] : memref<8080xf32, #tpu.memory_space<vmem>>[vector<16xi32>], vector<16xf32>,
        %add3A_1466 = arith.addf %add3A_1421, %gather3A_1465 : vector<16xf32>
        %add3A_1467 = arith.addf %add3A_1422, %add3A_1466 : vector<16xf32>
        %gather3A_1468 = arith.constant 112 : i32
        %gather3A_1469 = tpu.memref_slice %arg6[%gather3A_1468] : memref<8192xf32, #tpu.memory_space<vmem>> -> memref<8080xf32, #tpu.memory_space<vmem>>
        %gather3A_1470 = tpu.vector_load_idx %gather3A_1469[%add3A_1432] : memref<8080xf32, #tpu.memory_space<vmem>>[vector<16xi32>], vector<16xf32>,
        %add3A_1471 = arith.addf %add3A_1426, %gather3A_1470 : vector<16xf32>
        %add3A_1472 = arith.addf %add3A_1427, %add3A_1471 : vector<16xf32>
        %broadcast_in_dim3A_1473 = arith.constant 0 : i32
        %broadcast_in_dim3A_1474 = vector.broadcast %broadcast_in_dim3A_1473 : i32 to vector<16x1xi32>
        %gather3A_1475 = vector.shape_cast %broadcast_in_dim3A_1474 : vector<16x1xi32> to vector<16xi32>
        %gather3A_1476 = tpu.dynamic_gather %shift_left3A_39[%gather3A_1475] in [0] : vector<16xi32>, vector<16xi32> -> vector<16xi32>
        %add3A_1477 = arith.addi %gather3A_1476, %iota3A : vector<16xi32>
        %gather3A_1478 = arith.constant 0 : i32
        %gather3A_1479 = tpu.memref_slice %arg6[%gather3A_1478] : memref<8192xf32, #tpu.memory_space<vmem>> -> memref<8080xf32, #tpu.memory_space<vmem>>
        %gather3A_1480 = tpu.vector_load_idx %gather3A_1479[%add3A_1477] : memref<8080xf32, #tpu.memory_space<vmem>>[vector<16xi32>], vector<16xf32>,
        %add3A_1481 = arith.addf %add3A_1436, %gather3A_1480 : vector<16xf32>
        %gather3A_1482 = arith.constant 16 : i32
        %gather3A_1483 = tpu.memref_slice %arg6[%gather3A_1482] : memref<8192xf32, #tpu.memory_space<vmem>> -> memref<8080xf32, #tpu.memory_space<vmem>>
        %gather3A_1484 = tpu.vector_load_idx %gather3A_1483[%add3A_1477] : memref<8080xf32, #tpu.memory_space<vmem>>[vector<16xi32>], vector<16xf32>,
        %add3A_1485 = arith.addf %add3A_1441, %gather3A_1484 : vector<16xf32>
        %gather3A_1486 = arith.constant 32 : i32
        %gather3A_1487 = tpu.memref_slice %arg6[%gather3A_1486] : memref<8192xf32, #tpu.memory_space<vmem>> -> memref<8080xf32, #tpu.memory_space<vmem>>
        %gather3A_1488 = tpu.vector_load_idx %gather3A_1487[%add3A_1477] : memref<8080xf32, #tpu.memory_space<vmem>>[vector<16xi32>], vector<16xf32>,
        %add3A_1489 = arith.addf %add3A_1446, %gather3A_1488 : vector<16xf32>
        %gather3A_1490 = arith.constant 48 : i32
        %gather3A_1491 = tpu.memref_slice %arg6[%gather3A_1490] : memref<8192xf32, #tpu.memory_space<vmem>> -> memref<8080xf32, #tpu.memory_space<vmem>>
        %gather3A_1492 = tpu.vector_load_idx %gather3A_1491[%add3A_1477] : memref<8080xf32, #tpu.memory_space<vmem>>[vector<16xi32>], vector<16xf32>,
        %add3A_1493 = arith.addf %add3A_1451, %gather3A_1492 : vector<16xf32>
        %gather3A_1494 = arith.constant 64 : i32
        %gather3A_1495 = tpu.memref_slice %arg6[%gather3A_1494] : memref<8192xf32, #tpu.memory_space<vmem>> -> memref<8080xf32, #tpu.memory_space<vmem>>
        %gather3A_1496 = tpu.vector_load_idx %gather3A_1495[%add3A_1477] : memref<8080xf32, #tpu.memory_space<vmem>>[vector<16xi32>], vector<16xf32>,
        %add3A_1497 = arith.addf %add3A_1456, %gather3A_1496 : vector<16xf32>
        %gather3A_1498 = arith.constant 80 : i32
        %gather3A_1499 = tpu.memref_slice %arg6[%gather3A_1498] : memref<8192xf32, #tpu.memory_space<vmem>> -> memref<8080xf32, #tpu.memory_space<vmem>>
        %gather3A_1500 = tpu.vector_load_idx %gather3A_1499[%add3A_1477] : memref<8080xf32, #tpu.memory_space<vmem>>[vector<16xi32>], vector<16xf32>,
        %add3A_1501 = arith.addf %add3A_1461, %gather3A_1500 : vector<16xf32>
        %gather3A_1502 = arith.constant 96 : i32
        %gather3A_1503 = tpu.memref_slice %arg6[%gather3A_1502] : memref<8192xf32, #tpu.memory_space<vmem>> -> memref<8080xf32, #tpu.memory_space<vmem>>
        %gather3A_1504 = tpu.vector_load_idx %gather3A_1503[%add3A_1477] : memref<8080xf32, #tpu.memory_space<vmem>>[vector<16xi32>], vector<16xf32>,
        %add3A_1505 = arith.addf %add3A_1466, %gather3A_1504 : vector<16xf32>
        %gather3A_1506 = arith.constant 112 : i32
        %gather3A_1507 = tpu.memref_slice %arg6[%gather3A_1506] : memref<8192xf32, #tpu.memory_space<vmem>> -> memref<8080xf32, #tpu.memory_space<vmem>>
        %gather3A_1508 = tpu.vector_load_idx %gather3A_1507[%add3A_1477] : memref<8080xf32, #tpu.memory_space<vmem>>[vector<16xi32>], vector<16xf32>,
        %add3A_1509 = arith.addf %add3A_1471, %gather3A_1508 : vector<16xf32>
        %mul3A_1510 = arith.constant 128 : i32
        %mul3A_1511 = arith.muli %scan3A_32, %mul3A_1510 : i32
        %add3A_1512 = arith.constant 0 : i32
        %add3A_1513 = arith.addi %mul3A_1511, %add3A_1512 : i32
        %swap3A_1514 = arith.index_cast %add3A_1513 : i32 to index
        %swap3A_1515 = tpu.vector_load %arg8[%swap3A_1514] {strides = array<i32>} : memref<8192xf32, #tpu.memory_space<vmem>>, vector<16xf32>,
        tpu.vector_store %arg8[%swap3A_1514], %add3A_1481 {strides = array<i32>} : memref<8192xf32, #tpu.memory_space<vmem>>, vector<16xf32>,
        %mul3A_1516 = arith.constant 128 : i32
        %mul3A_1517 = arith.muli %scan3A_32, %mul3A_1516 : i32
        %add3A_1518 = arith.constant 0 : i32
        %add3A_1519 = arith.addi %mul3A_1517, %add3A_1518 : i32
        %swap3A_1520 = arith.index_cast %add3A_1519 : i32 to index
        %swap3A_1521 = tpu.vector_load %arg9[%swap3A_1520] {strides = array<i32>} : memref<8192xf32, #tpu.memory_space<vmem>>, vector<16xf32>,
        tpu.vector_store %arg9[%swap3A_1520], %add3A_1437 {strides = array<i32>} : memref<8192xf32, #tpu.memory_space<vmem>>, vector<16xf32>,
        %mul3A_1522 = arith.constant 128 : i32
        %mul3A_1523 = arith.muli %scan3A_32, %mul3A_1522 : i32
        %add3A_1524 = arith.constant 16 : i32
        %add3A_1525 = arith.addi %mul3A_1523, %add3A_1524 : i32
        %swap3A_1526 = arith.index_cast %add3A_1525 : i32 to index
        %swap3A_1527 = tpu.vector_load %arg8[%swap3A_1526] {strides = array<i32>} : memref<8192xf32, #tpu.memory_space<vmem>>, vector<16xf32>,
        tpu.vector_store %arg8[%swap3A_1526], %add3A_1485 {strides = array<i32>} : memref<8192xf32, #tpu.memory_space<vmem>>, vector<16xf32>,
        %mul3A_1528 = arith.constant 128 : i32
        %mul3A_1529 = arith.muli %scan3A_32, %mul3A_1528 : i32
        %add3A_1530 = arith.constant 16 : i32
        %add3A_1531 = arith.addi %mul3A_1529, %add3A_1530 : i32
        %swap3A_1532 = arith.index_cast %add3A_1531 : i32 to index
        %swap3A_1533 = tpu.vector_load %arg9[%swap3A_1532] {strides = array<i32>} : memref<8192xf32, #tpu.memory_space<vmem>>, vector<16xf32>,
        tpu.vector_store %arg9[%swap3A_1532], %add3A_1442 {strides = array<i32>} : memref<8192xf32, #tpu.memory_space<vmem>>, vector<16xf32>,
        %mul3A_1534 = arith.constant 128 : i32
        %mul3A_1535 = arith.muli %scan3A_32, %mul3A_1534 : i32
        %add3A_1536 = arith.constant 32 : i32
        %add3A_1537 = arith.addi %mul3A_1535, %add3A_1536 : i32
        %swap3A_1538 = arith.index_cast %add3A_1537 : i32 to index
        %swap3A_1539 = tpu.vector_load %arg8[%swap3A_1538] {strides = array<i32>} : memref<8192xf32, #tpu.memory_space<vmem>>, vector<16xf32>,
        tpu.vector_store %arg8[%swap3A_1538], %add3A_1489 {strides = array<i32>} : memref<8192xf32, #tpu.memory_space<vmem>>, vector<16xf32>,
        %mul3A_1540 = arith.constant 128 : i32
        %mul3A_1541 = arith.muli %scan3A_32, %mul3A_1540 : i32
        %add3A_1542 = arith.constant 32 : i32
        %add3A_1543 = arith.addi %mul3A_1541, %add3A_1542 : i32
        %swap3A_1544 = arith.index_cast %add3A_1543 : i32 to index
        %swap3A_1545 = tpu.vector_load %arg9[%swap3A_1544] {strides = array<i32>} : memref<8192xf32, #tpu.memory_space<vmem>>, vector<16xf32>,
        tpu.vector_store %arg9[%swap3A_1544], %add3A_1447 {strides = array<i32>} : memref<8192xf32, #tpu.memory_space<vmem>>, vector<16xf32>,
        %mul3A_1546 = arith.constant 128 : i32
        %mul3A_1547 = arith.muli %scan3A_32, %mul3A_1546 : i32
        %add3A_1548 = arith.constant 48 : i32
        %add3A_1549 = arith.addi %mul3A_1547, %add3A_1548 : i32
        %swap3A_1550 = arith.index_cast %add3A_1549 : i32 to index
        %swap3A_1551 = tpu.vector_load %arg8[%swap3A_1550] {strides = array<i32>} : memref<8192xf32, #tpu.memory_space<vmem>>, vector<16xf32>,
        tpu.vector_store %arg8[%swap3A_1550], %add3A_1493 {strides = array<i32>} : memref<8192xf32, #tpu.memory_space<vmem>>, vector<16xf32>,
        %mul3A_1552 = arith.constant 128 : i32
        %mul3A_1553 = arith.muli %scan3A_32, %mul3A_1552 : i32
        %add3A_1554 = arith.constant 48 : i32
        %add3A_1555 = arith.addi %mul3A_1553, %add3A_1554 : i32
        %swap3A_1556 = arith.index_cast %add3A_1555 : i32 to index
        %swap3A_1557 = tpu.vector_load %arg9[%swap3A_1556] {strides = array<i32>} : memref<8192xf32, #tpu.memory_space<vmem>>, vector<16xf32>,
        tpu.vector_store %arg9[%swap3A_1556], %add3A_1452 {strides = array<i32>} : memref<8192xf32, #tpu.memory_space<vmem>>, vector<16xf32>,
        %mul3A_1558 = arith.constant 128 : i32
        %mul3A_1559 = arith.muli %scan3A_32, %mul3A_1558 : i32
        %add3A_1560 = arith.constant 64 : i32
        %add3A_1561 = arith.addi %mul3A_1559, %add3A_1560 : i32
        %swap3A_1562 = arith.index_cast %add3A_1561 : i32 to index
        %swap3A_1563 = tpu.vector_load %arg8[%swap3A_1562] {strides = array<i32>} : memref<8192xf32, #tpu.memory_space<vmem>>, vector<16xf32>,
        tpu.vector_store %arg8[%swap3A_1562], %add3A_1497 {strides = array<i32>} : memref<8192xf32, #tpu.memory_space<vmem>>, vector<16xf32>,
        %mul3A_1564 = arith.constant 128 : i32
        %mul3A_1565 = arith.muli %scan3A_32, %mul3A_1564 : i32
        %add3A_1566 = arith.constant 64 : i32
        %add3A_1567 = arith.addi %mul3A_1565, %add3A_1566 : i32
        %swap3A_1568 = arith.index_cast %add3A_1567 : i32 to index
        %swap3A_1569 = tpu.vector_load %arg9[%swap3A_1568] {strides = array<i32>} : memref<8192xf32, #tpu.memory_space<vmem>>, vector<16xf32>,
        tpu.vector_store %arg9[%swap3A_1568], %add3A_1457 {strides = array<i32>} : memref<8192xf32, #tpu.memory_space<vmem>>, vector<16xf32>,
        %mul3A_1570 = arith.constant 128 : i32
        %mul3A_1571 = arith.muli %scan3A_32, %mul3A_1570 : i32
        %add3A_1572 = arith.constant 80 : i32
        %add3A_1573 = arith.addi %mul3A_1571, %add3A_1572 : i32
        %swap3A_1574 = arith.index_cast %add3A_1573 : i32 to index
        %swap3A_1575 = tpu.vector_load %arg8[%swap3A_1574] {strides = array<i32>} : memref<8192xf32, #tpu.memory_space<vmem>>, vector<16xf32>,
        tpu.vector_store %arg8[%swap3A_1574], %add3A_1501 {strides = array<i32>} : memref<8192xf32, #tpu.memory_space<vmem>>, vector<16xf32>,
        %mul3A_1576 = arith.constant 128 : i32
        %mul3A_1577 = arith.muli %scan3A_32, %mul3A_1576 : i32
        %add3A_1578 = arith.constant 80 : i32
        %add3A_1579 = arith.addi %mul3A_1577, %add3A_1578 : i32
        %swap3A_1580 = arith.index_cast %add3A_1579 : i32 to index
        %swap3A_1581 = tpu.vector_load %arg9[%swap3A_1580] {strides = array<i32>} : memref<8192xf32, #tpu.memory_space<vmem>>, vector<16xf32>,
        tpu.vector_store %arg9[%swap3A_1580], %add3A_1462 {strides = array<i32>} : memref<8192xf32, #tpu.memory_space<vmem>>, vector<16xf32>,
        %mul3A_1582 = arith.constant 128 : i32
        %mul3A_1583 = arith.muli %scan3A_32, %mul3A_1582 : i32
        %add3A_1584 = arith.constant 96 : i32
        %add3A_1585 = arith.addi %mul3A_1583, %add3A_1584 : i32
        %swap3A_1586 = arith.index_cast %add3A_1585 : i32 to index
        %swap3A_1587 = tpu.vector_load %arg8[%swap3A_1586] {strides = array<i32>} : memref<8192xf32, #tpu.memory_space<vmem>>, vector<16xf32>,
        tpu.vector_store %arg8[%swap3A_1586], %add3A_1505 {strides = array<i32>} : memref<8192xf32, #tpu.memory_space<vmem>>, vector<16xf32>,
        %mul3A_1588 = arith.constant 128 : i32
        %mul3A_1589 = arith.muli %scan3A_32, %mul3A_1588 : i32
        %add3A_1590 = arith.constant 96 : i32
        %add3A_1591 = arith.addi %mul3A_1589, %add3A_1590 : i32
        %swap3A_1592 = arith.index_cast %add3A_1591 : i32 to index
        %swap3A_1593 = tpu.vector_load %arg9[%swap3A_1592] {strides = array<i32>} : memref<8192xf32, #tpu.memory_space<vmem>>, vector<16xf32>,
        tpu.vector_store %arg9[%swap3A_1592], %add3A_1467 {strides = array<i32>} : memref<8192xf32, #tpu.memory_space<vmem>>, vector<16xf32>,
        %mul3A_1594 = arith.constant 128 : i32
        %mul3A_1595 = arith.muli %scan3A_32, %mul3A_1594 : i32
        %add3A_1596 = arith.constant 112 : i32
        %add3A_1597 = arith.addi %mul3A_1595, %add3A_1596 : i32
        %swap3A_1598 = arith.index_cast %add3A_1597 : i32 to index
        %swap3A_1599 = tpu.vector_load %arg8[%swap3A_1598] {strides = array<i32>} : memref<8192xf32, #tpu.memory_space<vmem>>, vector<16xf32>,
        tpu.vector_store %arg8[%swap3A_1598], %add3A_1509 {strides = array<i32>} : memref<8192xf32, #tpu.memory_space<vmem>>, vector<16xf32>,
        %mul3A_1600 = arith.constant 128 : i32
        %mul3A_1601 = arith.muli %scan3A_32, %mul3A_1600 : i32
        %add3A_1602 = arith.constant 112 : i32
        %add3A_1603 = arith.addi %mul3A_1601, %add3A_1602 : i32
        %swap3A_1604 = arith.index_cast %add3A_1603 : i32 to index
        %swap3A_1605 = tpu.vector_load %arg9[%swap3A_1604] {strides = array<i32>} : memref<8192xf32, #tpu.memory_space<vmem>>, vector<16xf32>,
        tpu.vector_store %arg9[%swap3A_1604], %add3A_1472 {strides = array<i32>} : memref<8192xf32, #tpu.memory_space<vmem>>, vector<16xf32>,
      }
      %scan3A_31 = arith.constant 64 : i32
      "tpu.region"() ({
        %run_scoped3A = tpu.sem_alloc : memref<!tpu.dma_semaphore, #tpu.memory_space<semaphore_mem>>
        %dma_start3A = arith.constant 0 : i32
        %dma_start3A_32 = tpu.memref_slice %arg4[%add3A_10, %dma_start3A] : memref<128x8192xf32, #tpu.memory_space<hbm>> -> memref<1x8192xf32, #tpu.memory_space<hbm>>
        %dma_start3A_33 = tpu.memref_squeeze %dma_start3A_32 : memref<1x8192xf32, #tpu.memory_space<hbm>> -> memref<8192xf32, #tpu.memory_space<hbm>>
        %dma_start3A_34 = arith.constant 0 : i32
        %dma_start3A_35 = tpu.memref_slice %arg4[%add3A_10, %dma_start3A_34] : memref<128x8192xf32, #tpu.memory_space<hbm>> -> memref<1x8192xf32, #tpu.memory_space<hbm>>
        %dma_start3A_36 = tpu.memref_squeeze %dma_start3A_35 : memref<1x8192xf32, #tpu.memory_space<hbm>> -> memref<8192xf32, #tpu.memory_space<hbm>>
        tpu.enqueue_dma source(%arg8 : memref<8192xf32, #tpu.memory_space<vmem>>) target(%dma_start3A_36 : memref<8192xf32, #tpu.memory_space<hbm>>) target_semaphore(%run_scoped3A : memref<!tpu.dma_semaphore, #tpu.memory_space<semaphore_mem>>)
        %dma_wait3A = arith.constant 0 : i32
        %dma_wait3A_37 = tpu.memref_slice %arg4[%add3A_10, %dma_wait3A] : memref<128x8192xf32, #tpu.memory_space<hbm>> -> memref<1x8192xf32, #tpu.memory_space<hbm>>
        %dma_wait3A_38 = tpu.memref_squeeze %dma_wait3A_37 : memref<1x8192xf32, #tpu.memory_space<hbm>> -> memref<8192xf32, #tpu.memory_space<hbm>>
        %dma_wait3A_39 = arith.constant 0 : i32
        %dma_wait3A_40 = tpu.memref_slice %arg4[%add3A_10, %dma_wait3A_39] : memref<128x8192xf32, #tpu.memory_space<hbm>> -> memref<1x8192xf32, #tpu.memory_space<hbm>>
        %dma_wait3A_41 = tpu.memref_squeeze %dma_wait3A_40 : memref<1x8192xf32, #tpu.memory_space<hbm>> -> memref<8192xf32, #tpu.memory_space<hbm>>
        tpu.wait_dma2 semaphore(%run_scoped3A : memref<!tpu.dma_semaphore, #tpu.memory_space<semaphore_mem>>) src(%arg8 : memref<8192xf32, #tpu.memory_space<vmem>>) dst(%dma_wait3A_41 : memref<8192xf32, #tpu.memory_space<hbm>>)
        tpu.yield
      }) : () -> ()
      "tpu.region"() ({
        %run_scoped3A = tpu.sem_alloc : memref<!tpu.dma_semaphore, #tpu.memory_space<semaphore_mem>>
        %dma_start3A = arith.constant 0 : i32
        %dma_start3A_32 = tpu.memref_slice %arg5[%add3A_10, %dma_start3A] : memref<128x8192xf32, #tpu.memory_space<hbm>> -> memref<1x8192xf32, #tpu.memory_space<hbm>>
        %dma_start3A_33 = tpu.memref_squeeze %dma_start3A_32 : memref<1x8192xf32, #tpu.memory_space<hbm>> -> memref<8192xf32, #tpu.memory_space<hbm>>
        %dma_start3A_34 = arith.constant 0 : i32
        %dma_start3A_35 = tpu.memref_slice %arg5[%add3A_10, %dma_start3A_34] : memref<128x8192xf32, #tpu.memory_space<hbm>> -> memref<1x8192xf32, #tpu.memory_space<hbm>>
        %dma_start3A_36 = tpu.memref_squeeze %dma_start3A_35 : memref<1x8192xf32, #tpu.memory_space<hbm>> -> memref<8192xf32, #tpu.memory_space<hbm>>
        tpu.enqueue_dma source(%arg9 : memref<8192xf32, #tpu.memory_space<vmem>>) target(%dma_start3A_36 : memref<8192xf32, #tpu.memory_space<hbm>>) target_semaphore(%run_scoped3A : memref<!tpu.dma_semaphore, #tpu.memory_space<semaphore_mem>>)
        %dma_wait3A = arith.constant 0 : i32
        %dma_wait3A_37 = tpu.memref_slice %arg5[%add3A_10, %dma_wait3A] : memref<128x8192xf32, #tpu.memory_space<hbm>> -> memref<1x8192xf32, #tpu.memory_space<hbm>>
        %dma_wait3A_38 = tpu.memref_squeeze %dma_wait3A_37 : memref<1x8192xf32, #tpu.memory_space<hbm>> -> memref<8192xf32, #tpu.memory_space<hbm>>
        %dma_wait3A_39 = arith.constant 0 : i32
        %dma_wait3A_40 = tpu.memref_slice %arg5[%add3A_10, %dma_wait3A_39] : memref<128x8192xf32, #tpu.memory_space<hbm>> -> memref<1x8192xf32, #tpu.memory_space<hbm>>
        %dma_wait3A_41 = tpu.memref_squeeze %dma_wait3A_40 : memref<1x8192xf32, #tpu.memory_space<hbm>> -> memref<8192xf32, #tpu.memory_space<hbm>>
        tpu.wait_dma2 semaphore(%run_scoped3A : memref<!tpu.dma_semaphore, #tpu.memory_space<semaphore_mem>>) src(%arg9 : memref<8192xf32, #tpu.memory_space<vmem>>) dst(%dma_wait3A_41 : memref<8192xf32, #tpu.memory_space<hbm>>)
        tpu.yield
      }) : () -> ()
    }
    %scan3A_6 = arith.constant 4 : i32
    return
  }
}

module attributes {stable_mosaic.version = 14 : i64} {
  func.func @_tc_full_body(%arg0: i32, %arg1: memref<8x64x128xf32, #tpu.memory_space<vmem>>, %arg2: memref<32x512xi32, #tpu.memory_space<vmem>>, %arg3: memref<128x128xf32, #tpu.memory_space<vmem>>, %arg4: memref<128x128xf32, #tpu.memory_space<vmem>>, %arg5: memref<128x128xf32, #tpu.memory_space<vmem>>, %arg6: memref<1x128xf32, #tpu.memory_space<vmem>>, %arg7: memref<1x128xf32, #tpu.memory_space<vmem>>, %arg8: memref<1x128xf32, #tpu.memory_space<vmem>>, %arg9: memref<8x128xf32, #tpu.memory_space<vmem>>) attributes {dimension_semantics = [#tpu.dimension_semantics<arbitrary>], iteration_bounds = array<i64: 16>, scalar_prefetch = 0 : i64, scratch_operands = 0 : i64, tpu.core_type = #tpu.core_type<tc>, window_params = [{transform_indices = @transform_0, window_bounds = array<i64: 8, 64, 128>}, {transform_indices = @transform_1, window_bounds = array<i64: 32, 512>}, {pipeline_mode = #tpu.pipeline_mode<synchronous>, transform_indices = @transform_2, window_bounds = array<i64: 128, 128>}, {pipeline_mode = #tpu.pipeline_mode<synchronous>, transform_indices = @transform_3, window_bounds = array<i64: 128, 128>}, {pipeline_mode = #tpu.pipeline_mode<synchronous>, transform_indices = @transform_4, window_bounds = array<i64: 128, 128>}, {pipeline_mode = #tpu.pipeline_mode<synchronous>, transform_indices = @transform_5, window_bounds = array<i64: 1, 128>}, {pipeline_mode = #tpu.pipeline_mode<synchronous>, transform_indices = @transform_6, window_bounds = array<i64: 1, 128>}, {pipeline_mode = #tpu.pipeline_mode<synchronous>, transform_indices = @transform_7, window_bounds = array<i64: 1, 128>}, {transform_indices = @transform_8, window_bounds = array<i64: 8, 128>}]} {
    %get3A = arith.constant 0 : index
    %get3A_0 = arith.constant 0 : index
    %get3A_1 = vector.load %arg2[%get3A, %get3A_0] : memref<32x512xi32, #tpu.memory_space<vmem>>, vector<32x512xi32>
    %ne3A = arith.constant 0 : i32
    %ne3A_2 = vector.broadcast %ne3A : i32 to vector<32x512xi32>
    %ne3A_3 = arith.cmpi ne, %get3A_1, %ne3A_2 : vector<32x512xi32>
    %convert_element_type3A = arith.extui %ne3A_3 : vector<32x512xi1> to vector<32x512xi32>
    %convert_element_type3A_4 = arith.sitofp %convert_element_type3A : vector<32x512xi32> to vector<32x512xf32>
    %reduce_sum3A = arith.constant dense<0.000000e+00> : vector<512xf32>
    %reduce_sum3A_5 = vector.multi_reduction <add>, %convert_element_type3A_4, %reduce_sum3A [0] : vector<32x512xf32> to vector<512xf32>
    %broadcast_in_dim3A = vector.shape_cast %reduce_sum3A_5 : vector<512xf32> to vector<1x512xf32>
    %iota3A = tpu.iota {dimensions = array<i32: 0>} : vector<32x512xi32>
    %convert_element_type3A_6 = arith.sitofp %iota3A : vector<32x512xi32> to vector<32x512xf32>
    %eq3A = arith.constant 1.000000e+00 : f32
    %eq3A_7 = vector.broadcast %eq3A : f32 to vector<1x512xf32>
    %eq3A_8 = arith.cmpf oeq, %broadcast_in_dim3A, %eq3A_7 : vector<1x512xf32>
    %sub3A = arith.constant 1.000000e+00 : f32
    %sub3A_9 = vector.broadcast %sub3A : f32 to vector<1x512xf32>
    %sub3A_10 = arith.subf %broadcast_in_dim3A, %sub3A_9 : vector<1x512xf32>
    %jit3A = arith.constant 1.000000e+00 : f32
    %broadcast_in_dim3A_11 = vector.broadcast %jit3A : f32 to vector<1x512xf32>
    %select_n3A = arith.select %eq3A_8, %broadcast_in_dim3A_11, %sub3A_10 : vector<1x512xi1>, vector<1x512xf32>
    %mul3A = arith.mulf %convert_element_type3A_6, %convert_element_type3A_4 : vector<32x512xf32>
    %div3A = vector.broadcast %select_n3A : vector<1x512xf32> to vector<32x512xf32>
    %div3A_12 = arith.divf %mul3A, %div3A : vector<32x512xf32>
    %eq3A_13 = arith.constant 0 : i32
    %eq3A_14 = vector.broadcast %eq3A_13 : i32 to vector<32x512xi32>
    %eq3A_15 = arith.cmpi eq, %iota3A, %eq3A_14 : vector<32x512xi32>
    %jit3A_16 = arith.constant 5.000000e-01 : f32
    %jit3A_17 = arith.constant 0.000000e+00 : f32
    %broadcast_in_dim3A_18 = vector.broadcast %jit3A_16 : f32 to vector<32x512xf32>
    %broadcast_in_dim3A_19 = vector.broadcast %jit3A_17 : f32 to vector<32x512xf32>
    %select_n3A_20 = arith.select %eq3A_15, %broadcast_in_dim3A_18, %broadcast_in_dim3A_19 : vector<32x512xi1>, vector<32x512xf32>
    %eq3A_21 = arith.constant 1.000000e+00 : f32
    %eq3A_22 = vector.broadcast %eq3A_21 : f32 to vector<1x512xf32>
    %eq3A_23 = arith.cmpf oeq, %broadcast_in_dim3A, %eq3A_22 : vector<1x512xf32>
    %broadcast_in_dim3A_24 = vector.shape_cast %eq3A_23 : vector<1x512xi1> to vector<1x512xi1>
    %broadcast_in_dim3A_25 = vector.broadcast %broadcast_in_dim3A_24 : vector<1x512xi1> to vector<32x512xi1>
    %select_n3A_26 = arith.select %broadcast_in_dim3A_25, %select_n3A_20, %div3A_12 : vector<32x512xi1>, vector<32x512xf32>
    %sub3A_27 = arith.constant 1.000000e+00 : f32
    %sub3A_28 = vector.broadcast %sub3A_27 : f32 to vector<32x512xf32>
    %sub3A_29 = arith.subf %sub3A_28, %select_n3A_26 : vector<32x512xf32>
    %mul3A_30 = arith.mulf %convert_element_type3A_4, %sub3A_29 : vector<32x512xf32>
    %mul3A_31 = arith.mulf %convert_element_type3A_4, %select_n3A_26 : vector<32x512xf32>
    %iota3A_32 = tpu.iota {dimensions = array<i32: 0>} : vector<64x512xi32>
    %broadcast_in_dim3A_33 = arith.constant 0.000000e+00 : f32
    %broadcast_in_dim3A_34 = vector.broadcast %broadcast_in_dim3A_33 : f32 to vector<64x512xf32>
    %broadcast_in_dim3A_35 = arith.constant 0.000000e+00 : f32
    %broadcast_in_dim3A_36 = vector.broadcast %broadcast_in_dim3A_35 : f32 to vector<64x512xf32>
    %slice3A = vector.extract_strided_slice %get3A_1 {offsets = [0, 0], sizes = [1, 512], strides = [1, 1]} : vector<32x512xi32> to vector<1x512xi32>
    %eq3A_37 = vector.broadcast %slice3A : vector<1x512xi32> to vector<64x512xi32>
    %eq3A_38 = arith.cmpi eq, %iota3A_32, %eq3A_37 : vector<64x512xi32>
    %convert_element_type3A_39 = arith.extui %eq3A_38 : vector<64x512xi1> to vector<64x512xi32>
    %convert_element_type3A_40 = arith.sitofp %convert_element_type3A_39 : vector<64x512xi32> to vector<64x512xf32>
    %slice3A_41 = vector.extract_strided_slice %mul3A_30 {offsets = [0, 0], sizes = [1, 512], strides = [1, 1]} : vector<32x512xf32> to vector<1x512xf32>
    %mul3A_42 = vector.broadcast %slice3A_41 : vector<1x512xf32> to vector<64x512xf32>
    %mul3A_43 = arith.mulf %mul3A_42, %convert_element_type3A_40 : vector<64x512xf32>
    %add3A = arith.addf %broadcast_in_dim3A_34, %mul3A_43 : vector<64x512xf32>
    %slice3A_44 = vector.extract_strided_slice %mul3A_31 {offsets = [0, 0], sizes = [1, 512], strides = [1, 1]} : vector<32x512xf32> to vector<1x512xf32>
    %mul3A_45 = vector.broadcast %slice3A_44 : vector<1x512xf32> to vector<64x512xf32>
    %mul3A_46 = arith.mulf %mul3A_45, %convert_element_type3A_40 : vector<64x512xf32>
    %add3A_47 = arith.addf %broadcast_in_dim3A_36, %mul3A_46 : vector<64x512xf32>
    %slice3A_48 = vector.extract_strided_slice %get3A_1 {offsets = [1, 0], sizes = [1, 512], strides = [1, 1]} : vector<32x512xi32> to vector<1x512xi32>
    %eq3A_49 = vector.broadcast %slice3A_48 : vector<1x512xi32> to vector<64x512xi32>
    %eq3A_50 = arith.cmpi eq, %iota3A_32, %eq3A_49 : vector<64x512xi32>
    %convert_element_type3A_51 = arith.extui %eq3A_50 : vector<64x512xi1> to vector<64x512xi32>
    %convert_element_type3A_52 = arith.sitofp %convert_element_type3A_51 : vector<64x512xi32> to vector<64x512xf32>
    %slice3A_53 = vector.extract_strided_slice %mul3A_30 {offsets = [1, 0], sizes = [1, 512], strides = [1, 1]} : vector<32x512xf32> to vector<1x512xf32>
    %mul3A_54 = vector.broadcast %slice3A_53 : vector<1x512xf32> to vector<64x512xf32>
    %mul3A_55 = arith.mulf %mul3A_54, %convert_element_type3A_52 : vector<64x512xf32>
    %add3A_56 = arith.addf %add3A, %mul3A_55 : vector<64x512xf32>
    %slice3A_57 = vector.extract_strided_slice %mul3A_31 {offsets = [1, 0], sizes = [1, 512], strides = [1, 1]} : vector<32x512xf32> to vector<1x512xf32>
    %mul3A_58 = vector.broadcast %slice3A_57 : vector<1x512xf32> to vector<64x512xf32>
    %mul3A_59 = arith.mulf %mul3A_58, %convert_element_type3A_52 : vector<64x512xf32>
    %add3A_60 = arith.addf %add3A_47, %mul3A_59 : vector<64x512xf32>
    %slice3A_61 = vector.extract_strided_slice %get3A_1 {offsets = [2, 0], sizes = [1, 512], strides = [1, 1]} : vector<32x512xi32> to vector<1x512xi32>
    %eq3A_62 = vector.broadcast %slice3A_61 : vector<1x512xi32> to vector<64x512xi32>
    %eq3A_63 = arith.cmpi eq, %iota3A_32, %eq3A_62 : vector<64x512xi32>
    %convert_element_type3A_64 = arith.extui %eq3A_63 : vector<64x512xi1> to vector<64x512xi32>
    %convert_element_type3A_65 = arith.sitofp %convert_element_type3A_64 : vector<64x512xi32> to vector<64x512xf32>
    %slice3A_66 = vector.extract_strided_slice %mul3A_30 {offsets = [2, 0], sizes = [1, 512], strides = [1, 1]} : vector<32x512xf32> to vector<1x512xf32>
    %mul3A_67 = vector.broadcast %slice3A_66 : vector<1x512xf32> to vector<64x512xf32>
    %mul3A_68 = arith.mulf %mul3A_67, %convert_element_type3A_65 : vector<64x512xf32>
    %add3A_69 = arith.addf %add3A_56, %mul3A_68 : vector<64x512xf32>
    %slice3A_70 = vector.extract_strided_slice %mul3A_31 {offsets = [2, 0], sizes = [1, 512], strides = [1, 1]} : vector<32x512xf32> to vector<1x512xf32>
    %mul3A_71 = vector.broadcast %slice3A_70 : vector<1x512xf32> to vector<64x512xf32>
    %mul3A_72 = arith.mulf %mul3A_71, %convert_element_type3A_65 : vector<64x512xf32>
    %add3A_73 = arith.addf %add3A_60, %mul3A_72 : vector<64x512xf32>
    %slice3A_74 = vector.extract_strided_slice %get3A_1 {offsets = [3, 0], sizes = [1, 512], strides = [1, 1]} : vector<32x512xi32> to vector<1x512xi32>
    %eq3A_75 = vector.broadcast %slice3A_74 : vector<1x512xi32> to vector<64x512xi32>
    %eq3A_76 = arith.cmpi eq, %iota3A_32, %eq3A_75 : vector<64x512xi32>
    %convert_element_type3A_77 = arith.extui %eq3A_76 : vector<64x512xi1> to vector<64x512xi32>
    %convert_element_type3A_78 = arith.sitofp %convert_element_type3A_77 : vector<64x512xi32> to vector<64x512xf32>
    %slice3A_79 = vector.extract_strided_slice %mul3A_30 {offsets = [3, 0], sizes = [1, 512], strides = [1, 1]} : vector<32x512xf32> to vector<1x512xf32>
    %mul3A_80 = vector.broadcast %slice3A_79 : vector<1x512xf32> to vector<64x512xf32>
    %mul3A_81 = arith.mulf %mul3A_80, %convert_element_type3A_78 : vector<64x512xf32>
    %add3A_82 = arith.addf %add3A_69, %mul3A_81 : vector<64x512xf32>
    %slice3A_83 = vector.extract_strided_slice %mul3A_31 {offsets = [3, 0], sizes = [1, 512], strides = [1, 1]} : vector<32x512xf32> to vector<1x512xf32>
    %mul3A_84 = vector.broadcast %slice3A_83 : vector<1x512xf32> to vector<64x512xf32>
    %mul3A_85 = arith.mulf %mul3A_84, %convert_element_type3A_78 : vector<64x512xf32>
    %add3A_86 = arith.addf %add3A_73, %mul3A_85 : vector<64x512xf32>
    %slice3A_87 = vector.extract_strided_slice %get3A_1 {offsets = [4, 0], sizes = [1, 512], strides = [1, 1]} : vector<32x512xi32> to vector<1x512xi32>
    %eq3A_88 = vector.broadcast %slice3A_87 : vector<1x512xi32> to vector<64x512xi32>
    %eq3A_89 = arith.cmpi eq, %iota3A_32, %eq3A_88 : vector<64x512xi32>
    %convert_element_type3A_90 = arith.extui %eq3A_89 : vector<64x512xi1> to vector<64x512xi32>
    %convert_element_type3A_91 = arith.sitofp %convert_element_type3A_90 : vector<64x512xi32> to vector<64x512xf32>
    %slice3A_92 = vector.extract_strided_slice %mul3A_30 {offsets = [4, 0], sizes = [1, 512], strides = [1, 1]} : vector<32x512xf32> to vector<1x512xf32>
    %mul3A_93 = vector.broadcast %slice3A_92 : vector<1x512xf32> to vector<64x512xf32>
    %mul3A_94 = arith.mulf %mul3A_93, %convert_element_type3A_91 : vector<64x512xf32>
    %add3A_95 = arith.addf %add3A_82, %mul3A_94 : vector<64x512xf32>
    %slice3A_96 = vector.extract_strided_slice %mul3A_31 {offsets = [4, 0], sizes = [1, 512], strides = [1, 1]} : vector<32x512xf32> to vector<1x512xf32>
    %mul3A_97 = vector.broadcast %slice3A_96 : vector<1x512xf32> to vector<64x512xf32>
    %mul3A_98 = arith.mulf %mul3A_97, %convert_element_type3A_91 : vector<64x512xf32>
    %add3A_99 = arith.addf %add3A_86, %mul3A_98 : vector<64x512xf32>
    %slice3A_100 = vector.extract_strided_slice %get3A_1 {offsets = [5, 0], sizes = [1, 512], strides = [1, 1]} : vector<32x512xi32> to vector<1x512xi32>
    %eq3A_101 = vector.broadcast %slice3A_100 : vector<1x512xi32> to vector<64x512xi32>
    %eq3A_102 = arith.cmpi eq, %iota3A_32, %eq3A_101 : vector<64x512xi32>
    %convert_element_type3A_103 = arith.extui %eq3A_102 : vector<64x512xi1> to vector<64x512xi32>
    %convert_element_type3A_104 = arith.sitofp %convert_element_type3A_103 : vector<64x512xi32> to vector<64x512xf32>
    %slice3A_105 = vector.extract_strided_slice %mul3A_30 {offsets = [5, 0], sizes = [1, 512], strides = [1, 1]} : vector<32x512xf32> to vector<1x512xf32>
    %mul3A_106 = vector.broadcast %slice3A_105 : vector<1x512xf32> to vector<64x512xf32>
    %mul3A_107 = arith.mulf %mul3A_106, %convert_element_type3A_104 : vector<64x512xf32>
    %add3A_108 = arith.addf %add3A_95, %mul3A_107 : vector<64x512xf32>
    %slice3A_109 = vector.extract_strided_slice %mul3A_31 {offsets = [5, 0], sizes = [1, 512], strides = [1, 1]} : vector<32x512xf32> to vector<1x512xf32>
    %mul3A_110 = vector.broadcast %slice3A_109 : vector<1x512xf32> to vector<64x512xf32>
    %mul3A_111 = arith.mulf %mul3A_110, %convert_element_type3A_104 : vector<64x512xf32>
    %add3A_112 = arith.addf %add3A_99, %mul3A_111 : vector<64x512xf32>
    %slice3A_113 = vector.extract_strided_slice %get3A_1 {offsets = [6, 0], sizes = [1, 512], strides = [1, 1]} : vector<32x512xi32> to vector<1x512xi32>
    %eq3A_114 = vector.broadcast %slice3A_113 : vector<1x512xi32> to vector<64x512xi32>
    %eq3A_115 = arith.cmpi eq, %iota3A_32, %eq3A_114 : vector<64x512xi32>
    %convert_element_type3A_116 = arith.extui %eq3A_115 : vector<64x512xi1> to vector<64x512xi32>
    %convert_element_type3A_117 = arith.sitofp %convert_element_type3A_116 : vector<64x512xi32> to vector<64x512xf32>
    %slice3A_118 = vector.extract_strided_slice %mul3A_30 {offsets = [6, 0], sizes = [1, 512], strides = [1, 1]} : vector<32x512xf32> to vector<1x512xf32>
    %mul3A_119 = vector.broadcast %slice3A_118 : vector<1x512xf32> to vector<64x512xf32>
    %mul3A_120 = arith.mulf %mul3A_119, %convert_element_type3A_117 : vector<64x512xf32>
    %add3A_121 = arith.addf %add3A_108, %mul3A_120 : vector<64x512xf32>
    %slice3A_122 = vector.extract_strided_slice %mul3A_31 {offsets = [6, 0], sizes = [1, 512], strides = [1, 1]} : vector<32x512xf32> to vector<1x512xf32>
    %mul3A_123 = vector.broadcast %slice3A_122 : vector<1x512xf32> to vector<64x512xf32>
    %mul3A_124 = arith.mulf %mul3A_123, %convert_element_type3A_117 : vector<64x512xf32>
    %add3A_125 = arith.addf %add3A_112, %mul3A_124 : vector<64x512xf32>
    %slice3A_126 = vector.extract_strided_slice %get3A_1 {offsets = [7, 0], sizes = [1, 512], strides = [1, 1]} : vector<32x512xi32> to vector<1x512xi32>
    %eq3A_127 = vector.broadcast %slice3A_126 : vector<1x512xi32> to vector<64x512xi32>
    %eq3A_128 = arith.cmpi eq, %iota3A_32, %eq3A_127 : vector<64x512xi32>
    %convert_element_type3A_129 = arith.extui %eq3A_128 : vector<64x512xi1> to vector<64x512xi32>
    %convert_element_type3A_130 = arith.sitofp %convert_element_type3A_129 : vector<64x512xi32> to vector<64x512xf32>
    %slice3A_131 = vector.extract_strided_slice %mul3A_30 {offsets = [7, 0], sizes = [1, 512], strides = [1, 1]} : vector<32x512xf32> to vector<1x512xf32>
    %mul3A_132 = vector.broadcast %slice3A_131 : vector<1x512xf32> to vector<64x512xf32>
    %mul3A_133 = arith.mulf %mul3A_132, %convert_element_type3A_130 : vector<64x512xf32>
    %add3A_134 = arith.addf %add3A_121, %mul3A_133 : vector<64x512xf32>
    %slice3A_135 = vector.extract_strided_slice %mul3A_31 {offsets = [7, 0], sizes = [1, 512], strides = [1, 1]} : vector<32x512xf32> to vector<1x512xf32>
    %mul3A_136 = vector.broadcast %slice3A_135 : vector<1x512xf32> to vector<64x512xf32>
    %mul3A_137 = arith.mulf %mul3A_136, %convert_element_type3A_130 : vector<64x512xf32>
    %add3A_138 = arith.addf %add3A_125, %mul3A_137 : vector<64x512xf32>
    %slice3A_139 = vector.extract_strided_slice %get3A_1 {offsets = [8, 0], sizes = [1, 512], strides = [1, 1]} : vector<32x512xi32> to vector<1x512xi32>
    %eq3A_140 = vector.broadcast %slice3A_139 : vector<1x512xi32> to vector<64x512xi32>
    %eq3A_141 = arith.cmpi eq, %iota3A_32, %eq3A_140 : vector<64x512xi32>
    %convert_element_type3A_142 = arith.extui %eq3A_141 : vector<64x512xi1> to vector<64x512xi32>
    %convert_element_type3A_143 = arith.sitofp %convert_element_type3A_142 : vector<64x512xi32> to vector<64x512xf32>
    %slice3A_144 = vector.extract_strided_slice %mul3A_30 {offsets = [8, 0], sizes = [1, 512], strides = [1, 1]} : vector<32x512xf32> to vector<1x512xf32>
    %mul3A_145 = vector.broadcast %slice3A_144 : vector<1x512xf32> to vector<64x512xf32>
    %mul3A_146 = arith.mulf %mul3A_145, %convert_element_type3A_143 : vector<64x512xf32>
    %add3A_147 = arith.addf %add3A_134, %mul3A_146 : vector<64x512xf32>
    %slice3A_148 = vector.extract_strided_slice %mul3A_31 {offsets = [8, 0], sizes = [1, 512], strides = [1, 1]} : vector<32x512xf32> to vector<1x512xf32>
    %mul3A_149 = vector.broadcast %slice3A_148 : vector<1x512xf32> to vector<64x512xf32>
    %mul3A_150 = arith.mulf %mul3A_149, %convert_element_type3A_143 : vector<64x512xf32>
    %add3A_151 = arith.addf %add3A_138, %mul3A_150 : vector<64x512xf32>
    %slice3A_152 = vector.extract_strided_slice %get3A_1 {offsets = [9, 0], sizes = [1, 512], strides = [1, 1]} : vector<32x512xi32> to vector<1x512xi32>
    %eq3A_153 = vector.broadcast %slice3A_152 : vector<1x512xi32> to vector<64x512xi32>
    %eq3A_154 = arith.cmpi eq, %iota3A_32, %eq3A_153 : vector<64x512xi32>
    %convert_element_type3A_155 = arith.extui %eq3A_154 : vector<64x512xi1> to vector<64x512xi32>
    %convert_element_type3A_156 = arith.sitofp %convert_element_type3A_155 : vector<64x512xi32> to vector<64x512xf32>
    %slice3A_157 = vector.extract_strided_slice %mul3A_30 {offsets = [9, 0], sizes = [1, 512], strides = [1, 1]} : vector<32x512xf32> to vector<1x512xf32>
    %mul3A_158 = vector.broadcast %slice3A_157 : vector<1x512xf32> to vector<64x512xf32>
    %mul3A_159 = arith.mulf %mul3A_158, %convert_element_type3A_156 : vector<64x512xf32>
    %add3A_160 = arith.addf %add3A_147, %mul3A_159 : vector<64x512xf32>
    %slice3A_161 = vector.extract_strided_slice %mul3A_31 {offsets = [9, 0], sizes = [1, 512], strides = [1, 1]} : vector<32x512xf32> to vector<1x512xf32>
    %mul3A_162 = vector.broadcast %slice3A_161 : vector<1x512xf32> to vector<64x512xf32>
    %mul3A_163 = arith.mulf %mul3A_162, %convert_element_type3A_156 : vector<64x512xf32>
    %add3A_164 = arith.addf %add3A_151, %mul3A_163 : vector<64x512xf32>
    %slice3A_165 = vector.extract_strided_slice %get3A_1 {offsets = [10, 0], sizes = [1, 512], strides = [1, 1]} : vector<32x512xi32> to vector<1x512xi32>
    %eq3A_166 = vector.broadcast %slice3A_165 : vector<1x512xi32> to vector<64x512xi32>
    %eq3A_167 = arith.cmpi eq, %iota3A_32, %eq3A_166 : vector<64x512xi32>
    %convert_element_type3A_168 = arith.extui %eq3A_167 : vector<64x512xi1> to vector<64x512xi32>
    %convert_element_type3A_169 = arith.sitofp %convert_element_type3A_168 : vector<64x512xi32> to vector<64x512xf32>
    %slice3A_170 = vector.extract_strided_slice %mul3A_30 {offsets = [10, 0], sizes = [1, 512], strides = [1, 1]} : vector<32x512xf32> to vector<1x512xf32>
    %mul3A_171 = vector.broadcast %slice3A_170 : vector<1x512xf32> to vector<64x512xf32>
    %mul3A_172 = arith.mulf %mul3A_171, %convert_element_type3A_169 : vector<64x512xf32>
    %add3A_173 = arith.addf %add3A_160, %mul3A_172 : vector<64x512xf32>
    %slice3A_174 = vector.extract_strided_slice %mul3A_31 {offsets = [10, 0], sizes = [1, 512], strides = [1, 1]} : vector<32x512xf32> to vector<1x512xf32>
    %mul3A_175 = vector.broadcast %slice3A_174 : vector<1x512xf32> to vector<64x512xf32>
    %mul3A_176 = arith.mulf %mul3A_175, %convert_element_type3A_169 : vector<64x512xf32>
    %add3A_177 = arith.addf %add3A_164, %mul3A_176 : vector<64x512xf32>
    %slice3A_178 = vector.extract_strided_slice %get3A_1 {offsets = [11, 0], sizes = [1, 512], strides = [1, 1]} : vector<32x512xi32> to vector<1x512xi32>
    %eq3A_179 = vector.broadcast %slice3A_178 : vector<1x512xi32> to vector<64x512xi32>
    %eq3A_180 = arith.cmpi eq, %iota3A_32, %eq3A_179 : vector<64x512xi32>
    %convert_element_type3A_181 = arith.extui %eq3A_180 : vector<64x512xi1> to vector<64x512xi32>
    %convert_element_type3A_182 = arith.sitofp %convert_element_type3A_181 : vector<64x512xi32> to vector<64x512xf32>
    %slice3A_183 = vector.extract_strided_slice %mul3A_30 {offsets = [11, 0], sizes = [1, 512], strides = [1, 1]} : vector<32x512xf32> to vector<1x512xf32>
    %mul3A_184 = vector.broadcast %slice3A_183 : vector<1x512xf32> to vector<64x512xf32>
    %mul3A_185 = arith.mulf %mul3A_184, %convert_element_type3A_182 : vector<64x512xf32>
    %add3A_186 = arith.addf %add3A_173, %mul3A_185 : vector<64x512xf32>
    %slice3A_187 = vector.extract_strided_slice %mul3A_31 {offsets = [11, 0], sizes = [1, 512], strides = [1, 1]} : vector<32x512xf32> to vector<1x512xf32>
    %mul3A_188 = vector.broadcast %slice3A_187 : vector<1x512xf32> to vector<64x512xf32>
    %mul3A_189 = arith.mulf %mul3A_188, %convert_element_type3A_182 : vector<64x512xf32>
    %add3A_190 = arith.addf %add3A_177, %mul3A_189 : vector<64x512xf32>
    %slice3A_191 = vector.extract_strided_slice %get3A_1 {offsets = [12, 0], sizes = [1, 512], strides = [1, 1]} : vector<32x512xi32> to vector<1x512xi32>
    %eq3A_192 = vector.broadcast %slice3A_191 : vector<1x512xi32> to vector<64x512xi32>
    %eq3A_193 = arith.cmpi eq, %iota3A_32, %eq3A_192 : vector<64x512xi32>
    %convert_element_type3A_194 = arith.extui %eq3A_193 : vector<64x512xi1> to vector<64x512xi32>
    %convert_element_type3A_195 = arith.sitofp %convert_element_type3A_194 : vector<64x512xi32> to vector<64x512xf32>
    %slice3A_196 = vector.extract_strided_slice %mul3A_30 {offsets = [12, 0], sizes = [1, 512], strides = [1, 1]} : vector<32x512xf32> to vector<1x512xf32>
    %mul3A_197 = vector.broadcast %slice3A_196 : vector<1x512xf32> to vector<64x512xf32>
    %mul3A_198 = arith.mulf %mul3A_197, %convert_element_type3A_195 : vector<64x512xf32>
    %add3A_199 = arith.addf %add3A_186, %mul3A_198 : vector<64x512xf32>
    %slice3A_200 = vector.extract_strided_slice %mul3A_31 {offsets = [12, 0], sizes = [1, 512], strides = [1, 1]} : vector<32x512xf32> to vector<1x512xf32>
    %mul3A_201 = vector.broadcast %slice3A_200 : vector<1x512xf32> to vector<64x512xf32>
    %mul3A_202 = arith.mulf %mul3A_201, %convert_element_type3A_195 : vector<64x512xf32>
    %add3A_203 = arith.addf %add3A_190, %mul3A_202 : vector<64x512xf32>
    %slice3A_204 = vector.extract_strided_slice %get3A_1 {offsets = [13, 0], sizes = [1, 512], strides = [1, 1]} : vector<32x512xi32> to vector<1x512xi32>
    %eq3A_205 = vector.broadcast %slice3A_204 : vector<1x512xi32> to vector<64x512xi32>
    %eq3A_206 = arith.cmpi eq, %iota3A_32, %eq3A_205 : vector<64x512xi32>
    %convert_element_type3A_207 = arith.extui %eq3A_206 : vector<64x512xi1> to vector<64x512xi32>
    %convert_element_type3A_208 = arith.sitofp %convert_element_type3A_207 : vector<64x512xi32> to vector<64x512xf32>
    %slice3A_209 = vector.extract_strided_slice %mul3A_30 {offsets = [13, 0], sizes = [1, 512], strides = [1, 1]} : vector<32x512xf32> to vector<1x512xf32>
    %mul3A_210 = vector.broadcast %slice3A_209 : vector<1x512xf32> to vector<64x512xf32>
    %mul3A_211 = arith.mulf %mul3A_210, %convert_element_type3A_208 : vector<64x512xf32>
    %add3A_212 = arith.addf %add3A_199, %mul3A_211 : vector<64x512xf32>
    %slice3A_213 = vector.extract_strided_slice %mul3A_31 {offsets = [13, 0], sizes = [1, 512], strides = [1, 1]} : vector<32x512xf32> to vector<1x512xf32>
    %mul3A_214 = vector.broadcast %slice3A_213 : vector<1x512xf32> to vector<64x512xf32>
    %mul3A_215 = arith.mulf %mul3A_214, %convert_element_type3A_208 : vector<64x512xf32>
    %add3A_216 = arith.addf %add3A_203, %mul3A_215 : vector<64x512xf32>
    %slice3A_217 = vector.extract_strided_slice %get3A_1 {offsets = [14, 0], sizes = [1, 512], strides = [1, 1]} : vector<32x512xi32> to vector<1x512xi32>
    %eq3A_218 = vector.broadcast %slice3A_217 : vector<1x512xi32> to vector<64x512xi32>
    %eq3A_219 = arith.cmpi eq, %iota3A_32, %eq3A_218 : vector<64x512xi32>
    %convert_element_type3A_220 = arith.extui %eq3A_219 : vector<64x512xi1> to vector<64x512xi32>
    %convert_element_type3A_221 = arith.sitofp %convert_element_type3A_220 : vector<64x512xi32> to vector<64x512xf32>
    %slice3A_222 = vector.extract_strided_slice %mul3A_30 {offsets = [14, 0], sizes = [1, 512], strides = [1, 1]} : vector<32x512xf32> to vector<1x512xf32>
    %mul3A_223 = vector.broadcast %slice3A_222 : vector<1x512xf32> to vector<64x512xf32>
    %mul3A_224 = arith.mulf %mul3A_223, %convert_element_type3A_221 : vector<64x512xf32>
    %add3A_225 = arith.addf %add3A_212, %mul3A_224 : vector<64x512xf32>
    %slice3A_226 = vector.extract_strided_slice %mul3A_31 {offsets = [14, 0], sizes = [1, 512], strides = [1, 1]} : vector<32x512xf32> to vector<1x512xf32>
    %mul3A_227 = vector.broadcast %slice3A_226 : vector<1x512xf32> to vector<64x512xf32>
    %mul3A_228 = arith.mulf %mul3A_227, %convert_element_type3A_221 : vector<64x512xf32>
    %add3A_229 = arith.addf %add3A_216, %mul3A_228 : vector<64x512xf32>
    %slice3A_230 = vector.extract_strided_slice %get3A_1 {offsets = [15, 0], sizes = [1, 512], strides = [1, 1]} : vector<32x512xi32> to vector<1x512xi32>
    %eq3A_231 = vector.broadcast %slice3A_230 : vector<1x512xi32> to vector<64x512xi32>
    %eq3A_232 = arith.cmpi eq, %iota3A_32, %eq3A_231 : vector<64x512xi32>
    %convert_element_type3A_233 = arith.extui %eq3A_232 : vector<64x512xi1> to vector<64x512xi32>
    %convert_element_type3A_234 = arith.sitofp %convert_element_type3A_233 : vector<64x512xi32> to vector<64x512xf32>
    %slice3A_235 = vector.extract_strided_slice %mul3A_30 {offsets = [15, 0], sizes = [1, 512], strides = [1, 1]} : vector<32x512xf32> to vector<1x512xf32>
    %mul3A_236 = vector.broadcast %slice3A_235 : vector<1x512xf32> to vector<64x512xf32>
    %mul3A_237 = arith.mulf %mul3A_236, %convert_element_type3A_234 : vector<64x512xf32>
    %add3A_238 = arith.addf %add3A_225, %mul3A_237 : vector<64x512xf32>
    %slice3A_239 = vector.extract_strided_slice %mul3A_31 {offsets = [15, 0], sizes = [1, 512], strides = [1, 1]} : vector<32x512xf32> to vector<1x512xf32>
    %mul3A_240 = vector.broadcast %slice3A_239 : vector<1x512xf32> to vector<64x512xf32>
    %mul3A_241 = arith.mulf %mul3A_240, %convert_element_type3A_234 : vector<64x512xf32>
    %add3A_242 = arith.addf %add3A_229, %mul3A_241 : vector<64x512xf32>
    %slice3A_243 = vector.extract_strided_slice %get3A_1 {offsets = [16, 0], sizes = [1, 512], strides = [1, 1]} : vector<32x512xi32> to vector<1x512xi32>
    %eq3A_244 = vector.broadcast %slice3A_243 : vector<1x512xi32> to vector<64x512xi32>
    %eq3A_245 = arith.cmpi eq, %iota3A_32, %eq3A_244 : vector<64x512xi32>
    %convert_element_type3A_246 = arith.extui %eq3A_245 : vector<64x512xi1> to vector<64x512xi32>
    %convert_element_type3A_247 = arith.sitofp %convert_element_type3A_246 : vector<64x512xi32> to vector<64x512xf32>
    %slice3A_248 = vector.extract_strided_slice %mul3A_30 {offsets = [16, 0], sizes = [1, 512], strides = [1, 1]} : vector<32x512xf32> to vector<1x512xf32>
    %mul3A_249 = vector.broadcast %slice3A_248 : vector<1x512xf32> to vector<64x512xf32>
    %mul3A_250 = arith.mulf %mul3A_249, %convert_element_type3A_247 : vector<64x512xf32>
    %add3A_251 = arith.addf %add3A_238, %mul3A_250 : vector<64x512xf32>
    %slice3A_252 = vector.extract_strided_slice %mul3A_31 {offsets = [16, 0], sizes = [1, 512], strides = [1, 1]} : vector<32x512xf32> to vector<1x512xf32>
    %mul3A_253 = vector.broadcast %slice3A_252 : vector<1x512xf32> to vector<64x512xf32>
    %mul3A_254 = arith.mulf %mul3A_253, %convert_element_type3A_247 : vector<64x512xf32>
    %add3A_255 = arith.addf %add3A_242, %mul3A_254 : vector<64x512xf32>
    %slice3A_256 = vector.extract_strided_slice %get3A_1 {offsets = [17, 0], sizes = [1, 512], strides = [1, 1]} : vector<32x512xi32> to vector<1x512xi32>
    %eq3A_257 = vector.broadcast %slice3A_256 : vector<1x512xi32> to vector<64x512xi32>
    %eq3A_258 = arith.cmpi eq, %iota3A_32, %eq3A_257 : vector<64x512xi32>
    %convert_element_type3A_259 = arith.extui %eq3A_258 : vector<64x512xi1> to vector<64x512xi32>
    %convert_element_type3A_260 = arith.sitofp %convert_element_type3A_259 : vector<64x512xi32> to vector<64x512xf32>
    %slice3A_261 = vector.extract_strided_slice %mul3A_30 {offsets = [17, 0], sizes = [1, 512], strides = [1, 1]} : vector<32x512xf32> to vector<1x512xf32>
    %mul3A_262 = vector.broadcast %slice3A_261 : vector<1x512xf32> to vector<64x512xf32>
    %mul3A_263 = arith.mulf %mul3A_262, %convert_element_type3A_260 : vector<64x512xf32>
    %add3A_264 = arith.addf %add3A_251, %mul3A_263 : vector<64x512xf32>
    %slice3A_265 = vector.extract_strided_slice %mul3A_31 {offsets = [17, 0], sizes = [1, 512], strides = [1, 1]} : vector<32x512xf32> to vector<1x512xf32>
    %mul3A_266 = vector.broadcast %slice3A_265 : vector<1x512xf32> to vector<64x512xf32>
    %mul3A_267 = arith.mulf %mul3A_266, %convert_element_type3A_260 : vector<64x512xf32>
    %add3A_268 = arith.addf %add3A_255, %mul3A_267 : vector<64x512xf32>
    %slice3A_269 = vector.extract_strided_slice %get3A_1 {offsets = [18, 0], sizes = [1, 512], strides = [1, 1]} : vector<32x512xi32> to vector<1x512xi32>
    %eq3A_270 = vector.broadcast %slice3A_269 : vector<1x512xi32> to vector<64x512xi32>
    %eq3A_271 = arith.cmpi eq, %iota3A_32, %eq3A_270 : vector<64x512xi32>
    %convert_element_type3A_272 = arith.extui %eq3A_271 : vector<64x512xi1> to vector<64x512xi32>
    %convert_element_type3A_273 = arith.sitofp %convert_element_type3A_272 : vector<64x512xi32> to vector<64x512xf32>
    %slice3A_274 = vector.extract_strided_slice %mul3A_30 {offsets = [18, 0], sizes = [1, 512], strides = [1, 1]} : vector<32x512xf32> to vector<1x512xf32>
    %mul3A_275 = vector.broadcast %slice3A_274 : vector<1x512xf32> to vector<64x512xf32>
    %mul3A_276 = arith.mulf %mul3A_275, %convert_element_type3A_273 : vector<64x512xf32>
    %add3A_277 = arith.addf %add3A_264, %mul3A_276 : vector<64x512xf32>
    %slice3A_278 = vector.extract_strided_slice %mul3A_31 {offsets = [18, 0], sizes = [1, 512], strides = [1, 1]} : vector<32x512xf32> to vector<1x512xf32>
    %mul3A_279 = vector.broadcast %slice3A_278 : vector<1x512xf32> to vector<64x512xf32>
    %mul3A_280 = arith.mulf %mul3A_279, %convert_element_type3A_273 : vector<64x512xf32>
    %add3A_281 = arith.addf %add3A_268, %mul3A_280 : vector<64x512xf32>
    %slice3A_282 = vector.extract_strided_slice %get3A_1 {offsets = [19, 0], sizes = [1, 512], strides = [1, 1]} : vector<32x512xi32> to vector<1x512xi32>
    %eq3A_283 = vector.broadcast %slice3A_282 : vector<1x512xi32> to vector<64x512xi32>
    %eq3A_284 = arith.cmpi eq, %iota3A_32, %eq3A_283 : vector<64x512xi32>
    %convert_element_type3A_285 = arith.extui %eq3A_284 : vector<64x512xi1> to vector<64x512xi32>
    %convert_element_type3A_286 = arith.sitofp %convert_element_type3A_285 : vector<64x512xi32> to vector<64x512xf32>
    %slice3A_287 = vector.extract_strided_slice %mul3A_30 {offsets = [19, 0], sizes = [1, 512], strides = [1, 1]} : vector<32x512xf32> to vector<1x512xf32>
    %mul3A_288 = vector.broadcast %slice3A_287 : vector<1x512xf32> to vector<64x512xf32>
    %mul3A_289 = arith.mulf %mul3A_288, %convert_element_type3A_286 : vector<64x512xf32>
    %add3A_290 = arith.addf %add3A_277, %mul3A_289 : vector<64x512xf32>
    %slice3A_291 = vector.extract_strided_slice %mul3A_31 {offsets = [19, 0], sizes = [1, 512], strides = [1, 1]} : vector<32x512xf32> to vector<1x512xf32>
    %mul3A_292 = vector.broadcast %slice3A_291 : vector<1x512xf32> to vector<64x512xf32>
    %mul3A_293 = arith.mulf %mul3A_292, %convert_element_type3A_286 : vector<64x512xf32>
    %add3A_294 = arith.addf %add3A_281, %mul3A_293 : vector<64x512xf32>
    %slice3A_295 = vector.extract_strided_slice %get3A_1 {offsets = [20, 0], sizes = [1, 512], strides = [1, 1]} : vector<32x512xi32> to vector<1x512xi32>
    %eq3A_296 = vector.broadcast %slice3A_295 : vector<1x512xi32> to vector<64x512xi32>
    %eq3A_297 = arith.cmpi eq, %iota3A_32, %eq3A_296 : vector<64x512xi32>
    %convert_element_type3A_298 = arith.extui %eq3A_297 : vector<64x512xi1> to vector<64x512xi32>
    %convert_element_type3A_299 = arith.sitofp %convert_element_type3A_298 : vector<64x512xi32> to vector<64x512xf32>
    %slice3A_300 = vector.extract_strided_slice %mul3A_30 {offsets = [20, 0], sizes = [1, 512], strides = [1, 1]} : vector<32x512xf32> to vector<1x512xf32>
    %mul3A_301 = vector.broadcast %slice3A_300 : vector<1x512xf32> to vector<64x512xf32>
    %mul3A_302 = arith.mulf %mul3A_301, %convert_element_type3A_299 : vector<64x512xf32>
    %add3A_303 = arith.addf %add3A_290, %mul3A_302 : vector<64x512xf32>
    %slice3A_304 = vector.extract_strided_slice %mul3A_31 {offsets = [20, 0], sizes = [1, 512], strides = [1, 1]} : vector<32x512xf32> to vector<1x512xf32>
    %mul3A_305 = vector.broadcast %slice3A_304 : vector<1x512xf32> to vector<64x512xf32>
    %mul3A_306 = arith.mulf %mul3A_305, %convert_element_type3A_299 : vector<64x512xf32>
    %add3A_307 = arith.addf %add3A_294, %mul3A_306 : vector<64x512xf32>
    %slice3A_308 = vector.extract_strided_slice %get3A_1 {offsets = [21, 0], sizes = [1, 512], strides = [1, 1]} : vector<32x512xi32> to vector<1x512xi32>
    %eq3A_309 = vector.broadcast %slice3A_308 : vector<1x512xi32> to vector<64x512xi32>
    %eq3A_310 = arith.cmpi eq, %iota3A_32, %eq3A_309 : vector<64x512xi32>
    %convert_element_type3A_311 = arith.extui %eq3A_310 : vector<64x512xi1> to vector<64x512xi32>
    %convert_element_type3A_312 = arith.sitofp %convert_element_type3A_311 : vector<64x512xi32> to vector<64x512xf32>
    %slice3A_313 = vector.extract_strided_slice %mul3A_30 {offsets = [21, 0], sizes = [1, 512], strides = [1, 1]} : vector<32x512xf32> to vector<1x512xf32>
    %mul3A_314 = vector.broadcast %slice3A_313 : vector<1x512xf32> to vector<64x512xf32>
    %mul3A_315 = arith.mulf %mul3A_314, %convert_element_type3A_312 : vector<64x512xf32>
    %add3A_316 = arith.addf %add3A_303, %mul3A_315 : vector<64x512xf32>
    %slice3A_317 = vector.extract_strided_slice %mul3A_31 {offsets = [21, 0], sizes = [1, 512], strides = [1, 1]} : vector<32x512xf32> to vector<1x512xf32>
    %mul3A_318 = vector.broadcast %slice3A_317 : vector<1x512xf32> to vector<64x512xf32>
    %mul3A_319 = arith.mulf %mul3A_318, %convert_element_type3A_312 : vector<64x512xf32>
    %add3A_320 = arith.addf %add3A_307, %mul3A_319 : vector<64x512xf32>
    %slice3A_321 = vector.extract_strided_slice %get3A_1 {offsets = [22, 0], sizes = [1, 512], strides = [1, 1]} : vector<32x512xi32> to vector<1x512xi32>
    %eq3A_322 = vector.broadcast %slice3A_321 : vector<1x512xi32> to vector<64x512xi32>
    %eq3A_323 = arith.cmpi eq, %iota3A_32, %eq3A_322 : vector<64x512xi32>
    %convert_element_type3A_324 = arith.extui %eq3A_323 : vector<64x512xi1> to vector<64x512xi32>
    %convert_element_type3A_325 = arith.sitofp %convert_element_type3A_324 : vector<64x512xi32> to vector<64x512xf32>
    %slice3A_326 = vector.extract_strided_slice %mul3A_30 {offsets = [22, 0], sizes = [1, 512], strides = [1, 1]} : vector<32x512xf32> to vector<1x512xf32>
    %mul3A_327 = vector.broadcast %slice3A_326 : vector<1x512xf32> to vector<64x512xf32>
    %mul3A_328 = arith.mulf %mul3A_327, %convert_element_type3A_325 : vector<64x512xf32>
    %add3A_329 = arith.addf %add3A_316, %mul3A_328 : vector<64x512xf32>
    %slice3A_330 = vector.extract_strided_slice %mul3A_31 {offsets = [22, 0], sizes = [1, 512], strides = [1, 1]} : vector<32x512xf32> to vector<1x512xf32>
    %mul3A_331 = vector.broadcast %slice3A_330 : vector<1x512xf32> to vector<64x512xf32>
    %mul3A_332 = arith.mulf %mul3A_331, %convert_element_type3A_325 : vector<64x512xf32>
    %add3A_333 = arith.addf %add3A_320, %mul3A_332 : vector<64x512xf32>
    %slice3A_334 = vector.extract_strided_slice %get3A_1 {offsets = [23, 0], sizes = [1, 512], strides = [1, 1]} : vector<32x512xi32> to vector<1x512xi32>
    %eq3A_335 = vector.broadcast %slice3A_334 : vector<1x512xi32> to vector<64x512xi32>
    %eq3A_336 = arith.cmpi eq, %iota3A_32, %eq3A_335 : vector<64x512xi32>
    %convert_element_type3A_337 = arith.extui %eq3A_336 : vector<64x512xi1> to vector<64x512xi32>
    %convert_element_type3A_338 = arith.sitofp %convert_element_type3A_337 : vector<64x512xi32> to vector<64x512xf32>
    %slice3A_339 = vector.extract_strided_slice %mul3A_30 {offsets = [23, 0], sizes = [1, 512], strides = [1, 1]} : vector<32x512xf32> to vector<1x512xf32>
    %mul3A_340 = vector.broadcast %slice3A_339 : vector<1x512xf32> to vector<64x512xf32>
    %mul3A_341 = arith.mulf %mul3A_340, %convert_element_type3A_338 : vector<64x512xf32>
    %add3A_342 = arith.addf %add3A_329, %mul3A_341 : vector<64x512xf32>
    %slice3A_343 = vector.extract_strided_slice %mul3A_31 {offsets = [23, 0], sizes = [1, 512], strides = [1, 1]} : vector<32x512xf32> to vector<1x512xf32>
    %mul3A_344 = vector.broadcast %slice3A_343 : vector<1x512xf32> to vector<64x512xf32>
    %mul3A_345 = arith.mulf %mul3A_344, %convert_element_type3A_338 : vector<64x512xf32>
    %add3A_346 = arith.addf %add3A_333, %mul3A_345 : vector<64x512xf32>
    %slice3A_347 = vector.extract_strided_slice %get3A_1 {offsets = [24, 0], sizes = [1, 512], strides = [1, 1]} : vector<32x512xi32> to vector<1x512xi32>
    %eq3A_348 = vector.broadcast %slice3A_347 : vector<1x512xi32> to vector<64x512xi32>
    %eq3A_349 = arith.cmpi eq, %iota3A_32, %eq3A_348 : vector<64x512xi32>
    %convert_element_type3A_350 = arith.extui %eq3A_349 : vector<64x512xi1> to vector<64x512xi32>
    %convert_element_type3A_351 = arith.sitofp %convert_element_type3A_350 : vector<64x512xi32> to vector<64x512xf32>
    %slice3A_352 = vector.extract_strided_slice %mul3A_30 {offsets = [24, 0], sizes = [1, 512], strides = [1, 1]} : vector<32x512xf32> to vector<1x512xf32>
    %mul3A_353 = vector.broadcast %slice3A_352 : vector<1x512xf32> to vector<64x512xf32>
    %mul3A_354 = arith.mulf %mul3A_353, %convert_element_type3A_351 : vector<64x512xf32>
    %add3A_355 = arith.addf %add3A_342, %mul3A_354 : vector<64x512xf32>
    %slice3A_356 = vector.extract_strided_slice %mul3A_31 {offsets = [24, 0], sizes = [1, 512], strides = [1, 1]} : vector<32x512xf32> to vector<1x512xf32>
    %mul3A_357 = vector.broadcast %slice3A_356 : vector<1x512xf32> to vector<64x512xf32>
    %mul3A_358 = arith.mulf %mul3A_357, %convert_element_type3A_351 : vector<64x512xf32>
    %add3A_359 = arith.addf %add3A_346, %mul3A_358 : vector<64x512xf32>
    %slice3A_360 = vector.extract_strided_slice %get3A_1 {offsets = [25, 0], sizes = [1, 512], strides = [1, 1]} : vector<32x512xi32> to vector<1x512xi32>
    %eq3A_361 = vector.broadcast %slice3A_360 : vector<1x512xi32> to vector<64x512xi32>
    %eq3A_362 = arith.cmpi eq, %iota3A_32, %eq3A_361 : vector<64x512xi32>
    %convert_element_type3A_363 = arith.extui %eq3A_362 : vector<64x512xi1> to vector<64x512xi32>
    %convert_element_type3A_364 = arith.sitofp %convert_element_type3A_363 : vector<64x512xi32> to vector<64x512xf32>
    %slice3A_365 = vector.extract_strided_slice %mul3A_30 {offsets = [25, 0], sizes = [1, 512], strides = [1, 1]} : vector<32x512xf32> to vector<1x512xf32>
    %mul3A_366 = vector.broadcast %slice3A_365 : vector<1x512xf32> to vector<64x512xf32>
    %mul3A_367 = arith.mulf %mul3A_366, %convert_element_type3A_364 : vector<64x512xf32>
    %add3A_368 = arith.addf %add3A_355, %mul3A_367 : vector<64x512xf32>
    %slice3A_369 = vector.extract_strided_slice %mul3A_31 {offsets = [25, 0], sizes = [1, 512], strides = [1, 1]} : vector<32x512xf32> to vector<1x512xf32>
    %mul3A_370 = vector.broadcast %slice3A_369 : vector<1x512xf32> to vector<64x512xf32>
    %mul3A_371 = arith.mulf %mul3A_370, %convert_element_type3A_364 : vector<64x512xf32>
    %add3A_372 = arith.addf %add3A_359, %mul3A_371 : vector<64x512xf32>
    %slice3A_373 = vector.extract_strided_slice %get3A_1 {offsets = [26, 0], sizes = [1, 512], strides = [1, 1]} : vector<32x512xi32> to vector<1x512xi32>
    %eq3A_374 = vector.broadcast %slice3A_373 : vector<1x512xi32> to vector<64x512xi32>
    %eq3A_375 = arith.cmpi eq, %iota3A_32, %eq3A_374 : vector<64x512xi32>
    %convert_element_type3A_376 = arith.extui %eq3A_375 : vector<64x512xi1> to vector<64x512xi32>
    %convert_element_type3A_377 = arith.sitofp %convert_element_type3A_376 : vector<64x512xi32> to vector<64x512xf32>
    %slice3A_378 = vector.extract_strided_slice %mul3A_30 {offsets = [26, 0], sizes = [1, 512], strides = [1, 1]} : vector<32x512xf32> to vector<1x512xf32>
    %mul3A_379 = vector.broadcast %slice3A_378 : vector<1x512xf32> to vector<64x512xf32>
    %mul3A_380 = arith.mulf %mul3A_379, %convert_element_type3A_377 : vector<64x512xf32>
    %add3A_381 = arith.addf %add3A_368, %mul3A_380 : vector<64x512xf32>
    %slice3A_382 = vector.extract_strided_slice %mul3A_31 {offsets = [26, 0], sizes = [1, 512], strides = [1, 1]} : vector<32x512xf32> to vector<1x512xf32>
    %mul3A_383 = vector.broadcast %slice3A_382 : vector<1x512xf32> to vector<64x512xf32>
    %mul3A_384 = arith.mulf %mul3A_383, %convert_element_type3A_377 : vector<64x512xf32>
    %add3A_385 = arith.addf %add3A_372, %mul3A_384 : vector<64x512xf32>
    %slice3A_386 = vector.extract_strided_slice %get3A_1 {offsets = [27, 0], sizes = [1, 512], strides = [1, 1]} : vector<32x512xi32> to vector<1x512xi32>
    %eq3A_387 = vector.broadcast %slice3A_386 : vector<1x512xi32> to vector<64x512xi32>
    %eq3A_388 = arith.cmpi eq, %iota3A_32, %eq3A_387 : vector<64x512xi32>
    %convert_element_type3A_389 = arith.extui %eq3A_388 : vector<64x512xi1> to vector<64x512xi32>
    %convert_element_type3A_390 = arith.sitofp %convert_element_type3A_389 : vector<64x512xi32> to vector<64x512xf32>
    %slice3A_391 = vector.extract_strided_slice %mul3A_30 {offsets = [27, 0], sizes = [1, 512], strides = [1, 1]} : vector<32x512xf32> to vector<1x512xf32>
    %mul3A_392 = vector.broadcast %slice3A_391 : vector<1x512xf32> to vector<64x512xf32>
    %mul3A_393 = arith.mulf %mul3A_392, %convert_element_type3A_390 : vector<64x512xf32>
    %add3A_394 = arith.addf %add3A_381, %mul3A_393 : vector<64x512xf32>
    %slice3A_395 = vector.extract_strided_slice %mul3A_31 {offsets = [27, 0], sizes = [1, 512], strides = [1, 1]} : vector<32x512xf32> to vector<1x512xf32>
    %mul3A_396 = vector.broadcast %slice3A_395 : vector<1x512xf32> to vector<64x512xf32>
    %mul3A_397 = arith.mulf %mul3A_396, %convert_element_type3A_390 : vector<64x512xf32>
    %add3A_398 = arith.addf %add3A_385, %mul3A_397 : vector<64x512xf32>
    %slice3A_399 = vector.extract_strided_slice %get3A_1 {offsets = [28, 0], sizes = [1, 512], strides = [1, 1]} : vector<32x512xi32> to vector<1x512xi32>
    %eq3A_400 = vector.broadcast %slice3A_399 : vector<1x512xi32> to vector<64x512xi32>
    %eq3A_401 = arith.cmpi eq, %iota3A_32, %eq3A_400 : vector<64x512xi32>
    %convert_element_type3A_402 = arith.extui %eq3A_401 : vector<64x512xi1> to vector<64x512xi32>
    %convert_element_type3A_403 = arith.sitofp %convert_element_type3A_402 : vector<64x512xi32> to vector<64x512xf32>
    %slice3A_404 = vector.extract_strided_slice %mul3A_30 {offsets = [28, 0], sizes = [1, 512], strides = [1, 1]} : vector<32x512xf32> to vector<1x512xf32>
    %mul3A_405 = vector.broadcast %slice3A_404 : vector<1x512xf32> to vector<64x512xf32>
    %mul3A_406 = arith.mulf %mul3A_405, %convert_element_type3A_403 : vector<64x512xf32>
    %add3A_407 = arith.addf %add3A_394, %mul3A_406 : vector<64x512xf32>
    %slice3A_408 = vector.extract_strided_slice %mul3A_31 {offsets = [28, 0], sizes = [1, 512], strides = [1, 1]} : vector<32x512xf32> to vector<1x512xf32>
    %mul3A_409 = vector.broadcast %slice3A_408 : vector<1x512xf32> to vector<64x512xf32>
    %mul3A_410 = arith.mulf %mul3A_409, %convert_element_type3A_403 : vector<64x512xf32>
    %add3A_411 = arith.addf %add3A_398, %mul3A_410 : vector<64x512xf32>
    %slice3A_412 = vector.extract_strided_slice %get3A_1 {offsets = [29, 0], sizes = [1, 512], strides = [1, 1]} : vector<32x512xi32> to vector<1x512xi32>
    %eq3A_413 = vector.broadcast %slice3A_412 : vector<1x512xi32> to vector<64x512xi32>
    %eq3A_414 = arith.cmpi eq, %iota3A_32, %eq3A_413 : vector<64x512xi32>
    %convert_element_type3A_415 = arith.extui %eq3A_414 : vector<64x512xi1> to vector<64x512xi32>
    %convert_element_type3A_416 = arith.sitofp %convert_element_type3A_415 : vector<64x512xi32> to vector<64x512xf32>
    %slice3A_417 = vector.extract_strided_slice %mul3A_30 {offsets = [29, 0], sizes = [1, 512], strides = [1, 1]} : vector<32x512xf32> to vector<1x512xf32>
    %mul3A_418 = vector.broadcast %slice3A_417 : vector<1x512xf32> to vector<64x512xf32>
    %mul3A_419 = arith.mulf %mul3A_418, %convert_element_type3A_416 : vector<64x512xf32>
    %add3A_420 = arith.addf %add3A_407, %mul3A_419 : vector<64x512xf32>
    %slice3A_421 = vector.extract_strided_slice %mul3A_31 {offsets = [29, 0], sizes = [1, 512], strides = [1, 1]} : vector<32x512xf32> to vector<1x512xf32>
    %mul3A_422 = vector.broadcast %slice3A_421 : vector<1x512xf32> to vector<64x512xf32>
    %mul3A_423 = arith.mulf %mul3A_422, %convert_element_type3A_416 : vector<64x512xf32>
    %add3A_424 = arith.addf %add3A_411, %mul3A_423 : vector<64x512xf32>
    %slice3A_425 = vector.extract_strided_slice %get3A_1 {offsets = [30, 0], sizes = [1, 512], strides = [1, 1]} : vector<32x512xi32> to vector<1x512xi32>
    %eq3A_426 = vector.broadcast %slice3A_425 : vector<1x512xi32> to vector<64x512xi32>
    %eq3A_427 = arith.cmpi eq, %iota3A_32, %eq3A_426 : vector<64x512xi32>
    %convert_element_type3A_428 = arith.extui %eq3A_427 : vector<64x512xi1> to vector<64x512xi32>
    %convert_element_type3A_429 = arith.sitofp %convert_element_type3A_428 : vector<64x512xi32> to vector<64x512xf32>
    %slice3A_430 = vector.extract_strided_slice %mul3A_30 {offsets = [30, 0], sizes = [1, 512], strides = [1, 1]} : vector<32x512xf32> to vector<1x512xf32>
    %mul3A_431 = vector.broadcast %slice3A_430 : vector<1x512xf32> to vector<64x512xf32>
    %mul3A_432 = arith.mulf %mul3A_431, %convert_element_type3A_429 : vector<64x512xf32>
    %add3A_433 = arith.addf %add3A_420, %mul3A_432 : vector<64x512xf32>
    %slice3A_434 = vector.extract_strided_slice %mul3A_31 {offsets = [30, 0], sizes = [1, 512], strides = [1, 1]} : vector<32x512xf32> to vector<1x512xf32>
    %mul3A_435 = vector.broadcast %slice3A_434 : vector<1x512xf32> to vector<64x512xf32>
    %mul3A_436 = arith.mulf %mul3A_435, %convert_element_type3A_429 : vector<64x512xf32>
    %add3A_437 = arith.addf %add3A_424, %mul3A_436 : vector<64x512xf32>
    %slice3A_438 = vector.extract_strided_slice %get3A_1 {offsets = [31, 0], sizes = [1, 512], strides = [1, 1]} : vector<32x512xi32> to vector<1x512xi32>
    %eq3A_439 = vector.broadcast %slice3A_438 : vector<1x512xi32> to vector<64x512xi32>
    %eq3A_440 = arith.cmpi eq, %iota3A_32, %eq3A_439 : vector<64x512xi32>
    %convert_element_type3A_441 = arith.extui %eq3A_440 : vector<64x512xi1> to vector<64x512xi32>
    %convert_element_type3A_442 = arith.sitofp %convert_element_type3A_441 : vector<64x512xi32> to vector<64x512xf32>
    %slice3A_443 = vector.extract_strided_slice %mul3A_30 {offsets = [31, 0], sizes = [1, 512], strides = [1, 1]} : vector<32x512xf32> to vector<1x512xf32>
    %mul3A_444 = vector.broadcast %slice3A_443 : vector<1x512xf32> to vector<64x512xf32>
    %mul3A_445 = arith.mulf %mul3A_444, %convert_element_type3A_442 : vector<64x512xf32>
    %add3A_446 = arith.addf %add3A_433, %mul3A_445 : vector<64x512xf32>
    %slice3A_447 = vector.extract_strided_slice %mul3A_31 {offsets = [31, 0], sizes = [1, 512], strides = [1, 1]} : vector<32x512xf32> to vector<1x512xf32>
    %mul3A_448 = vector.broadcast %slice3A_447 : vector<1x512xf32> to vector<64x512xf32>
    %mul3A_449 = arith.mulf %mul3A_448, %convert_element_type3A_442 : vector<64x512xf32>
    %add3A_450 = arith.addf %add3A_437, %mul3A_449 : vector<64x512xf32>
    %get3A_451 = arith.constant 0 : index
    %get3A_452 = arith.constant 0 : index
    %get3A_453 = arith.constant 0 : index
    %get3A_454 = vector.load %arg1[%get3A_451, %get3A_452, %get3A_453] : memref<8x64x128xf32, #tpu.memory_space<vmem>>, vector<8x64x128xf32>
    %slice3A_455 = vector.extract_strided_slice %get3A_454 {offsets = [0, 0, 0], sizes = [1, 64, 128], strides = [1, 1, 1]} : vector<8x64x128xf32> to vector<1x64x128xf32>
    %squeeze3A = vector.shape_cast %slice3A_455 : vector<1x64x128xf32> to vector<64x128xf32>
    %slice3A_456 = vector.extract_strided_slice %add3A_446 {offsets = [0, 0], sizes = [64, 64], strides = [1, 1]} : vector<64x512xf32> to vector<64x64xf32>
    %slice3A_457 = vector.extract_strided_slice %add3A_450 {offsets = [0, 0], sizes = [64, 64], strides = [1, 1]} : vector<64x512xf32> to vector<64x64xf32>
    %dot_general3A = arith.constant dense<0.000000e+00> : vector<64x128xf32>
    %dot_general3A_458 = tpu.matmul %slice3A_456, %squeeze3A, %dot_general3A {dimension_numbers = #tpu.dot_dimension_numbers<[0], [0], [1], [1], [0, 1, 1, 1], [], []>, transpose_lhs_hint = false} : vector<64x64xf32>, vector<64x128xf32>, vector<64x128xf32> -> vector<64x128xf32>
    %dot_general3A_459 = arith.constant dense<0.000000e+00> : vector<64x128xf32>
    %dot_general3A_460 = tpu.matmul %slice3A_457, %squeeze3A, %dot_general3A_459 {dimension_numbers = #tpu.dot_dimension_numbers<[0], [0], [1], [1], [0, 1, 1, 1], [], []>, transpose_lhs_hint = false} : vector<64x64xf32>, vector<64x128xf32>, vector<64x128xf32> -> vector<64x128xf32>
    %slice3A_461 = vector.extract_strided_slice %get3A_454 {offsets = [1, 0, 0], sizes = [1, 64, 128], strides = [1, 1, 1]} : vector<8x64x128xf32> to vector<1x64x128xf32>
    %squeeze3A_462 = vector.shape_cast %slice3A_461 : vector<1x64x128xf32> to vector<64x128xf32>
    %slice3A_463 = vector.extract_strided_slice %add3A_446 {offsets = [0, 64], sizes = [64, 64], strides = [1, 1]} : vector<64x512xf32> to vector<64x64xf32>
    %slice3A_464 = vector.extract_strided_slice %add3A_450 {offsets = [0, 64], sizes = [64, 64], strides = [1, 1]} : vector<64x512xf32> to vector<64x64xf32>
    %dot_general3A_465 = arith.constant dense<0.000000e+00> : vector<64x128xf32>
    %dot_general3A_466 = tpu.matmul %slice3A_463, %squeeze3A_462, %dot_general3A_465 {dimension_numbers = #tpu.dot_dimension_numbers<[0], [0], [1], [1], [0, 1, 1, 1], [], []>, transpose_lhs_hint = false} : vector<64x64xf32>, vector<64x128xf32>, vector<64x128xf32> -> vector<64x128xf32>
    %dot_general3A_467 = arith.constant dense<0.000000e+00> : vector<64x128xf32>
    %dot_general3A_468 = tpu.matmul %slice3A_464, %squeeze3A_462, %dot_general3A_467 {dimension_numbers = #tpu.dot_dimension_numbers<[0], [0], [1], [1], [0, 1, 1, 1], [], []>, transpose_lhs_hint = false} : vector<64x64xf32>, vector<64x128xf32>, vector<64x128xf32> -> vector<64x128xf32>
    %slice3A_469 = vector.extract_strided_slice %get3A_454 {offsets = [2, 0, 0], sizes = [1, 64, 128], strides = [1, 1, 1]} : vector<8x64x128xf32> to vector<1x64x128xf32>
    %squeeze3A_470 = vector.shape_cast %slice3A_469 : vector<1x64x128xf32> to vector<64x128xf32>
    %slice3A_471 = vector.extract_strided_slice %add3A_446 {offsets = [0, 128], sizes = [64, 64], strides = [1, 1]} : vector<64x512xf32> to vector<64x64xf32>
    %slice3A_472 = vector.extract_strided_slice %add3A_450 {offsets = [0, 128], sizes = [64, 64], strides = [1, 1]} : vector<64x512xf32> to vector<64x64xf32>
    %dot_general3A_473 = arith.constant dense<0.000000e+00> : vector<64x128xf32>
    %dot_general3A_474 = tpu.matmul %slice3A_471, %squeeze3A_470, %dot_general3A_473 {dimension_numbers = #tpu.dot_dimension_numbers<[0], [0], [1], [1], [0, 1, 1, 1], [], []>, transpose_lhs_hint = false} : vector<64x64xf32>, vector<64x128xf32>, vector<64x128xf32> -> vector<64x128xf32>
    %dot_general3A_475 = arith.constant dense<0.000000e+00> : vector<64x128xf32>
    %dot_general3A_476 = tpu.matmul %slice3A_472, %squeeze3A_470, %dot_general3A_475 {dimension_numbers = #tpu.dot_dimension_numbers<[0], [0], [1], [1], [0, 1, 1, 1], [], []>, transpose_lhs_hint = false} : vector<64x64xf32>, vector<64x128xf32>, vector<64x128xf32> -> vector<64x128xf32>
    %slice3A_477 = vector.extract_strided_slice %get3A_454 {offsets = [3, 0, 0], sizes = [1, 64, 128], strides = [1, 1, 1]} : vector<8x64x128xf32> to vector<1x64x128xf32>
    %squeeze3A_478 = vector.shape_cast %slice3A_477 : vector<1x64x128xf32> to vector<64x128xf32>
    %slice3A_479 = vector.extract_strided_slice %add3A_446 {offsets = [0, 192], sizes = [64, 64], strides = [1, 1]} : vector<64x512xf32> to vector<64x64xf32>
    %slice3A_480 = vector.extract_strided_slice %add3A_450 {offsets = [0, 192], sizes = [64, 64], strides = [1, 1]} : vector<64x512xf32> to vector<64x64xf32>
    %dot_general3A_481 = arith.constant dense<0.000000e+00> : vector<64x128xf32>
    %dot_general3A_482 = tpu.matmul %slice3A_479, %squeeze3A_478, %dot_general3A_481 {dimension_numbers = #tpu.dot_dimension_numbers<[0], [0], [1], [1], [0, 1, 1, 1], [], []>, transpose_lhs_hint = false} : vector<64x64xf32>, vector<64x128xf32>, vector<64x128xf32> -> vector<64x128xf32>
    %dot_general3A_483 = arith.constant dense<0.000000e+00> : vector<64x128xf32>
    %dot_general3A_484 = tpu.matmul %slice3A_480, %squeeze3A_478, %dot_general3A_483 {dimension_numbers = #tpu.dot_dimension_numbers<[0], [0], [1], [1], [0, 1, 1, 1], [], []>, transpose_lhs_hint = false} : vector<64x64xf32>, vector<64x128xf32>, vector<64x128xf32> -> vector<64x128xf32>
    %slice3A_485 = vector.extract_strided_slice %get3A_454 {offsets = [4, 0, 0], sizes = [1, 64, 128], strides = [1, 1, 1]} : vector<8x64x128xf32> to vector<1x64x128xf32>
    %squeeze3A_486 = vector.shape_cast %slice3A_485 : vector<1x64x128xf32> to vector<64x128xf32>
    %slice3A_487 = vector.extract_strided_slice %add3A_446 {offsets = [0, 256], sizes = [64, 64], strides = [1, 1]} : vector<64x512xf32> to vector<64x64xf32>
    %slice3A_488 = vector.extract_strided_slice %add3A_450 {offsets = [0, 256], sizes = [64, 64], strides = [1, 1]} : vector<64x512xf32> to vector<64x64xf32>
    %dot_general3A_489 = arith.constant dense<0.000000e+00> : vector<64x128xf32>
    %dot_general3A_490 = tpu.matmul %slice3A_487, %squeeze3A_486, %dot_general3A_489 {dimension_numbers = #tpu.dot_dimension_numbers<[0], [0], [1], [1], [0, 1, 1, 1], [], []>, transpose_lhs_hint = false} : vector<64x64xf32>, vector<64x128xf32>, vector<64x128xf32> -> vector<64x128xf32>
    %dot_general3A_491 = arith.constant dense<0.000000e+00> : vector<64x128xf32>
    %dot_general3A_492 = tpu.matmul %slice3A_488, %squeeze3A_486, %dot_general3A_491 {dimension_numbers = #tpu.dot_dimension_numbers<[0], [0], [1], [1], [0, 1, 1, 1], [], []>, transpose_lhs_hint = false} : vector<64x64xf32>, vector<64x128xf32>, vector<64x128xf32> -> vector<64x128xf32>
    %slice3A_493 = vector.extract_strided_slice %get3A_454 {offsets = [5, 0, 0], sizes = [1, 64, 128], strides = [1, 1, 1]} : vector<8x64x128xf32> to vector<1x64x128xf32>
    %squeeze3A_494 = vector.shape_cast %slice3A_493 : vector<1x64x128xf32> to vector<64x128xf32>
    %slice3A_495 = vector.extract_strided_slice %add3A_446 {offsets = [0, 320], sizes = [64, 64], strides = [1, 1]} : vector<64x512xf32> to vector<64x64xf32>
    %slice3A_496 = vector.extract_strided_slice %add3A_450 {offsets = [0, 320], sizes = [64, 64], strides = [1, 1]} : vector<64x512xf32> to vector<64x64xf32>
    %dot_general3A_497 = arith.constant dense<0.000000e+00> : vector<64x128xf32>
    %dot_general3A_498 = tpu.matmul %slice3A_495, %squeeze3A_494, %dot_general3A_497 {dimension_numbers = #tpu.dot_dimension_numbers<[0], [0], [1], [1], [0, 1, 1, 1], [], []>, transpose_lhs_hint = false} : vector<64x64xf32>, vector<64x128xf32>, vector<64x128xf32> -> vector<64x128xf32>
    %dot_general3A_499 = arith.constant dense<0.000000e+00> : vector<64x128xf32>
    %dot_general3A_500 = tpu.matmul %slice3A_496, %squeeze3A_494, %dot_general3A_499 {dimension_numbers = #tpu.dot_dimension_numbers<[0], [0], [1], [1], [0, 1, 1, 1], [], []>, transpose_lhs_hint = false} : vector<64x64xf32>, vector<64x128xf32>, vector<64x128xf32> -> vector<64x128xf32>
    %slice3A_501 = vector.extract_strided_slice %get3A_454 {offsets = [6, 0, 0], sizes = [1, 64, 128], strides = [1, 1, 1]} : vector<8x64x128xf32> to vector<1x64x128xf32>
    %squeeze3A_502 = vector.shape_cast %slice3A_501 : vector<1x64x128xf32> to vector<64x128xf32>
    %slice3A_503 = vector.extract_strided_slice %add3A_446 {offsets = [0, 384], sizes = [64, 64], strides = [1, 1]} : vector<64x512xf32> to vector<64x64xf32>
    %slice3A_504 = vector.extract_strided_slice %add3A_450 {offsets = [0, 384], sizes = [64, 64], strides = [1, 1]} : vector<64x512xf32> to vector<64x64xf32>
    %dot_general3A_505 = arith.constant dense<0.000000e+00> : vector<64x128xf32>
    %dot_general3A_506 = tpu.matmul %slice3A_503, %squeeze3A_502, %dot_general3A_505 {dimension_numbers = #tpu.dot_dimension_numbers<[0], [0], [1], [1], [0, 1, 1, 1], [], []>, transpose_lhs_hint = false} : vector<64x64xf32>, vector<64x128xf32>, vector<64x128xf32> -> vector<64x128xf32>
    %dot_general3A_507 = arith.constant dense<0.000000e+00> : vector<64x128xf32>
    %dot_general3A_508 = tpu.matmul %slice3A_504, %squeeze3A_502, %dot_general3A_507 {dimension_numbers = #tpu.dot_dimension_numbers<[0], [0], [1], [1], [0, 1, 1, 1], [], []>, transpose_lhs_hint = false} : vector<64x64xf32>, vector<64x128xf32>, vector<64x128xf32> -> vector<64x128xf32>
    %slice3A_509 = vector.extract_strided_slice %get3A_454 {offsets = [7, 0, 0], sizes = [1, 64, 128], strides = [1, 1, 1]} : vector<8x64x128xf32> to vector<1x64x128xf32>
    %squeeze3A_510 = vector.shape_cast %slice3A_509 : vector<1x64x128xf32> to vector<64x128xf32>
    %slice3A_511 = vector.extract_strided_slice %add3A_446 {offsets = [0, 448], sizes = [64, 64], strides = [1, 1]} : vector<64x512xf32> to vector<64x64xf32>
    %slice3A_512 = vector.extract_strided_slice %add3A_450 {offsets = [0, 448], sizes = [64, 64], strides = [1, 1]} : vector<64x512xf32> to vector<64x64xf32>
    %dot_general3A_513 = arith.constant dense<0.000000e+00> : vector<64x128xf32>
    %dot_general3A_514 = tpu.matmul %slice3A_511, %squeeze3A_510, %dot_general3A_513 {dimension_numbers = #tpu.dot_dimension_numbers<[0], [0], [1], [1], [0, 1, 1, 1], [], []>, transpose_lhs_hint = false} : vector<64x64xf32>, vector<64x128xf32>, vector<64x128xf32> -> vector<64x128xf32>
    %dot_general3A_515 = arith.constant dense<0.000000e+00> : vector<64x128xf32>
    %dot_general3A_516 = tpu.matmul %slice3A_512, %squeeze3A_510, %dot_general3A_515 {dimension_numbers = #tpu.dot_dimension_numbers<[0], [0], [1], [1], [0, 1, 1, 1], [], []>, transpose_lhs_hint = false} : vector<64x64xf32>, vector<64x128xf32>, vector<64x128xf32> -> vector<64x128xf32>
    %concatenate3A = tpu.concatenate %dot_general3A_458, %dot_general3A_466, %dot_general3A_474, %dot_general3A_482, %dot_general3A_490, %dot_general3A_498, %dot_general3A_506, %dot_general3A_514 in 0 : vector<64x128xf32>, vector<64x128xf32>, vector<64x128xf32>, vector<64x128xf32>, vector<64x128xf32>, vector<64x128xf32>, vector<64x128xf32>, vector<64x128xf32> -> vector<512x128xf32>
    %concatenate3A_517 = tpu.concatenate %dot_general3A_460, %dot_general3A_468, %dot_general3A_476, %dot_general3A_484, %dot_general3A_492, %dot_general3A_500, %dot_general3A_508, %dot_general3A_516 in 0 : vector<64x128xf32>, vector<64x128xf32>, vector<64x128xf32>, vector<64x128xf32>, vector<64x128xf32>, vector<64x128xf32>, vector<64x128xf32>, vector<64x128xf32> -> vector<512x128xf32>
    %reshape3A = vector.shape_cast %get3A_454 : vector<8x64x128xf32> to vector<512x128xf32>
    %get3A_518 = arith.constant 0 : index
    %get3A_519 = arith.constant 0 : index
    %get3A_520 = vector.load %arg3[%get3A_518, %get3A_519] : memref<128x128xf32, #tpu.memory_space<vmem>>, vector<128x128xf32>
    %dot_general3A_521 = arith.constant dense<0.000000e+00> : vector<512x128xf32>
    %dot_general3A_522 = tpu.matmul %reshape3A, %get3A_520, %dot_general3A_521 {dimension_numbers = #tpu.dot_dimension_numbers<[1], [0], [0], [1], [0, 0, 1, 1], [], []>, transpose_lhs_hint = false} : vector<512x128xf32>, vector<128x128xf32>, vector<512x128xf32> -> vector<512x128xf32>
    %get3A_523 = arith.constant 0 : index
    %get3A_524 = arith.constant 0 : index
    %get3A_525 = vector.load %arg4[%get3A_523, %get3A_524] : memref<128x128xf32, #tpu.memory_space<vmem>>, vector<128x128xf32>
    %dot_general3A_526 = arith.constant dense<0.000000e+00> : vector<512x128xf32>
    %dot_general3A_527 = tpu.matmul %concatenate3A, %get3A_525, %dot_general3A_526 {dimension_numbers = #tpu.dot_dimension_numbers<[1], [0], [0], [1], [0, 0, 1, 1], [], []>, transpose_lhs_hint = false} : vector<512x128xf32>, vector<128x128xf32>, vector<512x128xf32> -> vector<512x128xf32>
    %add3A_528 = arith.addf %dot_general3A_522, %dot_general3A_527 : vector<512x128xf32>
    %get3A_529 = arith.constant 0 : index
    %get3A_530 = arith.constant 0 : index
    %get3A_531 = vector.load %arg5[%get3A_529, %get3A_530] : memref<128x128xf32, #tpu.memory_space<vmem>>, vector<128x128xf32>
    %dot_general3A_532 = arith.constant dense<0.000000e+00> : vector<512x128xf32>
    %dot_general3A_533 = tpu.matmul %concatenate3A_517, %get3A_531, %dot_general3A_532 {dimension_numbers = #tpu.dot_dimension_numbers<[1], [0], [0], [1], [0, 0, 1, 1], [], []>, transpose_lhs_hint = false} : vector<512x128xf32>, vector<128x128xf32>, vector<512x128xf32> -> vector<512x128xf32>
    %add3A_534 = arith.addf %add3A_528, %dot_general3A_533 : vector<512x128xf32>
    %get3A_535 = arith.constant 0 : index
    %get3A_536 = arith.constant 0 : index
    %get3A_537 = vector.load %arg6[%get3A_535, %get3A_536] : memref<1x128xf32, #tpu.memory_space<vmem>>, vector<1x128xf32>
    %add3A_538 = vector.broadcast %get3A_537 : vector<1x128xf32> to vector<512x128xf32>
    %add3A_539 = arith.addf %add3A_534, %add3A_538 : vector<512x128xf32>
    %add3A_540 = arith.addf %add3A_539, %reshape3A : vector<512x128xf32>
    %reduce_sum3A_541 = arith.constant dense<0.000000e+00> : vector<512xf32>
    %reduce_sum3A_542 = vector.multi_reduction <add>, %add3A_540, %reduce_sum3A_541 [1] : vector<512x128xf32> to vector<512xf32>
    %broadcast_in_dim3A_543 = vector.shape_cast %reduce_sum3A_542 : vector<512xf32> to vector<512x1xf32>
    %div3A_544 = arith.constant 1.280000e+02 : f32
    %div3A_545 = vector.broadcast %div3A_544 : f32 to vector<512x1xf32>
    %div3A_546 = arith.divf %broadcast_in_dim3A_543, %div3A_545 : vector<512x1xf32>
    %mul3A_547 = arith.mulf %add3A_540, %add3A_540 : vector<512x128xf32>
    %reduce_sum3A_548 = arith.constant dense<0.000000e+00> : vector<512xf32>
    %reduce_sum3A_549 = vector.multi_reduction <add>, %mul3A_547, %reduce_sum3A_548 [1] : vector<512x128xf32> to vector<512xf32>
    %broadcast_in_dim3A_550 = vector.shape_cast %reduce_sum3A_549 : vector<512xf32> to vector<512x1xf32>
    %div3A_551 = arith.constant 1.280000e+02 : f32
    %div3A_552 = vector.broadcast %div3A_551 : f32 to vector<512x1xf32>
    %div3A_553 = arith.divf %broadcast_in_dim3A_550, %div3A_552 : vector<512x1xf32>
    %mul3A_554 = arith.mulf %div3A_546, %div3A_546 : vector<512x1xf32>
    %sub3A_555 = arith.subf %div3A_553, %mul3A_554 : vector<512x1xf32>
    %sub3A_556 = vector.broadcast %div3A_546 : vector<512x1xf32> to vector<512x128xf32>
    %sub3A_557 = arith.subf %add3A_540, %sub3A_556 : vector<512x128xf32>
    %add3A_558 = arith.constant 9.99999974E-6 : f32
    %add3A_559 = vector.broadcast %add3A_558 : f32 to vector<512x1xf32>
    %add3A_560 = arith.addf %sub3A_555, %add3A_559 : vector<512x1xf32>
    %rsqrt3A = math.rsqrt %add3A_560 : vector<512x1xf32>
    %mul3A_561 = vector.broadcast %rsqrt3A : vector<512x1xf32> to vector<512x128xf32>
    %mul3A_562 = arith.mulf %sub3A_557, %mul3A_561 : vector<512x128xf32>
    %get3A_563 = arith.constant 0 : index
    %get3A_564 = arith.constant 0 : index
    %get3A_565 = vector.load %arg7[%get3A_563, %get3A_564] : memref<1x128xf32, #tpu.memory_space<vmem>>, vector<1x128xf32>
    %mul3A_566 = vector.broadcast %get3A_565 : vector<1x128xf32> to vector<512x128xf32>
    %mul3A_567 = arith.mulf %mul3A_562, %mul3A_566 : vector<512x128xf32>
    %get3A_568 = arith.constant 0 : index
    %get3A_569 = arith.constant 0 : index
    %get3A_570 = vector.load %arg8[%get3A_568, %get3A_569] : memref<1x128xf32, #tpu.memory_space<vmem>>, vector<1x128xf32>
    %add3A_571 = vector.broadcast %get3A_570 : vector<1x128xf32> to vector<512x128xf32>
    %add3A_572 = arith.addf %mul3A_567, %add3A_571 : vector<512x128xf32>
    %max3A = arith.constant 0.000000e+00 : f32
    %max3A_573 = vector.broadcast %max3A : f32 to vector<512x128xf32>
    %max3A_574 = arith.maximumf %add3A_572, %max3A_573 : vector<512x128xf32>
    %reshape3A_575 = vector.shape_cast %max3A_574 : vector<512x128xf32> to vector<8x64x128xf32>
    %reduce_max3A = arith.constant dense<0xFF800000> : vector<8x128xf32>
    %reduce_max3A_576 = vector.multi_reduction <maximumf>, %reshape3A_575, %reduce_max3A [1] : vector<8x64x128xf32> to vector<8x128xf32>
    %swap3A = arith.constant 0 : index
    %swap3A_577 = arith.constant 0 : index
    %swap3A_578 = vector.load %arg9[%swap3A, %swap3A_577] : memref<8x128xf32, #tpu.memory_space<vmem>>, vector<8x128xf32>
    tpu.vector_store %arg9[%swap3A, %swap3A_577], %reduce_max3A_576 {strides = array<i32>} : memref<8x128xf32, #tpu.memory_space<vmem>>, vector<8x128xf32>,
    return
  }
  func.func @transform_0(%arg0: i32) -> (i32, i32, i32) {
    %c0_i32 = arith.constant 0 : i32
    %c0_i32_0 = arith.constant 0 : i32
    %c0_i32_1 = arith.constant 0 : i32
    return %arg0, %c0_i32, %c0_i32_0 : i32, i32, i32
  }
  func.func @transform_1(%arg0: i32) -> (i32, i32) {
    %c0_i32 = arith.constant 0 : i32
    %c0_i32_0 = arith.constant 0 : i32
    return %c0_i32, %arg0 : i32, i32
  }
  func.func @transform_2(%arg0: i32) -> (i32, i32) {
    %c0_i32 = arith.constant 0 : i32
    %c0_i32_0 = arith.constant 0 : i32
    %c0_i32_1 = arith.constant 0 : i32
    return %c0_i32, %c0_i32_0 : i32, i32
  }
  func.func @transform_3(%arg0: i32) -> (i32, i32) {
    %c0_i32 = arith.constant 0 : i32
    %c0_i32_0 = arith.constant 0 : i32
    %c0_i32_1 = arith.constant 0 : i32
    return %c0_i32, %c0_i32_0 : i32, i32
  }
  func.func @transform_4(%arg0: i32) -> (i32, i32) {
    %c0_i32 = arith.constant 0 : i32
    %c0_i32_0 = arith.constant 0 : i32
    %c0_i32_1 = arith.constant 0 : i32
    return %c0_i32, %c0_i32_0 : i32, i32
  }
  func.func @transform_5(%arg0: i32) -> (i32, i32) {
    %c0_i32 = arith.constant 0 : i32
    %c0_i32_0 = arith.constant 0 : i32
    %c0_i32_1 = arith.constant 0 : i32
    return %c0_i32, %c0_i32_0 : i32, i32
  }
  func.func @transform_6(%arg0: i32) -> (i32, i32) {
    %c0_i32 = arith.constant 0 : i32
    %c0_i32_0 = arith.constant 0 : i32
    %c0_i32_1 = arith.constant 0 : i32
    return %c0_i32, %c0_i32_0 : i32, i32
  }
  func.func @transform_7(%arg0: i32) -> (i32, i32) {
    %c0_i32 = arith.constant 0 : i32
    %c0_i32_0 = arith.constant 0 : i32
    %c0_i32_1 = arith.constant 0 : i32
    return %c0_i32, %c0_i32_0 : i32, i32
  }
  func.func @transform_8(%arg0: i32) -> (i32, i32) {
    %c0_i32 = arith.constant 0 : i32
    %c0_i32_0 = arith.constant 0 : i32
    return %arg0, %c0_i32 : i32, i32
  }
}

module attributes {stable_mosaic.version = 14 : i64} {
  func.func @_dense_body(%arg0: i32, %arg1: memref<512x128xf32, #tpu.memory_space<vmem>>, %arg2: memref<512x128xf32, #tpu.memory_space<vmem>>, %arg3: memref<512x128xf32, #tpu.memory_space<vmem>>, %arg4: memref<512x32xi32, #tpu.memory_space<vmem>>, %arg5: memref<128x128xf32, #tpu.memory_space<vmem>>, %arg6: memref<128x128xf32, #tpu.memory_space<vmem>>, %arg7: memref<128x128xf32, #tpu.memory_space<vmem>>, %arg8: memref<1x128xf32, #tpu.memory_space<vmem>>, %arg9: memref<1x128xf32, #tpu.memory_space<vmem>>, %arg10: memref<1x128xf32, #tpu.memory_space<vmem>>, %arg11: memref<8x128xf32, #tpu.memory_space<vmem>>) attributes {dimension_semantics = [#tpu.dimension_semantics<arbitrary>], iteration_bounds = array<i64: 16>, scalar_prefetch = 0 : i64, scratch_operands = 0 : i64, tpu.core_type = #tpu.core_type<tc>, window_params = [{transform_indices = @transform_0, window_bounds = array<i64: 512, 128>}, {transform_indices = @transform_1, window_bounds = array<i64: 512, 128>}, {transform_indices = @transform_2, window_bounds = array<i64: 512, 128>}, {transform_indices = @transform_3, window_bounds = array<i64: 512, 32>}, {pipeline_mode = #tpu.pipeline_mode<synchronous>, transform_indices = @transform_4, window_bounds = array<i64: 128, 128>}, {pipeline_mode = #tpu.pipeline_mode<synchronous>, transform_indices = @transform_5, window_bounds = array<i64: 128, 128>}, {pipeline_mode = #tpu.pipeline_mode<synchronous>, transform_indices = @transform_6, window_bounds = array<i64: 128, 128>}, {pipeline_mode = #tpu.pipeline_mode<synchronous>, transform_indices = @transform_7, window_bounds = array<i64: 1, 128>}, {pipeline_mode = #tpu.pipeline_mode<synchronous>, transform_indices = @transform_8, window_bounds = array<i64: 1, 128>}, {pipeline_mode = #tpu.pipeline_mode<synchronous>, transform_indices = @transform_9, window_bounds = array<i64: 1, 128>}, {transform_indices = @transform_10, window_bounds = array<i64: 8, 128>}]} {
    %get3A = arith.constant 0 : index
    %get3A_0 = arith.constant 0 : index
    %get3A_1 = vector.load %arg1[%get3A, %get3A_0] : memref<512x128xf32, #tpu.memory_space<vmem>>, vector<512x128xf32>
    %get3A_2 = arith.constant 0 : index
    %get3A_3 = arith.constant 0 : index
    %get3A_4 = vector.load %arg2[%get3A_2, %get3A_3] : memref<512x128xf32, #tpu.memory_space<vmem>>, vector<512x128xf32>
    %get3A_5 = arith.constant 0 : index
    %get3A_6 = arith.constant 0 : index
    %get3A_7 = vector.load %arg3[%get3A_5, %get3A_6] : memref<512x128xf32, #tpu.memory_space<vmem>>, vector<512x128xf32>
    %get3A_8 = arith.constant 0 : index
    %get3A_9 = arith.constant 0 : index
    %get3A_10 = vector.load %arg4[%get3A_8, %get3A_9] : memref<512x32xi32, #tpu.memory_space<vmem>>, vector<512x32xi32>
    %ne3A = arith.constant 0 : i32
    %ne3A_11 = vector.broadcast %ne3A : i32 to vector<512x32xi32>
    %ne3A_12 = arith.cmpi ne, %get3A_10, %ne3A_11 : vector<512x32xi32>
    %convert_element_type3A = arith.extui %ne3A_12 : vector<512x32xi1> to vector<512x32xi32>
    %convert_element_type3A_13 = arith.sitofp %convert_element_type3A : vector<512x32xi32> to vector<512x32xf32>
    %reduce_sum3A = arith.constant dense<0.000000e+00> : vector<512xf32>
    %reduce_sum3A_14 = vector.multi_reduction <add>, %convert_element_type3A_13, %reduce_sum3A [1] : vector<512x32xf32> to vector<512xf32>
    %broadcast_in_dim3A = vector.shape_cast %reduce_sum3A_14 : vector<512xf32> to vector<512x1xf32>
    %eq3A = arith.constant 1.000000e+00 : f32
    %eq3A_15 = vector.broadcast %eq3A : f32 to vector<512x1xf32>
    %eq3A_16 = arith.cmpf oeq, %broadcast_in_dim3A, %eq3A_15 : vector<512x1xf32>
    %slice3A = vector.extract_strided_slice %convert_element_type3A_13 {offsets = [0, 0], sizes = [512, 1], strides = [1, 1]} : vector<512x32xf32> to vector<512x1xf32>
    %sub3A = arith.constant 1.000000e+00 : f32
    %sub3A_17 = vector.broadcast %sub3A : f32 to vector<512x1xf32>
    %sub3A_18 = arith.subf %broadcast_in_dim3A, %sub3A_17 : vector<512x1xf32>
    %jit3A = arith.constant 2.000000e+00 : f32
    %broadcast_in_dim3A_19 = vector.broadcast %jit3A : f32 to vector<512x1xf32>
    %select_n3A = arith.select %eq3A_16, %broadcast_in_dim3A_19, %sub3A_18 : vector<512x1xi1>, vector<512x1xf32>
    %div3A = arith.constant 1.000000e+00 : f32
    %div3A_20 = vector.broadcast %div3A : f32 to vector<512x1xf32>
    %div3A_21 = arith.divf %div3A_20, %select_n3A : vector<512x1xf32>
    %mul3A = arith.constant 5.000000e-01 : f32
    %mul3A_22 = vector.broadcast %mul3A : f32 to vector<512x1xf32>
    %mul3A_23 = arith.mulf %mul3A_22, %slice3A : vector<512x1xf32>
    %jit3A_24 = arith.constant 0.000000e+00 : f32
    %broadcast_in_dim3A_25 = vector.broadcast %jit3A_24 : f32 to vector<512x1xf32>
    %select_n3A_26 = arith.select %eq3A_16, %mul3A_23, %broadcast_in_dim3A_25 : vector<512x1xi1>, vector<512x1xf32>
    %jit3A_27 = arith.constant 0.000000e+00 : f32
    %broadcast_in_dim3A_28 = vector.broadcast %jit3A_27 : f32 to vector<512x1xf32>
    %select_n3A_29 = arith.select %eq3A_16, %broadcast_in_dim3A_28, %div3A_21 : vector<512x1xi1>, vector<512x1xf32>
    %mul3A_30 = vector.broadcast %select_n3A_26 : vector<512x1xf32> to vector<512x128xf32>
    %mul3A_31 = arith.mulf %mul3A_30, %get3A_4 : vector<512x128xf32>
    %mul3A_32 = vector.broadcast %select_n3A_29 : vector<512x1xf32> to vector<512x128xf32>
    %mul3A_33 = arith.mulf %mul3A_32, %get3A_7 : vector<512x128xf32>
    %add3A = arith.addf %mul3A_31, %mul3A_33 : vector<512x128xf32>
    %get3A_34 = arith.constant 0 : index
    %get3A_35 = arith.constant 0 : index
    %get3A_36 = vector.load %arg7[%get3A_34, %get3A_35] : memref<128x128xf32, #tpu.memory_space<vmem>>, vector<128x128xf32>
    %get3A_37 = arith.constant 0 : index
    %get3A_38 = arith.constant 0 : index
    %get3A_39 = vector.load %arg6[%get3A_37, %get3A_38] : memref<128x128xf32, #tpu.memory_space<vmem>>, vector<128x128xf32>
    %sub3A_40 = arith.subf %get3A_36, %get3A_39 : vector<128x128xf32>
    %get3A_41 = arith.constant 0 : index
    %get3A_42 = arith.constant 0 : index
    %get3A_43 = vector.load %arg5[%get3A_41, %get3A_42] : memref<128x128xf32, #tpu.memory_space<vmem>>, vector<128x128xf32>
    %dot_general3A = arith.constant dense<0.000000e+00> : vector<512x128xf32>
    %dot_general3A_44 = tpu.matmul %get3A_1, %get3A_43, %dot_general3A {dimension_numbers = #tpu.dot_dimension_numbers<[1], [0], [0], [1], [0, 0, 1, 1], [], []>, transpose_lhs_hint = false} : vector<512x128xf32>, vector<128x128xf32>, vector<512x128xf32> -> vector<512x128xf32>
    %get3A_45 = arith.constant 0 : index
    %get3A_46 = arith.constant 0 : index
    %get3A_47 = vector.load %arg6[%get3A_45, %get3A_46] : memref<128x128xf32, #tpu.memory_space<vmem>>, vector<128x128xf32>
    %dot_general3A_48 = arith.constant dense<0.000000e+00> : vector<512x128xf32>
    %dot_general3A_49 = tpu.matmul %get3A_4, %get3A_47, %dot_general3A_48 {dimension_numbers = #tpu.dot_dimension_numbers<[1], [0], [0], [1], [0, 0, 1, 1], [], []>, transpose_lhs_hint = false} : vector<512x128xf32>, vector<128x128xf32>, vector<512x128xf32> -> vector<512x128xf32>
    %add3A_50 = arith.addf %dot_general3A_44, %dot_general3A_49 : vector<512x128xf32>
    %dot_general3A_51 = arith.constant dense<0.000000e+00> : vector<512x128xf32>
    %dot_general3A_52 = tpu.matmul %add3A, %sub3A_40, %dot_general3A_51 {dimension_numbers = #tpu.dot_dimension_numbers<[1], [0], [0], [1], [0, 0, 1, 1], [], []>, transpose_lhs_hint = false} : vector<512x128xf32>, vector<128x128xf32>, vector<512x128xf32> -> vector<512x128xf32>
    %add3A_53 = arith.addf %add3A_50, %dot_general3A_52 : vector<512x128xf32>
    %get3A_54 = arith.constant 0 : index
    %get3A_55 = arith.constant 0 : index
    %get3A_56 = vector.load %arg8[%get3A_54, %get3A_55] : memref<1x128xf32, #tpu.memory_space<vmem>>, vector<1x128xf32>
    %add3A_57 = vector.broadcast %get3A_56 : vector<1x128xf32> to vector<512x128xf32>
    %add3A_58 = arith.addf %add3A_53, %add3A_57 : vector<512x128xf32>
    %add3A_59 = arith.addf %add3A_58, %get3A_1 : vector<512x128xf32>
    %reduce_sum3A_60 = arith.constant dense<0.000000e+00> : vector<512xf32>
    %reduce_sum3A_61 = vector.multi_reduction <add>, %add3A_59, %reduce_sum3A_60 [1] : vector<512x128xf32> to vector<512xf32>
    %broadcast_in_dim3A_62 = vector.shape_cast %reduce_sum3A_61 : vector<512xf32> to vector<512x1xf32>
    %div3A_63 = arith.constant 1.280000e+02 : f32
    %div3A_64 = vector.broadcast %div3A_63 : f32 to vector<512x1xf32>
    %div3A_65 = arith.divf %broadcast_in_dim3A_62, %div3A_64 : vector<512x1xf32>
    %mul3A_66 = arith.mulf %add3A_59, %add3A_59 : vector<512x128xf32>
    %reduce_sum3A_67 = arith.constant dense<0.000000e+00> : vector<512xf32>
    %reduce_sum3A_68 = vector.multi_reduction <add>, %mul3A_66, %reduce_sum3A_67 [1] : vector<512x128xf32> to vector<512xf32>
    %broadcast_in_dim3A_69 = vector.shape_cast %reduce_sum3A_68 : vector<512xf32> to vector<512x1xf32>
    %div3A_70 = arith.constant 1.280000e+02 : f32
    %div3A_71 = vector.broadcast %div3A_70 : f32 to vector<512x1xf32>
    %div3A_72 = arith.divf %broadcast_in_dim3A_69, %div3A_71 : vector<512x1xf32>
    %mul3A_73 = arith.mulf %div3A_65, %div3A_65 : vector<512x1xf32>
    %sub3A_74 = arith.subf %div3A_72, %mul3A_73 : vector<512x1xf32>
    %sub3A_75 = vector.broadcast %div3A_65 : vector<512x1xf32> to vector<512x128xf32>
    %sub3A_76 = arith.subf %add3A_59, %sub3A_75 : vector<512x128xf32>
    %add3A_77 = arith.constant 9.99999974E-6 : f32
    %add3A_78 = vector.broadcast %add3A_77 : f32 to vector<512x1xf32>
    %add3A_79 = arith.addf %sub3A_74, %add3A_78 : vector<512x1xf32>
    %rsqrt3A = math.rsqrt %add3A_79 : vector<512x1xf32>
    %mul3A_80 = vector.broadcast %rsqrt3A : vector<512x1xf32> to vector<512x128xf32>
    %mul3A_81 = arith.mulf %sub3A_76, %mul3A_80 : vector<512x128xf32>
    %get3A_82 = arith.constant 0 : index
    %get3A_83 = arith.constant 0 : index
    %get3A_84 = vector.load %arg9[%get3A_82, %get3A_83] : memref<1x128xf32, #tpu.memory_space<vmem>>, vector<1x128xf32>
    %mul3A_85 = vector.broadcast %get3A_84 : vector<1x128xf32> to vector<512x128xf32>
    %mul3A_86 = arith.mulf %mul3A_81, %mul3A_85 : vector<512x128xf32>
    %get3A_87 = arith.constant 0 : index
    %get3A_88 = arith.constant 0 : index
    %get3A_89 = vector.load %arg10[%get3A_87, %get3A_88] : memref<1x128xf32, #tpu.memory_space<vmem>>, vector<1x128xf32>
    %add3A_90 = vector.broadcast %get3A_89 : vector<1x128xf32> to vector<512x128xf32>
    %add3A_91 = arith.addf %mul3A_86, %add3A_90 : vector<512x128xf32>
    %max3A = arith.constant 0.000000e+00 : f32
    %max3A_92 = vector.broadcast %max3A : f32 to vector<512x128xf32>
    %max3A_93 = arith.maximumf %add3A_91, %max3A_92 : vector<512x128xf32>
    %reshape3A = vector.shape_cast %max3A_93 : vector<512x128xf32> to vector<8x64x128xf32>
    %reduce_max3A = arith.constant dense<0xFF800000> : vector<8x128xf32>
    %reduce_max3A_94 = vector.multi_reduction <maximumf>, %reshape3A, %reduce_max3A [1] : vector<8x64x128xf32> to vector<8x128xf32>
    %swap3A = arith.constant 0 : index
    %swap3A_95 = arith.constant 0 : index
    %swap3A_96 = vector.load %arg11[%swap3A, %swap3A_95] : memref<8x128xf32, #tpu.memory_space<vmem>>, vector<8x128xf32>
    tpu.vector_store %arg11[%swap3A, %swap3A_95], %reduce_max3A_94 {strides = array<i32>} : memref<8x128xf32, #tpu.memory_space<vmem>>, vector<8x128xf32>,
    return
  }
  func.func @transform_0(%arg0: i32) -> (i32, i32) {
    %c0_i32 = arith.constant 0 : i32
    %c0_i32_0 = arith.constant 0 : i32
    return %arg0, %c0_i32 : i32, i32
  }
  func.func @transform_1(%arg0: i32) -> (i32, i32) {
    %c0_i32 = arith.constant 0 : i32
    %c0_i32_0 = arith.constant 0 : i32
    return %arg0, %c0_i32 : i32, i32
  }
  func.func @transform_2(%arg0: i32) -> (i32, i32) {
    %c0_i32 = arith.constant 0 : i32
    %c0_i32_0 = arith.constant 0 : i32
    return %arg0, %c0_i32 : i32, i32
  }
  func.func @transform_3(%arg0: i32) -> (i32, i32) {
    %c0_i32 = arith.constant 0 : i32
    %c0_i32_0 = arith.constant 0 : i32
    return %arg0, %c0_i32 : i32, i32
  }
  func.func @transform_4(%arg0: i32) -> (i32, i32) {
    %c0_i32 = arith.constant 0 : i32
    %c0_i32_0 = arith.constant 0 : i32
    %c0_i32_1 = arith.constant 0 : i32
    return %c0_i32, %c0_i32_0 : i32, i32
  }
  func.func @transform_5(%arg0: i32) -> (i32, i32) {
    %c0_i32 = arith.constant 0 : i32
    %c0_i32_0 = arith.constant 0 : i32
    %c0_i32_1 = arith.constant 0 : i32
    return %c0_i32, %c0_i32_0 : i32, i32
  }
  func.func @transform_6(%arg0: i32) -> (i32, i32) {
    %c0_i32 = arith.constant 0 : i32
    %c0_i32_0 = arith.constant 0 : i32
    %c0_i32_1 = arith.constant 0 : i32
    return %c0_i32, %c0_i32_0 : i32, i32
  }
  func.func @transform_7(%arg0: i32) -> (i32, i32) {
    %c0_i32 = arith.constant 0 : i32
    %c0_i32_0 = arith.constant 0 : i32
    %c0_i32_1 = arith.constant 0 : i32
    return %c0_i32, %c0_i32_0 : i32, i32
  }
  func.func @transform_8(%arg0: i32) -> (i32, i32) {
    %c0_i32 = arith.constant 0 : i32
    %c0_i32_0 = arith.constant 0 : i32
    %c0_i32_1 = arith.constant 0 : i32
    return %c0_i32, %c0_i32_0 : i32, i32
  }
  func.func @transform_9(%arg0: i32) -> (i32, i32) {
    %c0_i32 = arith.constant 0 : i32
    %c0_i32_0 = arith.constant 0 : i32
    %c0_i32_1 = arith.constant 0 : i32
    return %c0_i32, %c0_i32_0 : i32, i32
  }
  func.func @transform_10(%arg0: i32) -> (i32, i32) {
    %c0_i32 = arith.constant 0 : i32
    %c0_i32_0 = arith.constant 0 : i32
    return %arg0, %c0_i32 : i32, i32
  }
}

</mosaic_0001>

<sc_bundles>
// kernel: kernel.5.cloned.1.call-start
scs
__scs_entry_jumppad:
0x0: {  	(pc) =	sbr.rel $0x88, $3  }
0x1: {  	(tag) =	ssettag $0x0;
	lr =	simm.s32 $0x1  }
0x2: {  	[smem:$0x3F99] =	sst lr;
	_ =	strace $0xD0000000  }
0x3: {  	_ = 	snop  }
0x4: {  	_ = 	snop  }
0x5: {  	_ = 	snop  }
0x6: {  	_ = 	snop  }
0x7: {  	_ = 	snop  }
__scs_overlays_trampoline_lowered:
0x8: {  	[smem:$0x3FA8] =	sst s0  }
0x9: {  	[smem:$0x3FA9] =	sst s1  }
0xa: {  	[smem:$0x3FAA] =	sst s2  }
0xb: {  	[smem:$0x3FAB] =	sst s3  }
0xc: {  	[smem:$0x3FAC] =	sst s4  }
0xd: {  	[smem:$0x3FAD] =	sst s5  }
0xe: {  	[smem:$0x3FAE] =	sst s6  }
0xf: {  	[smem:$0x3FAF] =	sst s7  }
0x10: {  	[smem:$0x3FB0] =	sst s8  }
0x11: {  	[smem:$0x3FB1] =	sst s9;
	s0 =	simm.s32 @!p0 $0x0  }
0x12: {  	s1 =	sld [smem:$0x3F97];
	s0 =	simm.s32 @p0 $0x1  }
0x13: {  	[smem:$0x3FB2] =	sst s0;
	s0 =	simm.s32 @!p1 $0x0  }
0x14: {  	s2 =	sld [smem:$0x3F96];
	s0 =	simm.s32 @p1 $0x1  }
0x15: {  	[smem:$0x3FB3] =	sst s0;
	s0 =	simm.s32 @!p2 $0x0  }
0x16: {  	s3 =	sld [smem:$0x3FDB];
	s0 =	simm.s32 @p2 $0x1  }
0x17: {  	s4 =	simm.s32 $0x1BF5;
	[smem:$0x3FB5] =	sst s0  }
0x18: {  	s0 =	sld [smem:$0x3F98];
	_ =	swait.ge [sflag:s4], $0x0  }
0x19: {  	s7 =	sld [smem:$0x3F99]  }
0x1a: {  	s8 =	sadd.s32 $0xFFFFE003, lr  }
0x1b: {  	s9 =	sadd.s32 $0xFFFFFEF7, lr;
	s5 =	simm.s32 $0xFFFFFFFF;
	p2 =	slt.u32 s8, $0xFFFFF086  }
0x1c: {  	p1 =	slt.u32 s9, $0xF7A;
	s5 =	simm.s32 @!p2 $0x0  }
0x1d: {  	s5 =	simm.s32 @p1 $0x1;
	p0 =	seq.s32 s7, s2  }
0x1e: {  	s7 =	smul.u32 @!p0 $0xF7A, s2;
	p2 =	seq.s32 @!p0 s5, $0x0  }
0x1f: {  	s9 =	smul.u32 $0xF7A, s1;
	s8 =	simm.s32 @!p0 $0x1BF5;
	p2 =	por !p2, p0  }
0x20: {  	[sflag:s8] =	ssyncset.s32 @!p0 $0xFFFFF086;
	s6 =	sadd.s32 @!p0 s3, s7;
	s7 =	simm.s32 @!p0 $0x108  }
0x21: {  	s3 =	sadd.s32 s3, s9;
	s6 =	sadd.s32 @!p0 $0x88, s6;
	s7 =	simm.s32 @p2 $0x1082  }
0x22: {  	[simem:s7], [sflag:s8] =	dma.local @!p0 [hbm:s6], $0xF7A  }
0x23: {  	s9 =	sor.u32 $0xD0000000, s2;
	s6 =	simm.s32 $0x108;
	_ =	swait.ge @!p0 [sflag:s8], $0x0  }
0x24: {  	s3 =	sadd.s32 $0x88, s3;
	s6 =	simm.s32 @!p1 $0x1082;
	[sflag:s4] =	ssyncset.s32 $0xFFFFF086  }
0x25: {  	[simem:s6], [sflag:s4] =	dma.local [hbm:s3], $0xF7A  }
0x26: {  	[smem:$0x3F99] =	sst s1;
	(tag) =	ssettag s2;
	_ =	strace s9  }
0x27: {  	s1 =	sld [smem:$0x3FA9]  }
0x28: {  	s2 =	sld [smem:$0x3FAA]  }
0x29: {  	s4 =	sld [smem:$0x3FAC]  }
0x2a: {  	p0 =	seq.s32 s5, $0x0;
	s5 =	sld [smem:$0x3FAD]  }
0x2b: {  	s6 =	sld [smem:$0x3FAE]  }
0x2c: {  	s7 =	sld [smem:$0x3FAF]  }
0x2d: {  	s3 =	simm.s32 $0x108;
	s8 =	sld [smem:$0x3FB0]  }
0x2e: {  	s3 =	simm.s32 @!p0 $0x1082;
	s9 =	sld [smem:$0x3FB1]  }
0x2f: {  	lr =	sadd.s32 s0, s3;
	s0 =	sld [smem:$0x3FA8]  }
0x30: {  	s3 =	sld [smem:$0x3FAB]  }
0x31: {  	[smem:$0x3FB4] =	sst s10  }
0x32: {  	s10 =	sld [smem:$0x3FB2];
	_ =	sdelay $0x3  }
0x33: {  	p0 =	seq.s32 s10, $0x1;
	s10 =	sld [smem:$0x3FB4];
	_ =	sdelay $0x3  }
0x34: {  	[smem:$0x3FB4] =	sst s10  }
0x35: {  	s10 =	sld [smem:$0x3FB3];
	_ =	sdelay $0x3  }
0x36: {  	p1 =	seq.s32 s10, $0x1;
	s10 =	sld [smem:$0x3FB4];
	_ =	sdelay $0x3  }
0x37: {  	[smem:$0x3FB4] =	sst s10  }
0x38: {  	s10 =	sld [smem:$0x3FB5]  }
0x39: {  	_ = 	snop;
	(pc) =	sbr.ind lr, $3  }
0x3a: {  	_ = 	snop  }
0x3b: {  	_ = 	snop  }
0x3c: {  	p2 =	seq.s32 s10, $0x1;
	s10 =	sld [smem:$0x3FB4]  }
0x3d: {  	_ =	shalt  }
0x3e: {  	_ =	shalt  }
0x3f: {  	_ =	shalt  }
0x40: {  	_ =	shalt  }
0x41: {  	_ =	shalt  }
0x42: {  	_ =	shalt  }
0x43: {  	_ =	shalt  }
0x44: {  	_ =	shalt  }
0x45: {  	_ =	shalt  }
0x46: {  	_ =	shalt  }
0x47: {  	_ =	shalt  }
0x48: {  	_ =	shalt  }
0x49: {  	_ =	shalt  }
0x4a: {  	_ =	shalt  }
0x4b: {  	_ =	shalt  }
0x4c: {  	_ =	shalt  }
0x4d: {  	_ =	shalt  }
0x4e: {  	_ =	shalt  }
0x4f: {  	_ =	shalt  }
0x50: {  	_ =	shalt  }
0x51: {  	_ =	shalt  }
0x52: {  	_ =	shalt  }
0x53: {  	_ =	shalt  }
0x54: {  	_ =	shalt  }
0x55: {  	_ =	shalt  }
0x56: {  	_ =	shalt  }
0x57: {  	_ =	shalt  }
0x58: {  	_ =	shalt  }
0x59: {  	_ =	shalt  }
0x5a: {  	_ =	shalt  }
0x5b: {  	_ =	shalt  }
0x5c: {  	_ =	shalt  }
0x5d: {  	_ =	shalt  }
0x5e: {  	_ =	shalt  }
0x5f: {  	_ =	shalt  }
0x60: {  	_ =	shalt  }
0x61: {  	_ =	shalt  }
0x62: {  	_ =	shalt  }
0x63: {  	_ =	shalt  }
0x64: {  	_ =	shalt  }
0x65: {  	_ =	shalt  }
0x66: {  	_ =	shalt  }
0x67: {  	_ =	shalt  }
0x68: {  	_ =	shalt  }
0x69: {  	_ =	shalt  }
0x6a: {  	_ =	shalt  }
0x6b: {  	_ =	shalt  }
0x6c: {  	_ =	shalt  }
0x6d: {  	_ =	shalt  }
0x6e: {  	_ =	shalt  }
0x6f: {  	_ =	shalt  }
0x70: {  	_ =	shalt  }
0x71: {  	_ =	shalt  }
0x72: {  	_ =	shalt  }
0x73: {  	_ =	shalt  }
0x74: {  	_ =	shalt  }
0x75: {  	_ =	shalt  }
0x76: {  	_ =	shalt  }
0x77: {  	_ =	shalt  }
0x78: {  	_ =	shalt  }
0x79: {  	_ =	shalt  }
0x7a: {  	_ =	shalt  }
0x7b: {  	_ =	shalt  }
0x7c: {  	_ =	shalt  }
0x7d: {  	_ =	shalt  }
0x7e: {  	_ =	shalt  }
0x7f: {  	_ =	shalt  }
0x80: {  	_ =	shalt  }
0x81: {  	_ =	shalt  }
0x82: {  	_ =	shalt  }
0x83: {  	_ =	shalt  }
0x84: {  	_ =	shalt  }
0x85: {  	_ =	shalt  }
0x86: {  	_ =	shalt  }
0x87: {  	_ =	shalt  }
.Lfunc_end0:
.L_simem_size_0:
called_computation_lowered:
.L_overlay_start_0:
0x88: {  	s2 =	sld [smem:$0x3FD9]  }
0x89: {  	s3 =	sld [smem:$0x3FFE];
	_ =	sdelay $0x1  }
0x8a: {  	s1 =	srdreg.scid  }
0x8b: {  	s0 =	sand.u32 $0x1, s1  }
0x8c: {  	s16 =	sshll.u32 s0, $0xA;
	s2 =	sadd.s32 s3, s2  }
0x8d: {  	s2 =	sadd.s32 s2, s16  }
0x8e: {  	[smem:$0x3FC0] =	sst s2  }
0x8f: {  	_ = 	snop  }
0x90: {  	(tm) =	ssettm $0x1  }
0x91: {  	s17 =	sld [smem:$0x3FFB];
	_ =	sdelay $0x3  }
0x92: {  	_ =	strace s17  }
0x93: {  	s2 =	sld [smem:$0x3FFC];
	_ =	sdelay $0x3  }
0x94: {  	_ =	strace s2  }
0x95: {  	s2 =	sld [smem:$0x3FFD];
	_ =	sdelay $0x3  }
0x96: {  	_ =	strace s2  }
0x97: {  	_ =	strace $0x8FFFFFFF  }
0x98: {  	s18 =	sld [smem:$0x3FDB];
	_ =	sdelay $0x1  }
0x99: {  	s19 =	simm.s32 $_scs_section_size  }
0x9a: {  	s4 =	simm.s32 $_size__tile_overlayer_lowered;
	s5 =	simm.s32 $_tile_overlayer_lowered  }
0x9b: {  	s22 =	simm.s32 $0x1BFF;
	s21 =	sshll.u32 s5, $0x1;
	s2 =	sadd.s32 s19, s18  }
0x9c: {  	s6 =	simm.s32 $0x0;
	s20 =	sshll.u32 s4, $0x1;
	s4 =	sadd.s32 s21, s2  }
0x9d: {  	[timem:s6], [sflag:s22] =	dma.local [hbm:s4], s20  }
0x9e: {  	_ =	swait.ge [sflag:s22], s20  }
0x9f: {  	s3 =	ssub.s32 $0x0, s20;
	[sflag:s22] =	ssyncset.done $0x0  }
0xa0: {  	[sflag:s22] =	ssyncadd.s32 s3;
	_ =	sdelay $0x1  }
0xa1: {  	s23 =	simm.s32 $0x1B8B  }
0xa2: {  	_ =	swait.ge [sflag:s23], $0x1  }
0xa3: {  	[sflag:s23] =	ssyncset.done $0x0  }
0xa4: {  	s25 =	simm.s32 $0x1B8E;
	s24 =	sld [smem:$0x3FFE];
	[sflag:s23] =	ssyncadd.s32 $0xFFFFFFFF  }
0xa5: {  	s26 =	simm.s32 $execute0_lowered;
	[smem:$0x3FD2] =	sst s25  }
0xa6: {  	s4 =	sshll.u32 s26, $0x1;
	_ =	strace $0x80000046;
	[dreg:$0x1] =	wrdreg $0xFFFFFFFF  }
0xa7: {  	s28 =	simm.s32 $_size_execute0_lowered;
	s2 =	sadd.s32 s2, s4;
	[dreg:$0x0] =	wrdreg $0x0  }
0xa8: {  	s4 =	sshll.u32 s28, $0x1;
	[dreg:$0x2] =	wrdreg s2  }
0xa9: {  	[dreg:$0x3] =	wrdreg s4  }
0xaa: {  	[dreg:$0x4] =	wrdreg $0xC0  }
0xab: {  	_ =	task [dreg:s6], $0x5FFFF  }
0xac: {  	[dreg:$0x1] =	wrdreg $0xFFFFFFFF  }
0xad: {  	[dreg:$0x0] =	wrdreg $0x60  }
0xae: {  	[dreg:$0x2] =	wrdreg s24  }
0xaf: {  	[dreg:$0x3] =	wrdreg $0x9  }
0xb0: {  	_ =	task.clear_ibuf [dreg:s6], $0x4FFFF;
	_ =	strace $0x90000046  }
0xb1: {  	s29 =	simm.s32 $0x9;
	_ =	strace $0x80000048  }
0xb2: {  	_ =	swait.ge [sflag:s29], $0x1  }
0xb3: {  	[sflag:s29] =	ssyncadd.s32 $0xFFFFFFFF  }
0xb4: {  	_ =	strace $0x90000048  }
0xb5: {  	_ =	sfence  }
0xb6: {  	s30 =	sld [smem:$0x0];
	_ =	sdelay $0x2  }
0xb7: {  	s31 =	sshll.u32 s1, $0xD;
	s1 =	sshrl.u32 s1, $0x2  }
0xb8: {  	s3 =	sand.u32 $0x4000, s31;
	s1 =	sadd.s32 s1, s30  }
0xb9: {  	s0 =	sor.u32 s3, s0;
	s1 =	sshll.u32 s1, $0x11  }
0xba: {  	s0 =	sor.u32 s1, s0  }
0xbb: {  	s0 =	sadd.s32 $0x8F2B, s0  }
0xbc: {  	[sflag:s0] =	ssyncadd.remote.s32 $0x1  }
0xbd: {  	_ =	sfence.sel $0xFFFF  }
0xbe: {  	[dreg:$0x0] =	wrdreg $0xFFFFFFFF;
	(pc) =	sbr.abs _section_cstart, $3  }
0xbf: {  	[dreg:$0x1] =	wrdreg $0xFFFFFFFF  }
0xc0: {  	_ =	task.clear_ibuf [dreg:s6], $0x2FFFF;
	_ =	strace $0x9FFFFFFF  }
0xc1: {  	(tm) =	ssettm $0x7FFFFFFF  }
tec
execute0_lowered:
.L_overlay_start_1:
0x0: {  	(tag) =	ssettag $0x1  }
0x1: {  	s3 =	rddreg [dreg:$0x0]  }
0x2: {  	s0 =	rddreg [dreg:$0x1];
	s1 =	simm.s32 $0x0  }
0x3: {  	s2 =	srdreg.scid;
	s11 =	simm.s32 $0x80;
	s12 =	simm.s32 $0x400  }
0x4: {  	s13 =	simm.s32 $0x1;
	s14 =	simm.s32 $0x2000;
	s15 =	simm.s32 $0x10  }
0x5: {  	s16 =	simm.s32 $0x20;
	s17 =	simm.s32 $0x30;
	s18 =	simm.s32 $0x40  }
0x6: {  	s19 =	simm.s32 $0x50;
	s20 =	simm.s32 $0x60;
	s21 =	simm.s32 $0x70  }
0x7: {  	v0 =	vimm.f32 $0.0e+00;
	v1 =	vimm.s32 $0x7;
	v2 =	vimm.s32 $0xF;
	s22 =	simm.s32 $0x2800;
	s23 =	simm.s32 $0x4800;
	s24 =	simm.s32 $0x0  }
0x8: {  	v3 =	vlaneseq.u32;
	v4 =	vimm.s32 $0xE;
	v5 =	vimm.s32 $0xD;
	[smem:$0x7FF] =	sst s1;
	s8 =	sand.u32 $0x1, s2;
	s2 =	sadd.s32 $0x1C00, s3  }
0x9: {  	v6 =	vimm.s32 $0xC;
	v7 =	vimm.s32 $0xB;
	v8 =	vimm.s32 $0xA;
	s4 =	sadd.s32 $0x21C00, s3;
	s5 =	sadd.s32 $0x29C00, s3;
	s7 =	ssub.s32 $0x2, s8  }
0xa: {  	v9 =	vimm.s32 $0x9;
	v10 =	vimm.s32 $0x8;
	v11 =	vimm.s32 $0x6;
	s6 =	sadd.s32 $0x49C00, s3;
	s3 =	stileid.u32;
	s9 =	sshrl.u32 s7, $0x1  }
0xb: {  	v12 =	vimm.s32 $0x5;
	v13 =	vimm.s32 $0x4;
	v14 =	vimm.s32 $0x3;
	_ =	strace $0x80000047;
	s8 =	sshll.u32 s8, $0x9;
	s10 =	ssub.s32 s7, s9  }
0xc: {  	v15 =	vimm.s32 $0x2;
	v16 =	vimm.s32 $0x1;
	v17 =	vimm.s32 $0x0;
	s7 =	sshll.u32 s3, $0x10;
	s9 =	sshll.u32 s3, $0xE;
	s10 =	smax.u32 s10, $0x1  }
.LBB2_1:
0xd: {  	s25 =	simm.s32 $0x0  }
.LBB2_2:
0xe: {  	s26 =	sshll.u32 s25, $0x7  }
0xf: {  	s29 =	sadd.s32 s8, s26  }
0x10: {  	s26 =	sadd.s32 s7, s29  }
0x11: {  	s26 =	sshrl.u32 s26, $0x3  }
0x12: {  	s28 =	simm.s32 $0x0;
	s30 =	sadd.s32 s2, s26  }
0x13: {  	[tilespmem:s28], [sflag:$0x1] =	stream.strided.gather [hbm4b:s30+s11], $0x2000, s12, s11, $0x38;
	[tilespmem:$0x6800] =	vst v63  }
0x14: {  	s29 =	sadd.s32 s9, s29;
	_ =	swait.ge [sflag:s13], $0x2000  }
0x15: {  	s29 =	sshrl.u32 s29, $0x3;
	[sflag:s13] =	ssyncset.done $0x0  }
0x16: {  	s29 =	sadd.s32 s4, s29;
	[sflag:s13] =	ssyncadd.s32 $0xFFFFE000  }
0x17: {  	[tilespmem:s14], [sflag:$0x1] =	stream.strided.gather [hbm4b:s29+s11], $0x800, s12, s11, $0x38;
	[tilespmem:$0x6800] =	vst v63  }
0x18: {  	_ =	swait.ge [sflag:s13], $0x800  }
0x19: {  	[sflag:s13] =	ssyncset.done $0x0  }
0x1a: {  	[sflag:s13] =	ssyncadd.s32 $0xFFFFF800  }
0x1b: {  	[tilespmem:$0x0] =	vst v0  }
0x1c: {  	[tilespmem:$0x10] =	vst v0  }
0x1d: {  	[tilespmem:$0x20] =	vst v0  }
0x1e: {  	[tilespmem:$0x30] =	vst v0  }
0x1f: {  	[tilespmem:$0x40] =	vst v0  }
0x20: {  	[tilespmem:$0x50] =	vst v0  }
0x21: {  	[tilespmem:$0x60] =	vst v0  }
0x22: {  	s29 =	simm.s32 $0x2010;
	[tilespmem:$0x70] =	vst v0  }
.LBB2_3:
0x23: {  	v18 =	vld [tilespmem:s29+$0x0];
	_ =	sdelay $0x4  }
0x24: {  	v19 =	vshll.u32 v18, $0x7  }
0x25: {  	v18 =	vperm.xlane v19, v2;
	_ =	sdelay $0x1  }
0x26: {  	v20 =	vadd.s32 v3, v18;
	_ =	sdelay $0x3  }
0x27: {  	v18 =	vld [tilespmem:s29+$0xFFFFFFF0]  }
0x28: {  	v21 =	vld.idx.msk [tilespmem:v20+s1+$0x0], $0xffff  }
0x29: {  	v23 =	vperm.xlane v19, v4;
	v22 =	vld.idx.msk [tilespmem:v20+s15+$0x0], $0xffff  }
0x2a: {  	v24 =	vld.idx.msk [tilespmem:v20+s16+$0x0], $0xffff  }
0x2b: {  	v23 =	vadd.s32 v3, v23;
	v25 =	vld.idx.msk [tilespmem:v20+s17+$0x0], $0xffff  }
0x2c: {  	v26 =	vld.idx.msk [tilespmem:v20+s18+$0x0], $0xffff  }
0x2d: {  	v27 =	vld.idx.msk [tilespmem:v20+s19+$0x0], $0xffff  }
0x2e: {  	v28 =	vld.idx.msk [tilespmem:v20+s20+$0x0], $0xffff  }
0x2f: {  	v20 =	vld.idx.msk [tilespmem:v20+s21+$0x0], $0xffff  }
0x30: {  	v29 =	vld.idx.msk [tilespmem:v23+s1+$0x0], $0xffff  }
0x31: {  	v31 =	vperm.xlane v19, v5;
	v30 =	vld.idx.msk [tilespmem:v23+s15+$0x0], $0xffff  }
0x32: {  	v32 =	vld.idx.msk [tilespmem:v23+s16+$0x0], $0xffff  }
0x33: {  	v31 =	vadd.s32 v3, v31;
	v33 =	vld.idx.msk [tilespmem:v23+s17+$0x0], $0xffff  }
0x34: {  	v34 =	vld.idx.msk [tilespmem:v23+s18+$0x0], $0xffff  }
0x35: {  	v35 =	vld.idx.msk [tilespmem:v23+s19+$0x0], $0xffff  }
0x36: {  	v36 =	vld.idx.msk [tilespmem:v23+s20+$0x0], $0xffff  }
0x37: {  	v23 =	vld.idx.msk [tilespmem:v23+s21+$0x0], $0xffff  }
0x38: {  	v37 =	vld.idx.msk [tilespmem:v31+s1+$0x0], $0xffff  }
0x39: {  	v39 =	vperm.xlane v19, v6;
	v38 =	vld.idx.msk [tilespmem:v31+s15+$0x0], $0xffff  }
0x3a: {  	v40 =	vld.idx.msk [tilespmem:v31+s16+$0x0], $0xffff  }
0x3b: {  	v39 =	vadd.s32 v3, v39;
	v41 =	vld.idx.msk [tilespmem:v31+s17+$0x0], $0xffff  }
0x3c: {  	v42 =	vld.idx.msk [tilespmem:v31+s18+$0x0], $0xffff;
	v21 =	vadd.f32 $0.0e+00, v21;
	v22 =	vadd.f32 $0.0e+00, v22  }
0x3d: {  	v43 =	vld.idx.msk [tilespmem:v31+s19+$0x0], $0xffff;
	v24 =	vadd.f32 $0.0e+00, v24;
	v25 =	vadd.f32 $0.0e+00, v25  }
0x3e: {  	v44 =	vld.idx.msk [tilespmem:v31+s20+$0x0], $0xffff;
	v26 =	vadd.f32 $0.0e+00, v26;
	v27 =	vadd.f32 $0.0e+00, v27  }
0x3f: {  	v31 =	vld.idx.msk [tilespmem:v31+s21+$0x0], $0xffff;
	v28 =	vadd.f32 $0.0e+00, v28;
	v20 =	vadd.f32 $0.0e+00, v20  }
0x40: {  	v45 =	vld.idx.msk [tilespmem:v39+s1+$0x0], $0xffff;
	v29 =	vadd.f32 v29, v21;
	v30 =	vadd.f32 v30, v22  }
0x41: {  	v47 =	vperm.xlane v19, v7;
	v46 =	vld.idx.msk [tilespmem:v39+s15+$0x0], $0xffff;
	v32 =	vadd.f32 v32, v24;
	v33 =	vadd.f32 v33, v25  }
0x42: {  	v48 =	vld.idx.msk [tilespmem:v39+s16+$0x0], $0xffff;
	v34 =	vadd.f32 v34, v26;
	v35 =	vadd.f32 v35, v27  }
0x43: {  	v47 =	vadd.s32 v3, v47;
	v49 =	vld.idx.msk [tilespmem:v39+s17+$0x0], $0xffff;
	v36 =	vadd.f32 v36, v28;
	v23 =	vadd.f32 v23, v20  }
0x44: {  	v50 =	vld.idx.msk [tilespmem:v39+s18+$0x0], $0xffff;
	v21 =	vadd.f32 v29, v21;
	v22 =	vadd.f32 v30, v22  }
0x45: {  	v60 =	vld.idx.msk [tilespmem:v39+s19+$0x0], $0xffff;
	v24 =	vadd.f32 v32, v24;
	v29 =	vadd.f32 v37, v29  }
0x46: {  	v61 =	vld.idx.msk [tilespmem:v39+s20+$0x0], $0xffff;
	v25 =	vadd.f32 v33, v25;
	v30 =	vadd.f32 v38, v30  }
0x47: {  	v39 =	vld.idx.msk [tilespmem:v39+s21+$0x0], $0xffff;
	v26 =	vadd.f32 v34, v26;
	v27 =	vadd.f32 v35, v27  }
0x48: {  	v62 =	vld.idx.msk [tilespmem:v47+s1+$0x0], $0xffff;
	v32 =	vadd.f32 v40, v32;
	v33 =	vadd.f32 v41, v33  }
0x49: {  	v51 =	vperm.xlane v19, v8;
	v63 =	vld.idx.msk [tilespmem:v47+s15+$0x0], $0xffff;
	v34 =	vadd.f32 v42, v34;
	v35 =	vadd.f32 v43, v35  }
0x4a: {  	v52 =	vld.idx.msk [tilespmem:v47+s16+$0x0], $0xffff;
	v28 =	vadd.f32 v36, v28;
	v36 =	vadd.f32 v44, v36  }
0x4b: {  	v53 =	vld.idx.msk [tilespmem:v47+s18+$0x0], $0xffff;
	v42 =	vadd.s32 v3, v51;
	v20 =	vadd.f32 v23, v20;
	v23 =	vadd.f32 v31, v23  }
0x4c: {  	v54 =	vld.idx.msk [tilespmem:v47+s19+$0x0], $0xffff;
	v21 =	vadd.f32 v29, v21;
	v29 =	vadd.f32 v45, v29  }
0x4d: {  	v55 =	vld.idx.msk [tilespmem:v47+s20+$0x0], $0xffff;
	v22 =	vadd.f32 v30, v22;
	v30 =	vadd.f32 v46, v30  }
0x4e: {  	v44 =	vld.idx.msk [tilespmem:v47+s17+$0x0], $0xffff;
	v24 =	vadd.f32 v32, v24;
	v25 =	vadd.f32 v33, v25  }
0x4f: {  	v47 =	vld.idx.msk [tilespmem:v47+s21+$0x0], $0xffff;
	v26 =	vadd.f32 v34, v26;
	v32 =	vadd.f32 v48, v32  }
0x50: {  	v33 =	vadd.f32 v49, v33;
	v34 =	vadd.f32 v50, v34;
	v56 =	vld.idx.msk [tilespmem:v42+s1+$0x0], $0xffff  }
0x51: {  	v58 =	vperm.xlane v19, v9;
	v27 =	vadd.f32 v35, v27;
	v35 =	vadd.f32 v60, v35;
	v57 =	vld.idx.msk [tilespmem:v42+s15+$0x0], $0xffff  }
0x52: {  	v28 =	vadd.f32 v36, v28;
	v36 =	vadd.f32 v61, v36;
	v59 =	vld.idx.msk [tilespmem:v42+s16+$0x0], $0xffff  }
0x53: {  	v50 =	vadd.s32 v3, v58;
	v20 =	vadd.f32 v23, v20;
	v23 =	vadd.f32 v39, v23;
	v60 =	vld.idx.msk [tilespmem:v42+s17+$0x0], $0xffff  }
0x54: {  	v21 =	vadd.f32 v29, v21;
	v29 =	vadd.f32 v62, v29;
	v61 =	vld.idx.msk [tilespmem:v42+s18+$0x0], $0xffff  }
0x55: {  	v22 =	vadd.f32 v30, v22;
	v30 =	vadd.f32 v63, v30;
	v62 =	vld.idx.msk [tilespmem:v42+s19+$0x0], $0xffff  }
0x56: {  	v24 =	vadd.f32 v32, v24;
	v25 =	vadd.f32 v33, v25;
	v63 =	vld.idx.msk [tilespmem:v42+s20+$0x0], $0xffff  }
0x57: {  	v26 =	vadd.f32 v34, v26;
	v32 =	vadd.f32 v52, v32;
	v42 =	vld.idx.msk [tilespmem:v42+s21+$0x0], $0xffff  }
0x58: {  	v31 =	vadd.f32 v53, v34;
	v27 =	vadd.f32 v35, v27;
	v52 =	vld.idx.msk [tilespmem:v50+s1+$0x0], $0xffff  }
0x59: {  	v53 =	vperm.xlane v19, v10;
	v35 =	vadd.f32 v54, v35;
	v28 =	vadd.f32 v36, v28;
	v34 =	vld.idx.msk [tilespmem:v50+s15+$0x0], $0xffff  }
0x5a: {  	v36 =	vadd.f32 v55, v36;
	v20 =	vadd.f32 v23, v20;
	v54 =	vld.idx.msk [tilespmem:v50+s16+$0x0], $0xffff  }
0x5b: {  	v33 =	vadd.f32 v44, v33;
	v23 =	vadd.f32 v47, v23;
	v44 =	vadd.s32 v3, v53;
	v46 =	vld.idx.msk [tilespmem:v50+s17+$0x0], $0xffff  }
0x5c: {  	v21 =	vadd.f32 v29, v21;
	v22 =	vadd.f32 v30, v22;
	v55 =	vld.idx.msk [tilespmem:v50+s18+$0x0], $0xffff  }
0x5d: {  	v24 =	vadd.f32 v32, v24;
	v29 =	vadd.f32 v56, v29;
	v56 =	vld.idx.msk [tilespmem:v50+s19+$0x0], $0xffff  }
0x5e: {  	v26 =	vadd.f32 v31, v26;
	v30 =	vadd.f32 v57, v30;
	v57 =	vld.idx.msk [tilespmem:v50+s20+$0x0], $0xffff  }
0x5f: {  	v27 =	vadd.f32 v35, v27;
	v28 =	vadd.f32 v36, v28;
	v50 =	vld.idx.msk [tilespmem:v50+s21+$0x0], $0xffff  }
0x60: {  	v25 =	vadd.f32 v33, v25;
	v20 =	vadd.f32 v23, v20;
	v58 =	vld.idx.msk [tilespmem:v44+s1+$0x0], $0xffff  }
0x61: {  	v32 =	vadd.f32 v59, v32;
	v33 =	vadd.f32 v60, v33;
	v60 =	vperm.xlane v19, v1;
	v59 =	vld.idx.msk [tilespmem:v44+s15+$0x0], $0xffff  }
0x62: {  	v31 =	vadd.f32 v61, v31;
	v35 =	vadd.f32 v62, v35;
	v61 =	vld.idx.msk [tilespmem:v44+s16+$0x0], $0xffff  }
0x63: {  	v36 =	vadd.f32 v63, v36;
	v23 =	vadd.f32 v42, v23;
	v62 =	vld.idx.msk [tilespmem:v44+s17+$0x0], $0xffff;
	v39 =	vadd.s32 v3, v60  }
0x64: {  	v63 =	vld.idx.msk [tilespmem:v44+s18+$0x0], $0xffff;
	v21 =	vadd.f32 v29, v21;
	v29 =	vadd.f32 v52, v29  }
0x65: {  	v53 =	vld.idx.msk [tilespmem:v44+s20+$0x0], $0xffff;
	v22 =	vadd.f32 v30, v22;
	v30 =	vadd.f32 v34, v30  }
0x66: {  	v52 =	vld.idx.msk [tilespmem:v44+s19+$0x0], $0xffff;
	v24 =	vadd.f32 v32, v24;
	v25 =	vadd.f32 v33, v25  }
0x67: {  	v44 =	vld.idx.msk [tilespmem:v44+s21+$0x0], $0xffff;
	v26 =	vadd.f32 v31, v26;
	v32 =	vadd.f32 v54, v32  }
0x68: {  	v33 =	vadd.f32 v46, v33;
	v31 =	vadd.f32 v55, v31;
	v54 =	vld.idx.msk [tilespmem:v39+s1+$0x0], $0xffff  }
0x69: {  	v55 =	vperm.xlane v19, v11;
	v27 =	vadd.f32 v35, v27;
	v28 =	vadd.f32 v36, v28;
	v46 =	vld.idx.msk [tilespmem:v39+s15+$0x0], $0xffff  }
0x6a: {  	v20 =	vadd.f32 v23, v20;
	v35 =	vadd.f32 v56, v35;
	v56 =	vld.idx.msk [tilespmem:v39+s16+$0x0], $0xffff  }
0x6b: {  	v47 =	vadd.s32 v3, v55;
	v21 =	vadd.f32 v29, v21;
	v22 =	vadd.f32 v30, v22;
	v49 =	vld.idx.msk [tilespmem:v39+s17+$0x0], $0xffff  }
0x6c: {  	v24 =	vadd.f32 v32, v24;
	v36 =	vadd.f32 v57, v36;
	v57 =	vld.idx.msk [tilespmem:v39+s18+$0x0], $0xffff  }
0x6d: {  	v25 =	vadd.f32 v33, v25;
	v29 =	vadd.f32 v58, v29;
	v58 =	vld.idx.msk [tilespmem:v39+s19+$0x0], $0xffff  }
0x6e: {  	v26 =	vadd.f32 v31, v26;
	v30 =	vadd.f32 v59, v30;
	v59 =	vld.idx.msk [tilespmem:v39+s20+$0x0], $0xffff  }
0x6f: {  	v23 =	vadd.f32 v50, v23;
	v32 =	vadd.f32 v61, v32;
	v39 =	vld.idx.msk [tilespmem:v39+s21+$0x0], $0xffff  }
0x70: {  	v33 =	vadd.f32 v62, v33;
	v31 =	vadd.f32 v63, v31;
	v60 =	vld.idx.msk [tilespmem:v47+s1+$0x0], $0xffff  }
0x71: {  	v62 =	vperm.xlane v19, v12;
	v27 =	vadd.f32 v35, v27;
	v35 =	vadd.f32 v52, v35;
	v61 =	vld.idx.msk [tilespmem:v47+s15+$0x0], $0xffff  }
0x72: {  	v28 =	vadd.f32 v36, v28;
	v34 =	vadd.f32 v53, v36;
	v63 =	vld.idx.msk [tilespmem:v47+s16+$0x0], $0xffff  }
0x73: {  	v20 =	vadd.f32 v23, v20;
	v23 =	vadd.f32 v44, v23;
	v42 =	vadd.s32 v3, v62;
	v52 =	vld.idx.msk [tilespmem:v47+s17+$0x0], $0xffff  }
0x74: {  	v21 =	vadd.f32 v29, v21;
	v22 =	vadd.f32 v30, v22;
	v53 =	vld.idx.msk [tilespmem:v47+s18+$0x0], $0xffff  }
0x75: {  	v24 =	vadd.f32 v32, v24;
	v25 =	vadd.f32 v33, v25;
	v55 =	vld.idx.msk [tilespmem:v47+s20+$0x0], $0xffff  }
0x76: {  	v26 =	vadd.f32 v31, v26;
	v29 =	vadd.f32 v54, v29;
	v54 =	vld.idx.msk [tilespmem:v47+s19+$0x0], $0xffff  }
0x77: {  	v27 =	vadd.f32 v35, v27;
	v28 =	vadd.f32 v34, v28;
	v47 =	vld.idx.msk [tilespmem:v47+s21+$0x0], $0xffff  }
0x78: {  	v20 =	vadd.f32 v23, v20;
	v32 =	vadd.f32 v56, v32;
	v56 =	vld.idx.msk [tilespmem:v42+s1+$0x0], $0xffff  }
0x79: {  	v33 =	vadd.f32 v49, v33;
	v31 =	vadd.f32 v57, v31;
	v57 =	vperm.xlane v19, v13;
	v49 =	vld.idx.msk [tilespmem:v42+s15+$0x0], $0xffff  }
0x7a: {  	v30 =	vadd.f32 v46, v30;
	v35 =	vadd.f32 v58, v35;
	v58 =	vld.idx.msk [tilespmem:v42+s16+$0x0], $0xffff  }
0x7b: {  	v34 =	vadd.f32 v59, v34;
	v23 =	vadd.f32 v39, v23;
	v38 =	vld.idx.msk [tilespmem:v42+s17+$0x0], $0xffff;
	v50 =	vadd.s32 v3, v57  }
0x7c: {  	v59 =	vld.idx.msk [tilespmem:v42+s18+$0x0], $0xffff;
	v21 =	vadd.f32 v29, v21;
	v29 =	vadd.f32 v60, v29  }
0x7d: {  	v60 =	vld.idx.msk [tilespmem:v42+s19+$0x0], $0xffff;
	v22 =	vadd.f32 v30, v22;
	v30 =	vadd.f32 v61, v30  }
0x7e: {  	v61 =	vld.idx.msk [tilespmem:v42+s20+$0x0], $0xffff;
	v24 =	vadd.f32 v32, v24;
	v25 =	vadd.f32 v33, v25  }
0x7f: {  	v42 =	vld.idx.msk [tilespmem:v42+s21+$0x0], $0xffff;
	v26 =	vadd.f32 v31, v26;
	v32 =	vadd.f32 v63, v32  }
0x80: {  	v33 =	vadd.f32 v52, v33;
	v31 =	vadd.f32 v53, v31;
	v62 =	vld.idx.msk [tilespmem:v50+s1+$0x0], $0xffff  }
0x81: {  	v52 =	vperm.xlane v19, v14;
	v27 =	vadd.f32 v35, v27;
	v28 =	vadd.f32 v34, v28;
	v63 =	vld.idx.msk [tilespmem:v50+s15+$0x0], $0xffff  }
0x82: {  	v34 =	vadd.f32 v55, v34;
	v20 =	vadd.f32 v23, v20;
	v53 =	vld.idx.msk [tilespmem:v50+s16+$0x0], $0xffff  }
0x83: {  	v44 =	vadd.s32 v3, v52;
	v21 =	vadd.f32 v29, v21;
	v35 =	vadd.f32 v54, v35;
	v54 =	vld.idx.msk [tilespmem:v50+s17+$0x0], $0xffff  }
0x84: {  	v22 =	vadd.f32 v30, v22;
	v24 =	vadd.f32 v32, v24;
	v55 =	vld.idx.msk [tilespmem:v50+s18+$0x0], $0xffff  }
0x85: {  	v25 =	vadd.f32 v33, v25;
	v29 =	vadd.f32 v56, v29;
	v56 =	vld.idx.msk [tilespmem:v50+s19+$0x0], $0xffff  }
0x86: {  	v26 =	vadd.f32 v31, v26;
	v28 =	vadd.f32 v34, v28;
	v57 =	vld.idx.msk [tilespmem:v50+s20+$0x0], $0xffff  }
0x87: {  	v23 =	vadd.f32 v47, v23;
	v30 =	vadd.f32 v49, v30;
	v50 =	vld.idx.msk [tilespmem:v50+s21+$0x0], $0xffff  }
0x88: {  	v32 =	vadd.f32 v58, v32;
	v33 =	vadd.f32 v38, v33;
	v58 =	vld.idx.msk [tilespmem:v44+s1+$0x0], $0xffff  }
0x89: {  	v31 =	vadd.f32 v59, v31;
	v59 =	vperm.xlane v19, v15;
	v27 =	vadd.f32 v35, v27;
	v38 =	vld.idx.msk [tilespmem:v44+s15+$0x0], $0xffff  }
0x8a: {  	v35 =	vadd.f32 v60, v35;
	v34 =	vadd.f32 v61, v34;
	v40 =	vld.idx.msk [tilespmem:v44+s16+$0x0], $0xffff  }
0x8b: {  	v20 =	vadd.f32 v23, v20;
	v23 =	vadd.f32 v42, v23;
	v39 =	vadd.s32 v3, v59;
	v60 =	vld.idx.msk [tilespmem:v44+s17+$0x0], $0xffff  }
0x8c: {  	v21 =	vadd.f32 v29, v21;
	v22 =	vadd.f32 v30, v22;
	v61 =	vld.idx.msk [tilespmem:v44+s18+$0x0], $0xffff  }
0x8d: {  	v24 =	vadd.f32 v32, v24;
	v29 =	vadd.f32 v62, v29;
	v62 =	vld.idx.msk [tilespmem:v44+s19+$0x0], $0xffff  }
0x8e: {  	v25 =	vadd.f32 v33, v25;
	v30 =	vadd.f32 v63, v30;
	v63 =	vld.idx.msk [tilespmem:v44+s20+$0x0], $0xffff  }
0x8f: {  	v26 =	vadd.f32 v31, v26;
	v27 =	vadd.f32 v35, v27;
	v44 =	vld.idx.msk [tilespmem:v44+s21+$0x0], $0xffff  }
0x90: {  	v18 =	vshll.u32 v18, $0x7;
	v28 =	vadd.f32 v34, v28;
	v20 =	vadd.f32 v23, v20;
	v52 =	vld.idx.msk [tilespmem:v39+s1+$0x0], $0xffff  }
0x91: {  	v51 =	vperm.xlane v18, v4;
	v32 =	vadd.f32 v53, v32;
	v33 =	vadd.f32 v54, v33;
	v53 =	vld.idx.msk [tilespmem:v39+s15+$0x0], $0xffff  }
0x92: {  	v31 =	vadd.f32 v55, v31;
	v54 =	vperm.xlane v19, v16;
	v35 =	vadd.f32 v56, v35;
	v55 =	vld.idx.msk [tilespmem:v39+s16+$0x0], $0xffff  }
0x93: {  	v43 =	vadd.s32 v3, v51;
	v34 =	vadd.f32 v57, v34;
	v23 =	vadd.f32 v50, v23;
	v56 =	vld.idx.msk [tilespmem:v39+s17+$0x0], $0xffff  }
0x94: {  	v57 =	vld.idx.msk [tilespmem:v39+s18+$0x0], $0xffff;
	v47 =	vadd.s32 v3, v54;
	v21 =	vadd.f32 v29, v21;
	v29 =	vadd.f32 v58, v29  }
0x95: {  	v59 =	vld.idx.msk [tilespmem:v39+s20+$0x0], $0xffff;
	v22 =	vadd.f32 v30, v22;
	v30 =	vadd.f32 v38, v30  }
0x96: {  	v58 =	vld.idx.msk [tilespmem:v39+s19+$0x0], $0xffff;
	v24 =	vadd.f32 v32, v24;
	v32 =	vadd.f32 v40, v32  }
0x97: {  	v39 =	vld.idx.msk [tilespmem:v39+s21+$0x0], $0xffff;
	v25 =	vadd.f32 v33, v25;
	v33 =	vadd.f32 v60, v33  }
0x98: {  	v26 =	vadd.f32 v31, v26;
	v31 =	vadd.f32 v61, v31;
	v38 =	vld.idx.msk [tilespmem:v43+s15+$0x0], $0xffff  }
0x99: {  	v27 =	vadd.f32 v35, v27;
	v28 =	vadd.f32 v34, v28;
	v60 =	vld.idx.msk [tilespmem:v47+s1+$0x0], $0xffff  }
0x9a: {  	v19 =	vperm.xlane v19, v17;
	v20 =	vadd.f32 v23, v20;
	v21 =	vadd.f32 v29, v21;
	v61 =	vld.idx.msk [tilespmem:v47+s15+$0x0], $0xffff  }
0x9b: {  	v22 =	vadd.f32 v30, v22;
	v35 =	vadd.f32 v62, v35;
	v62 =	vld.idx.msk [tilespmem:v47+s16+$0x0], $0xffff  }
0x9c: {  	v19 =	vadd.s32 v3, v19;
	v24 =	vadd.f32 v32, v24;
	v25 =	vadd.f32 v33, v25;
	v36 =	vld.idx.msk [tilespmem:v47+s17+$0x0], $0xffff  }
0x9d: {  	v26 =	vadd.f32 v31, v26;
	v34 =	vadd.f32 v63, v34;
	v63 =	vld.idx.msk [tilespmem:v47+s18+$0x0], $0xffff  }
0x9e: {  	v23 =	vadd.f32 v44, v23;
	v29 =	vadd.f32 v52, v29;
	v52 =	vld.idx.msk [tilespmem:v47+s19+$0x0], $0xffff  }
0x9f: {  	v30 =	vadd.f32 v53, v30;
	v32 =	vadd.f32 v55, v32;
	v53 =	vld.idx.msk [tilespmem:v47+s20+$0x0], $0xffff  }
0xa0: {  	v33 =	vadd.f32 v56, v33;
	v31 =	vadd.f32 v57, v31;
	v54 =	vld.idx.msk [tilespmem:v47+s21+$0x0], $0xffff  }
0xa1: {  	v55 =	vld.idx.msk [tilespmem:v19+s1+$0x0], $0xffff;
	v27 =	vadd.f32 v35, v27;
	v35 =	vadd.f32 v58, v35  }
0xa2: {  	v56 =	vperm.xlane v18, v2;
	v48 =	vld.idx.msk [tilespmem:v19+s15+$0x0], $0xffff;
	v28 =	vadd.f32 v34, v28;
	v34 =	vadd.f32 v59, v34  }
0xa3: {  	v57 =	vld.idx.msk [tilespmem:v19+s16+$0x0], $0xffff;
	v20 =	vadd.f32 v23, v20;
	v23 =	vadd.f32 v39, v23  }
0xa4: {  	v58 =	vld.idx.msk [tilespmem:v19+s17+$0x0], $0xffff;
	v49 =	vadd.s32 v3, v56;
	v21 =	vadd.f32 v29, v21;
	v22 =	vadd.f32 v30, v22  }
0xa5: {  	v59 =	vld.idx.msk [tilespmem:v19+s18+$0x0], $0xffff;
	v24 =	vadd.f32 v32, v24;
	v25 =	vadd.f32 v33, v25  }
0xa6: {  	v26 =	vadd.f32 v31, v26;
	v29 =	vadd.f32 v60, v29;
	v60 =	vld.idx.msk [tilespmem:v19+s19+$0x0], $0xffff  }
0xa7: {  	v27 =	vadd.f32 v35, v27;
	v30 =	vadd.f32 v61, v30;
	v61 =	vld.idx.msk [tilespmem:v19+s20+$0x0], $0xffff  }
0xa8: {  	v28 =	vadd.f32 v34, v28;
	v20 =	vadd.f32 v23, v20;
	v19 =	vld.idx.msk [tilespmem:v19+s21+$0x0], $0xffff  }
0xa9: {  	v32 =	vadd.f32 v62, v32;
	v33 =	vadd.f32 v36, v33;
	v62 =	vld.idx.msk [tilespmem:v49+s1+$0x0], $0xffff  }
0xaa: {  	v31 =	vadd.f32 v63, v31;
	v35 =	vadd.f32 v52, v35;
	v63 =	vld.idx.msk [tilespmem:v49+s15+$0x0], $0xffff  }
0xab: {  	v34 =	vadd.f32 v53, v34;
	v23 =	vadd.f32 v54, v23;
	v52 =	vld.idx.msk [tilespmem:v49+s16+$0x0], $0xffff  }
0xac: {  	v53 =	vld.idx.msk [tilespmem:v49+s17+$0x0], $0xffff;
	v21 =	vadd.f32 v29, v21;
	v29 =	vadd.f32 v55, v29  }
0xad: {  	v54 =	vld.idx.msk [tilespmem:v49+s18+$0x0], $0xffff;
	v22 =	vadd.f32 v30, v22;
	v30 =	vadd.f32 v48, v30  }
0xae: {  	v56 =	vld.idx.msk [tilespmem:v49+s20+$0x0], $0xffff;
	v24 =	vadd.f32 v32, v24;
	v25 =	vadd.f32 v33, v25  }
0xaf: {  	v55 =	vld.idx.msk [tilespmem:v49+s19+$0x0], $0xffff;
	v26 =	vadd.f32 v31, v26;
	v32 =	vadd.f32 v57, v32  }
0xb0: {  	v49 =	vld.idx.msk [tilespmem:v49+s21+$0x0], $0xffff;
	v33 =	vadd.f32 v58, v33;
	v31 =	vadd.f32 v59, v31  }
0xb1: {  	v57 =	vld.idx.msk [tilespmem:v43+s1+$0x0], $0xffff;
	v58 =	vperm.xlane v18, v5;
	v27 =	vadd.f32 v35, v27;
	v28 =	vadd.f32 v34, v28  }
0xb2: {  	v59 =	vld.idx.msk [tilespmem:v43+s16+$0x0], $0xffff;
	v20 =	vadd.f32 v23, v20;
	v21 =	vadd.f32 v29, v21  }
0xb3: {  	v39 =	vadd.s32 v3, v58;
	v22 =	vadd.f32 v30, v22;
	v35 =	vadd.f32 v60, v35;
	v60 =	vld.idx.msk [tilespmem:v43+s17+$0x0], $0xffff  }
0xb4: {  	v24 =	vadd.f32 v32, v24;
	v34 =	vadd.f32 v61, v34;
	v61 =	vld.idx.msk [tilespmem:v43+s18+$0x0], $0xffff  }
0xb5: {  	v25 =	vadd.f32 v33, v25;
	v29 =	vadd.f32 v62, v29;
	v62 =	vld.idx.msk [tilespmem:v43+s19+$0x0], $0xffff  }
0xb6: {  	v26 =	vadd.f32 v31, v26;
	v30 =	vadd.f32 v63, v30;
	v63 =	vld.idx.msk [tilespmem:v43+s20+$0x0], $0xffff  }
0xb7: {  	v19 =	vadd.f32 v19, v23;
	v43 =	vld.idx.msk [tilespmem:v43+s21+$0x0], $0xffff;
	v32 =	vadd.f32 v52, v32  }
0xb8: {  	v33 =	vadd.f32 v53, v33;
	v31 =	vadd.f32 v54, v31;
	v52 =	vld.idx.msk [tilespmem:v39+s1+$0x0], $0xffff  }
0xb9: {  	v53 =	vperm.xlane v18, v6;
	v27 =	vadd.f32 v35, v27;
	v35 =	vadd.f32 v55, v35;
	v45 =	vld.idx.msk [tilespmem:v39+s15+$0x0], $0xffff  }
0xba: {  	v28 =	vadd.f32 v34, v28;
	v34 =	vadd.f32 v56, v34;
	v54 =	vld.idx.msk [tilespmem:v39+s16+$0x0], $0xffff  }
0xbb: {  	v20 =	vadd.f32 v19, v20;
	v19 =	vadd.f32 v49, v19;
	v46 =	vadd.s32 v3, v53;
	v55 =	vld.idx.msk [tilespmem:v39+s17+$0x0], $0xffff  }
0xbc: {  	v21 =	vadd.f32 v29, v21;
	v29 =	vadd.f32 v57, v29;
	v56 =	vld.idx.msk [tilespmem:v39+s18+$0x0], $0xffff  }
0xbd: {  	v22 =	vadd.f32 v30, v22;
	v30 =	vadd.f32 v38, v30;
	v57 =	vld.idx.msk [tilespmem:v39+s19+$0x0], $0xffff  }
0xbe: {  	v24 =	vadd.f32 v32, v24;
	v25 =	vadd.f32 v33, v25;
	v58 =	vld.idx.msk [tilespmem:v39+s20+$0x0], $0xffff  }
0xbf: {  	v26 =	vadd.f32 v31, v26;
	v32 =	vadd.f32 v59, v32;
	v39 =	vld.idx.msk [tilespmem:v39+s21+$0x0], $0xffff  }
0xc0: {  	v27 =	vadd.f32 v35, v27;
	v28 =	vadd.f32 v34, v28;
	v59 =	vld.idx.msk [tilespmem:v46+s1+$0x0], $0xffff  }
0xc1: {  	v33 =	vadd.f32 v60, v33;
	v23 =	vadd.f32 v61, v31;
	v60 =	vperm.xlane v18, v7;
	v31 =	vld.idx.msk [tilespmem:v46+s15+$0x0], $0xffff  }
0xc2: {  	v20 =	vadd.f32 v19, v20;
	v21 =	vadd.f32 v29, v21;
	v61 =	vld.idx.msk [tilespmem:v46+s16+$0x0], $0xffff  }
0xc3: {  	v22 =	vadd.f32 v30, v22;
	v35 =	vadd.f32 v62, v35;
	v41 =	vadd.s32 v3, v60;
	v62 =	vld.idx.msk [tilespmem:v46+s17+$0x0], $0xffff  }
0xc4: {  	v24 =	vadd.f32 v32, v24;
	v34 =	vadd.f32 v63, v34;
	v63 =	vld.idx.msk [tilespmem:v46+s18+$0x0], $0xffff  }
0xc5: {  	v19 =	vadd.f32 v43, v19;
	v25 =	vadd.f32 v33, v25;
	v53 =	vld.idx.msk [tilespmem:v46+s20+$0x0], $0xffff  }
0xc6: {  	v26 =	vadd.f32 v23, v26;
	v29 =	vadd.f32 v52, v29;
	v52 =	vld.idx.msk [tilespmem:v46+s19+$0x0], $0xffff  }
0xc7: {  	v27 =	vadd.f32 v35, v27;
	v28 =	vadd.f32 v34, v28;
	v46 =	vld.idx.msk [tilespmem:v46+s21+$0x0], $0xffff  }
0xc8: {  	v20 =	vadd.f32 v19, v20;
	v32 =	vadd.f32 v54, v32;
	v54 =	vld.idx.msk [tilespmem:v41+s1+$0x0], $0xffff  }
0xc9: {  	v30 =	vadd.f32 v45, v30;
	v33 =	vadd.f32 v55, v33;
	v55 =	vperm.xlane v18, v8;
	v48 =	vld.idx.msk [tilespmem:v41+s15+$0x0], $0xffff  }
0xca: {  	v23 =	vadd.f32 v56, v23;
	v35 =	vadd.f32 v57, v35;
	v56 =	vld.idx.msk [tilespmem:v41+s16+$0x0], $0xffff  }
0xcb: {  	v34 =	vadd.f32 v58, v34;
	v19 =	vadd.f32 v39, v19;
	v49 =	vadd.s32 v3, v55;
	v57 =	vld.idx.msk [tilespmem:v41+s17+$0x0], $0xffff  }
0xcc: {  	v21 =	vadd.f32 v29, v21;
	v22 =	vadd.f32 v30, v22;
	v58 =	vld.idx.msk [tilespmem:v41+s18+$0x0], $0xffff  }
0xcd: {  	v24 =	vadd.f32 v32, v24;
	v25 =	vadd.f32 v33, v25;
	v60 =	vld.idx.msk [tilespmem:v41+s20+$0x0], $0xffff  }
0xce: {  	v26 =	vadd.f32 v23, v26;
	v29 =	vadd.f32 v59, v29;
	v59 =	vld.idx.msk [tilespmem:v41+s19+$0x0], $0xffff  }
0xcf: {  	v27 =	vadd.f32 v35, v27;
	v28 =	vadd.f32 v34, v28;
	v41 =	vld.idx.msk [tilespmem:v41+s21+$0x0], $0xffff  }
0xd0: {  	v20 =	vadd.f32 v19, v20;
	v32 =	vadd.f32 v61, v32;
	v61 =	vld.idx.msk [tilespmem:v49+s1+$0x0], $0xffff  }
0xd1: {  	v30 =	vadd.f32 v31, v30;
	v33 =	vadd.f32 v62, v33;
	v62 =	vperm.xlane v18, v9;
	v36 =	vld.idx.msk [tilespmem:v49+s15+$0x0], $0xffff  }
0xd2: {  	v23 =	vadd.f32 v63, v23;
	v34 =	vadd.f32 v53, v34;
	v63 =	vld.idx.msk [tilespmem:v49+s16+$0x0], $0xffff  }
0xd3: {  	v35 =	vadd.f32 v52, v35;
	v19 =	vadd.f32 v46, v19;
	v43 =	vadd.s32 v3, v62;
	v52 =	vld.idx.msk [tilespmem:v49+s17+$0x0], $0xffff  }
0xd4: {  	v21 =	vadd.f32 v29, v21;
	v22 =	vadd.f32 v30, v22;
	v53 =	vld.idx.msk [tilespmem:v49+s18+$0x0], $0xffff  }
0xd5: {  	v24 =	vadd.f32 v32, v24;
	v25 =	vadd.f32 v33, v25;
	v55 =	vld.idx.msk [tilespmem:v49+s20+$0x0], $0xffff  }
0xd6: {  	v26 =	vadd.f32 v23, v26;
	v29 =	vadd.f32 v54, v29;
	v54 =	vld.idx.msk [tilespmem:v49+s19+$0x0], $0xffff  }
0xd7: {  	v28 =	vadd.f32 v34, v28;
	v27 =	vadd.f32 v35, v27;
	v49 =	vld.idx.msk [tilespmem:v49+s21+$0x0], $0xffff  }
0xd8: {  	v20 =	vadd.f32 v19, v20;
	v32 =	vadd.f32 v56, v32;
	v56 =	vld.idx.msk [tilespmem:v43+s1+$0x0], $0xffff  }
0xd9: {  	v30 =	vadd.f32 v48, v30;
	v33 =	vadd.f32 v57, v33;
	v57 =	vperm.xlane v18, v10;
	v38 =	vld.idx.msk [tilespmem:v43+s15+$0x0], $0xffff  }
0xda: {  	v23 =	vadd.f32 v58, v23;
	v31 =	vadd.f32 v60, v34;
	v58 =	vld.idx.msk [tilespmem:v43+s16+$0x0], $0xffff  }
0xdb: {  	v35 =	vadd.f32 v59, v35;
	v19 =	vadd.f32 v41, v19;
	v39 =	vadd.s32 v3, v57;
	v59 =	vld.idx.msk [tilespmem:v43+s17+$0x0], $0xffff  }
0xdc: {  	v21 =	vadd.f32 v29, v21;
	v22 =	vadd.f32 v30, v22;
	v60 =	vld.idx.msk [tilespmem:v43+s18+$0x0], $0xffff  }
0xdd: {  	v24 =	vadd.f32 v32, v24;
	v25 =	vadd.f32 v33, v25;
	v62 =	vld.idx.msk [tilespmem:v43+s20+$0x0], $0xffff  }
0xde: {  	v26 =	vadd.f32 v23, v26;
	v29 =	vadd.f32 v61, v29;
	v61 =	vld.idx.msk [tilespmem:v43+s19+$0x0], $0xffff  }
0xdf: {  	v28 =	vadd.f32 v31, v28;
	v27 =	vadd.f32 v35, v27;
	v43 =	vld.idx.msk [tilespmem:v43+s21+$0x0], $0xffff  }
0xe0: {  	v20 =	vadd.f32 v19, v20;
	v32 =	vadd.f32 v63, v32;
	v63 =	vld.idx.msk [tilespmem:v39+s1+$0x0], $0xffff  }
0xe1: {  	v30 =	vadd.f32 v36, v30;
	v33 =	vadd.f32 v52, v33;
	v52 =	vperm.xlane v18, v1;
	v45 =	vld.idx.msk [tilespmem:v39+s15+$0x0], $0xffff  }
0xe2: {  	v23 =	vadd.f32 v53, v23;
	v31 =	vadd.f32 v55, v31;
	v53 =	vld.idx.msk [tilespmem:v39+s16+$0x0], $0xffff  }
0xe3: {  	v35 =	vadd.f32 v54, v35;
	v19 =	vadd.f32 v49, v19;
	v46 =	vadd.s32 v3, v52;
	v54 =	vld.idx.msk [tilespmem:v39+s17+$0x0], $0xffff  }
0xe4: {  	v21 =	vadd.f32 v29, v21;
	v22 =	vadd.f32 v30, v22;
	v55 =	vld.idx.msk [tilespmem:v39+s18+$0x0], $0xffff  }
0xe5: {  	v24 =	vadd.f32 v32, v24;
	v25 =	vadd.f32 v33, v25;
	v57 =	vld.idx.msk [tilespmem:v39+s20+$0x0], $0xffff  }
0xe6: {  	v26 =	vadd.f32 v23, v26;
	v29 =	vadd.f32 v56, v29;
	v56 =	vld.idx.msk [tilespmem:v39+s19+$0x0], $0xffff  }
0xe7: {  	v28 =	vadd.f32 v31, v28;
	v27 =	vadd.f32 v35, v27;
	v39 =	vld.idx.msk [tilespmem:v39+s21+$0x0], $0xffff  }
0xe8: {  	v20 =	vadd.f32 v19, v20;
	v32 =	vadd.f32 v58, v32;
	v58 =	vld.idx.msk [tilespmem:v46+s1+$0x0], $0xffff  }
0xe9: {  	v30 =	vadd.f32 v38, v30;
	v33 =	vadd.f32 v59, v33;
	v59 =	vperm.xlane v18, v11;
	v34 =	vld.idx.msk [tilespmem:v46+s15+$0x0], $0xffff  }
0xea: {  	v23 =	vadd.f32 v60, v23;
	v31 =	vadd.f32 v62, v31;
	v60 =	vld.idx.msk [tilespmem:v46+s16+$0x0], $0xffff  }
0xeb: {  	v35 =	vadd.f32 v61, v35;
	v19 =	vadd.f32 v43, v19;
	v41 =	vadd.s32 v3, v59;
	v61 =	vld.idx.msk [tilespmem:v46+s17+$0x0], $0xffff  }
0xec: {  	v21 =	vadd.f32 v29, v21;
	v22 =	vadd.f32 v30, v22;
	v62 =	vld.idx.msk [tilespmem:v46+s18+$0x0], $0xffff  }
0xed: {  	v24 =	vadd.f32 v32, v24;
	v25 =	vadd.f32 v33, v25;
	v52 =	vld.idx.msk [tilespmem:v46+s20+$0x0], $0xffff  }
0xee: {  	v26 =	vadd.f32 v23, v26;
	v29 =	vadd.f32 v63, v29;
	v63 =	vld.idx.msk [tilespmem:v46+s19+$0x0], $0xffff  }
0xef: {  	v28 =	vadd.f32 v31, v28;
	v27 =	vadd.f32 v35, v27;
	v46 =	vld.idx.msk [tilespmem:v46+s21+$0x0], $0xffff  }
0xf0: {  	v20 =	vadd.f32 v19, v20;
	v32 =	vadd.f32 v53, v32;
	v53 =	vld.idx.msk [tilespmem:v41+s1+$0x0], $0xffff  }
0xf1: {  	v30 =	vadd.f32 v45, v30;
	v33 =	vadd.f32 v54, v33;
	v54 =	vperm.xlane v18, v12;
	v48 =	vld.idx.msk [tilespmem:v41+s15+$0x0], $0xffff  }
0xf2: {  	v23 =	vadd.f32 v55, v23;
	v31 =	vadd.f32 v57, v31;
	v55 =	vld.idx.msk [tilespmem:v41+s16+$0x0], $0xffff  }
0xf3: {  	v35 =	vadd.f32 v56, v35;
	v19 =	vadd.f32 v39, v19;
	v49 =	vadd.s32 v3, v54;
	v56 =	vld.idx.msk [tilespmem:v41+s17+$0x0], $0xffff  }
0xf4: {  	v21 =	vadd.f32 v29, v21;
	v22 =	vadd.f32 v30, v22;
	v57 =	vld.idx.msk [tilespmem:v41+s18+$0x0], $0xffff  }
0xf5: {  	v24 =	vadd.f32 v32, v24;
	v25 =	vadd.f32 v33, v25;
	v59 =	vld.idx.msk [tilespmem:v41+s20+$0x0], $0xffff  }
0xf6: {  	v26 =	vadd.f32 v23, v26;
	v29 =	vadd.f32 v58, v29;
	v58 =	vld.idx.msk [tilespmem:v41+s19+$0x0], $0xffff  }
0xf7: {  	v28 =	vadd.f32 v31, v28;
	v27 =	vadd.f32 v35, v27;
	v41 =	vld.idx.msk [tilespmem:v41+s21+$0x0], $0xffff  }
0xf8: {  	v20 =	vadd.f32 v19, v20;
	v32 =	vadd.f32 v60, v32;
	v60 =	vld.idx.msk [tilespmem:v49+s1+$0x0], $0xffff  }
0xf9: {  	v30 =	vadd.f32 v34, v30;
	v33 =	vadd.f32 v61, v33;
	v61 =	vperm.xlane v18, v13;
	v36 =	vld.idx.msk [tilespmem:v49+s15+$0x0], $0xffff  }
0xfa: {  	v23 =	vadd.f32 v62, v23;
	v31 =	vadd.f32 v52, v31;
	v62 =	vld.idx.msk [tilespmem:v49+s16+$0x0], $0xffff  }
0xfb: {  	v35 =	vadd.f32 v63, v35;
	v19 =	vadd.f32 v46, v19;
	v43 =	vadd.s32 v3, v61;
	v63 =	vld.idx.msk [tilespmem:v49+s17+$0x0], $0xffff  }
0xfc: {  	v21 =	vadd.f32 v29, v21;
	v22 =	vadd.f32 v30, v22;
	v52 =	vld.idx.msk [tilespmem:v49+s18+$0x0], $0xffff  }
0xfd: {  	v24 =	vadd.f32 v32, v24;
	v25 =	vadd.f32 v33, v25;
	v54 =	vld.idx.msk [tilespmem:v49+s20+$0x0], $0xffff  }
0xfe: {  	v26 =	vadd.f32 v23, v26;
	v29 =	vadd.f32 v53, v29;
	v53 =	vld.idx.msk [tilespmem:v49+s19+$0x0], $0xffff  }
0xff: {  	v28 =	vadd.f32 v31, v28;
	v27 =	vadd.f32 v35, v27;
	v49 =	vld.idx.msk [tilespmem:v49+s21+$0x0], $0xffff  }
0x100: {  	v20 =	vadd.f32 v19, v20;
	v32 =	vadd.f32 v55, v32;
	v55 =	vld.idx.msk [tilespmem:v43+s1+$0x0], $0xffff  }
0x101: {  	v30 =	vadd.f32 v48, v30;
	v33 =	vadd.f32 v56, v33;
	v56 =	vperm.xlane v18, v14;
	v38 =	vld.idx.msk [tilespmem:v43+s15+$0x0], $0xffff  }
0x102: {  	v23 =	vadd.f32 v57, v23;
	v31 =	vadd.f32 v59, v31;
	v57 =	vld.idx.msk [tilespmem:v43+s16+$0x0], $0xffff  }
0x103: {  	v35 =	vadd.f32 v58, v35;
	v19 =	vadd.f32 v41, v19;
	v39 =	vadd.s32 v3, v56;
	v58 =	vld.idx.msk [tilespmem:v43+s17+$0x0], $0xffff  }
0x104: {  	v21 =	vadd.f32 v29, v21;
	v22 =	vadd.f32 v30, v22;
	v59 =	vld.idx.msk [tilespmem:v43+s18+$0x0], $0xffff  }
0x105: {  	v24 =	vadd.f32 v32, v24;
	v25 =	vadd.f32 v33, v25;
	v61 =	vld.idx.msk [tilespmem:v43+s20+$0x0], $0xffff  }
0x106: {  	v26 =	vadd.f32 v23, v26;
	v29 =	vadd.f32 v60, v29;
	v60 =	vld.idx.msk [tilespmem:v43+s19+$0x0], $0xffff  }
0x107: {  	v28 =	vadd.f32 v31, v28;
	v27 =	vadd.f32 v35, v27;
	v43 =	vld.idx.msk [tilespmem:v43+s21+$0x0], $0xffff  }
0x108: {  	v20 =	vadd.f32 v19, v20;
	v32 =	vadd.f32 v62, v32;
	v62 =	vld.idx.msk [tilespmem:v39+s1+$0x0], $0xffff  }
0x109: {  	v30 =	vadd.f32 v36, v30;
	v33 =	vadd.f32 v63, v33;
	v63 =	vperm.xlane v18, v15;
	v45 =	vld.idx.msk [tilespmem:v39+s15+$0x0], $0xffff  }
0x10a: {  	v23 =	vadd.f32 v52, v23;
	v31 =	vadd.f32 v54, v31;
	v52 =	vld.idx.msk [tilespmem:v39+s16+$0x0], $0xffff  }
0x10b: {  	v35 =	vadd.f32 v53, v35;
	v19 =	vadd.f32 v49, v19;
	v46 =	vadd.s32 v3, v63;
	v53 =	vld.idx.msk [tilespmem:v39+s17+$0x0], $0xffff  }
0x10c: {  	v21 =	vadd.f32 v29, v21;
	v22 =	vadd.f32 v30, v22;
	v54 =	vld.idx.msk [tilespmem:v39+s18+$0x0], $0xffff  }
0x10d: {  	v24 =	vadd.f32 v32, v24;
	v25 =	vadd.f32 v33, v25;
	v56 =	vld.idx.msk [tilespmem:v39+s20+$0x0], $0xffff  }
0x10e: {  	v26 =	vadd.f32 v23, v26;
	v29 =	vadd.f32 v55, v29;
	v55 =	vld.idx.msk [tilespmem:v39+s19+$0x0], $0xffff  }
0x10f: {  	v28 =	vadd.f32 v31, v28;
	v27 =	vadd.f32 v35, v27;
	v39 =	vld.idx.msk [tilespmem:v39+s21+$0x0], $0xffff  }
0x110: {  	v20 =	vadd.f32 v19, v20;
	v32 =	vadd.f32 v57, v32;
	v57 =	vld.idx.msk [tilespmem:v46+s1+$0x0], $0xffff  }
0x111: {  	v30 =	vadd.f32 v38, v30;
	v33 =	vadd.f32 v58, v33;
	v58 =	vperm.xlane v18, v16;
	v34 =	vld.idx.msk [tilespmem:v46+s15+$0x0], $0xffff  }
0x112: {  	v23 =	vadd.f32 v59, v23;
	v31 =	vadd.f32 v61, v31;
	v59 =	vld.idx.msk [tilespmem:v46+s16+$0x0], $0xffff  }
0x113: {  	v35 =	vadd.f32 v60, v35;
	v19 =	vadd.f32 v43, v19;
	v41 =	vadd.s32 v3, v58;
	v60 =	vld.idx.msk [tilespmem:v46+s17+$0x0], $0xffff  }
0x114: {  	v21 =	vadd.f32 v29, v21;
	v22 =	vadd.f32 v30, v22;
	v61 =	vld.idx.msk [tilespmem:v46+s18+$0x0], $0xffff  }
0x115: {  	v24 =	vadd.f32 v32, v24;
	v25 =	vadd.f32 v33, v25;
	v63 =	vld.idx.msk [tilespmem:v46+s20+$0x0], $0xffff  }
0x116: {  	v26 =	vadd.f32 v23, v26;
	v29 =	vadd.f32 v62, v29;
	v62 =	vld.idx.msk [tilespmem:v46+s19+$0x0], $0xffff  }
0x117: {  	v18 =	vperm.xlane v18, v17;
	v28 =	vadd.f32 v31, v28;
	v27 =	vadd.f32 v35, v27;
	v46 =	vld.idx.msk [tilespmem:v46+s21+$0x0], $0xffff  }
0x118: {  	v20 =	vadd.f32 v19, v20;
	v32 =	vadd.f32 v52, v32;
	v52 =	vld.idx.msk [tilespmem:v41+s1+$0x0], $0xffff  }
0x119: {  	v18 =	vadd.s32 v3, v18;
	v30 =	vadd.f32 v45, v30;
	v33 =	vadd.f32 v53, v33;
	v53 =	vld.idx.msk [tilespmem:v41+s15+$0x0], $0xffff  }
0x11a: {  	v23 =	vadd.f32 v54, v23;
	v31 =	vadd.f32 v56, v31;
	v54 =	vld.idx.msk [tilespmem:v41+s16+$0x0], $0xffff  }
0x11b: {  	v35 =	vadd.f32 v55, v35;
	v19 =	vadd.f32 v39, v19;
	v55 =	vld.idx.msk [tilespmem:v41+s17+$0x0], $0xffff  }
0x11c: {  	v21 =	vadd.f32 v29, v21;
	v22 =	vadd.f32 v30, v22;
	v56 =	vld.idx.msk [tilespmem:v41+s18+$0x0], $0xffff  }
0x11d: {  	v24 =	vadd.f32 v32, v24;
	v25 =	vadd.f32 v33, v25;
	v58 =	vld.idx.msk [tilespmem:v41+s20+$0x0], $0xffff  }
0x11e: {  	v26 =	vadd.f32 v23, v26;
	v28 =	vadd.f32 v31, v28;
	v48 =	vld.idx.msk [tilespmem:v18+s19+$0x0], $0xffff  }
0x11f: {  	v27 =	vadd.f32 v35, v27;
	v49 =	vld.idx.msk [tilespmem:v18+s20+$0x0], $0xffff;
	v29 =	vadd.f32 v57, v29  }
0x120: {  	v30 =	vadd.f32 v34, v30;
	v32 =	vadd.f32 v59, v32;
	v59 =	vld.idx.msk [tilespmem:v18+s1+$0x0], $0xffff  }
0x121: {  	v57 =	vld.idx.msk [tilespmem:v41+s19+$0x0], $0xffff;
	v33 =	vadd.f32 v60, v33;
	v23 =	vadd.f32 v61, v23  }
0x122: {  	v60 =	vld.idx.msk [tilespmem:v18+s15+$0x0], $0xffff;
	v31 =	vadd.f32 v63, v31;
	v35 =	vadd.f32 v62, v35  }
0x123: {  	v41 =	vld.idx.msk [tilespmem:v41+s21+$0x0], $0xffff;
	v21 =	vadd.f32 v29, v21;
	v29 =	vadd.f32 v52, v29  }
0x124: {  	v61 =	vld.idx.msk [tilespmem:v18+s16+$0x0], $0xffff;
	v22 =	vadd.f32 v30, v22;
	v30 =	vadd.f32 v53, v30  }
0x125: {  	v63 =	vld.idx.msk [tilespmem:v18+s18+$0x0], $0xffff;
	v21 =	vadd.f32 v29, v21;
	v29 =	vadd.f32 v59, v29  }
0x126: {  	s30 =	sshra.s32 s28, $0x2;
	v62 =	vld.idx.msk [tilespmem:v18+s17+$0x0], $0xffff;
	v24 =	vadd.f32 v32, v24;
	v32 =	vadd.f32 v54, v32  }
0x127: {  	v18 =	vld.idx.msk [tilespmem:v18+s21+$0x0], $0xffff;
	v22 =	vadd.f32 v30, v22;
	v30 =	vadd.f32 v60, v30;
	[tilespmem:s30+$0x2800] =	vst v29  }
0x128: {  	v20 =	vadd.f32 v19, v20;
	v25 =	vadd.f32 v33, v25;
	[tilespmem:s30+$0x4800] =	vst v21  }
0x129: {  	v50 =	vadd.f32 v55, v33;
	v52 =	vadd.f32 v61, v32;
	[tilespmem:s30+$0x2810] =	vst v30  }
0x12a: {  	v26 =	vadd.f32 v23, v26;
	v51 =	vadd.f32 v32, v24;
	[tilespmem:s30+$0x4810] =	vst v22  }
0x12b: {  	v23 =	vadd.f32 v56, v23;
	v53 =	vadd.f32 v62, v50;
	[tilespmem:s30+$0x2820] =	vst v52  }
0x12c: {  	v19 =	vadd.f32 v46, v19;
	v25 =	vadd.f32 v50, v25;
	[tilespmem:s30+$0x4820] =	vst v51  }
0x12d: {  	v58 =	vadd.f32 v58, v31;
	v56 =	vadd.f32 v63, v23;
	[tilespmem:s30+$0x2830] =	vst v53  }
0x12e: {  	v55 =	vadd.f32 v57, v35;
	v57 =	vadd.f32 v23, v26;
	[tilespmem:s30+$0x4830] =	vst v25  }
0x12f: {  	v54 =	vadd.f32 v35, v27;
	v62 =	vadd.f32 v49, v58;
	[tilespmem:s30+$0x2840] =	vst v56  }
0x130: {  	v60 =	vadd.f32 v31, v28;
	v59 =	vadd.f32 v48, v55;
	[tilespmem:s30+$0x4840] =	vst v57  }
0x131: {  	p0 =	sne.s32 s28, $0x7E00;
	v61 =	vadd.f32 v41, v19;
	v21 =	vadd.f32 v55, v54;
	[tilespmem:s30+$0x2860] =	vst v62  }
.Ltmp0:
0x132: {  	v19 =	vadd.f32 v19, v20;
	v63 =	vadd.f32 v58, v60;
	[tilespmem:s30+$0x2850] =	vst v59;
	(pc) =	sbr.rel @p0 .LBB2_3-.Ltmp0, $4  }
0x133: {  	v18 =	vadd.f32 v18, v61;
	[tilespmem:s30+$0x4850] =	vst v21  }
0x134: {  	v19 =	vadd.f32 v61, v19;
	[tilespmem:s30+$0x4860] =	vst v63  }
0x135: {  	[tilespmem:s30+$0x2870] =	vst v18  }
0x136: {  	s28 =	sadd.s32 $0x200, s28;
	s29 =	sadd.s32 $0x20, s29;
	[tilespmem:s30+$0x4870] =	vst v19  }
0x137: {  	s28 =	sadd.s32 s5, s26  }
0x138: {  	[hbm4b:s28+s11] =	stream.strided.scatter [tilespmem:s22], [sflag:$0x1], $0x2000, s12, s11, $0x38;
	[tilespmem:$0x6800] =	vst v63  }
0x139: {  	s25 =	sadd.s32 $0x1, s25;
	_ =	swait.ge [sflag:s13], $0x2000  }
0x13a: {  	p0 =	sne.s32 s25, $0x4;
	[sflag:s13] =	ssyncset.done $0x0  }
.Ltmp1:
0x13b: {  	s31 =	sadd.s32 s6, s26;
	[sflag:s13] =	ssyncadd.s32 $0xFFFFE000;
	(pc) =	sbr.rel @p0 .LBB2_2-.Ltmp1, $4  }
0x13c: {  	[hbm4b:s31+s11] =	stream.strided.scatter [tilespmem:s23], [sflag:$0x1], $0x2000, s12, s11, $0x38;
	[tilespmem:$0x6800] =	vst v63  }
0x13d: {  	_ =	swait.ge [sflag:s13], $0x2000  }
0x13e: {  	[sflag:s13] =	ssyncset.done $0x0  }
0x13f: {  	[sflag:s13] =	ssyncadd.s32 $0xFFFFE000  }
0x140: {  	s24 =	sadd.s32 $0x1, s24  }
0x141: {  	p0 =	sne.s32 s24, s10  }
.Ltmp2:
0x142: {  	_ = 	snop;
	(pc) =	sbr.rel @p0 .LBB2_1-.Ltmp2, $1  }
0x143: {  	_ =	sdelay $0x3  }
0x144: {  	_ =	sfence.sel $0x180000  }
0x145: {  	[bflag:$0x0] =	sbarrier.arrive $0xFFFF  }
0x146: {  	p0 =	sne.s32 s3, $0x0;
	_ =	strace $0x90000047  }
0x147: {  	s0 =	sadd.s32 @!p0 $0x100000, s0;
	[bflag:$0x2] =	sbarrier.arrive $0xFFFF  }
0x148: {  	[sflag:s0] =	ssyncadd.tile.s32 @!p0 $0x1;
	_ =	shalt  }
.Lfunc_end2:
_tile_overlayer_lowered:
.L_overlay_start_2:
0x149: {  	(tag) =	ssettag $0x2  }
0x14a: {  	s0 =	rddreg [dreg:$0x0];
	s2 =	stileid.u32  }
0x14b: {  	s1 =	rddreg [dreg:$0x1];
	p0 =	sne.s32 s2, $0x0  }
0x14c: {  	s3 =	rddreg [dreg:$0x2];
	[bflag:$0x3] =	sbarrier.arrive $0xFFFF;
	s2 =	simm.s32 @!p0 $0x1C01  }
0x14d: {  	[timem:s3], [sflag:s2] =	dma.local @!p0 [hbm:s0], s1  }
0x14e: {  	s0 =	simm.s32 @!p0 $0x1  }
0x14f: {  	_ =	swait.ge @!p0 [sflag:s0], s1  }
0x150: {  	s1 =	ssub.s32 @!p0 $0x0, s1;
	[sflag:s0] =	ssyncset.done @!p0 $0x0  }
0x151: {  	[sflag:s0] =	ssyncadd.s32 @!p0 s1  }
0x152: {  	[bflag:$0x3] =	sbarrier.arrive $0xFFFF  }
0x153: {  	_ =	shalt  }

</sc_bundles>
